<compile_context>
chip_gen: v7x
topology: tpu7x:2x2x1
jax: 0.10.2.dev20260603
libtpu: 0.0.44.dev20260713+nightly
codegen_flags: <defaults>
</compile_context>

<pallas_src>
import functools

import jax
import jax.numpy as jnp
from jax import lax
from jax.experimental import pallas as pl
from jax.experimental.pallas import tpu as pltpu
from jax.experimental.pallas import tpu_sc as plsc

D_MODEL = 64
DPAD = 128
SCALE = float(D_MODEL) ** 0.5

NC = 2
NS = 16
NW = NC * NS

S0 = 4096
S1 = 200
B = S0 * S1
G = 128
NG = B // G
GPW = NG // NW
RING = 8
DEPTH = 6
BLOCKS = GPW // RING


def _emb_body(x2d, table, out, idx_all, rows, gsem, ssem):
    wid = lax.axis_index("s") * NC + lax.axis_index("c")
    g0 = wid * GPW
    pltpu.sync_copy(x2d.at[pl.ds(g0, GPW)], idx_all)

    def gather_desc(g, s):
        return pltpu.make_async_copy(
            table.at[idx_all.at[g]], rows.at[pl.ds(s * G, G)], gsem.at[s]
        )

    def store_desc(g, s):
        return pltpu.make_async_copy(
            rows.at[pl.ds(s * G, G)],
            out.at[pl.ds((g0 + g) * G, G), pl.ds(0, D_MODEL)],
            ssem.at[s],
        )

    for g in range(DEPTH):
        gather_desc(g, g % RING).start()

    def blk_body(blk, carry):
        for b in range(RING):
            g = blk * RING + b
            h = g + DEPTH
            hs = (b + DEPTH) % RING

            @pl.when(h < GPW)
            def _fire():
                @pl.when(h >= RING)
                def _drain():
                    store_desc(h - RING, hs).wait()

                gather_desc(h, hs).start()

            gather_desc(g, b).wait()
            base = b * G

            def scale_row(i, c, _base=base):
                r = _base + i
                for j4 in range(D_MODEL // 16):
                    sl = (r, pl.ds(j4 * 16, 16))
                    rows[sl] = rows[sl] * SCALE
                return c

            lax.fori_loop(0, G, scale_row, 0, unroll=4)
            store_desc(g, b).start()
        return carry

    lax.fori_loop(0, BLOCKS, blk_body, 0)

    for b in range(RING):
        store_desc(GPW - RING + b, b).wait()


@functools.partial(jax.jit, static_argnames=())
def _emb_call(x2d, table):
    mesh = plsc.VectorSubcoreMesh(core_axis_name="c", subcore_axis_name="s")
    return pl.kernel(
        _emb_body,
        mesh=mesh,
        out_type=jax.ShapeDtypeStruct((B, DPAD), jnp.float32),
        scratch_types=[
            pltpu.VMEM((GPW, G), jnp.int32),
            pltpu.VMEM((RING * G, D_MODEL), jnp.float32),
            pltpu.SemaphoreType.DMA((RING,)),
            pltpu.SemaphoreType.DMA((RING,)),
        ],
        compiler_params=pltpu.CompilerParams(
            use_tc_tiling_on_sc=False, needs_layout_passes=False
        ),
    )(x2d, table)


def kernel(x, table):
    x2d = x.reshape(NG, G).astype(jnp.int32)
    out = _emb_call(x2d, table)
    return out[:, :D_MODEL].reshape(S0, S1, D_MODEL)

# --- scband reference (transcript-rebuilt; emitter-appended) ---
"""Pipeline reference for scband-input-embedding-24893630447702 (READ-ONLY COPY).

The authoritative reference and input builder live on the scoring server;
editing this copy changes nothing except your own understanding.
"""

import jax, jax.numpy as jnp
import numpy as np

D_MODEL = 64
VOCAB = 1000000

def setup_inputs(seed: int = 0) -> dict:
    key = jax.random.key(seed)
    k1, k2 = jax.random.split(key)
    x = jax.random.randint(k1, (4096, 200), 0, VOCAB, dtype=jnp.int64)
    table = jax.random.normal(k2, (VOCAB, D_MODEL), dtype=jnp.float32)
    return {"x": x, "table": table}

def reference(x, table):
    root_d_model = float(D_MODEL) ** 0.5
    emb = jnp.take(table, x, axis=0)
    return emb * root_d_model

if __name__ == "__main__":
    import jax
    _d = setup_inputs()
    print(jax.jit(kernel)(*tuple(_d.values())))

</pallas_src>

<mosaic_0001>
#map = affine_map<(d0, d1) -> (0, 0)>
module attributes {stable_mosaic.version = 14 : i64} {
  func.func @_emb_body(%arg0: i32, %arg1: i32, %arg2: memref<6400x128xi32, #tpu.memory_space<hbm>>, %arg3: memref<1000000x64xf32, #tpu.memory_space<hbm>>, %arg4: memref<819200x128xf32, #tpu.memory_space<hbm>>, %arg5: memref<200x128xi32, #tpu.memory_space<vmem>>, %arg6: memref<1024x64xf32, #tpu.memory_space<vmem>>, %arg7: memref<8x!tpu.dma_semaphore, #tpu.memory_space<semaphore_mem>>, %arg8: memref<8x!tpu.dma_semaphore, #tpu.memory_space<semaphore_mem>>) attributes {dimension_semantics = [#tpu.dimension_semantics<core_parallel>, #tpu.dimension_semantics<subcore_parallel>], iteration_bounds = array<i64: 2, 16>, scalar_prefetch = 0 : i64, scratch_operands = 4 : i64, tpu.core_type = #tpu.core_type<sc_vector_subcore>, window_params = [{transform_indices = #map}, {transform_indices = #map}, {transform_indices = #map}]} {
    %mul3A = arith.constant 2 : i32
    %mul3A_0 = arith.muli %arg1, %mul3A : i32
    %add3A = arith.addi %mul3A_0, %arg0 : i32
    %mul3A_1 = arith.constant 200 : i32
    %mul3A_2 = arith.muli %add3A, %mul3A_1 : i32
    "tpu.region"() ({
      %run_scoped3A = tpu.sem_alloc : memref<!tpu.dma_semaphore, #tpu.memory_space<semaphore_mem>>
      %dma_start3A_220 = arith.constant 0 : i32
      %dma_start3A_221 = tpu.memref_slice %arg2[%mul3A_2, %dma_start3A_220] : memref<6400x128xi32, #tpu.memory_space<hbm>> -> memref<200x128xi32, #tpu.memory_space<hbm>>
      %dma_start3A_222 = arith.constant 0 : i32
      %dma_start3A_223 = tpu.memref_slice %arg2[%mul3A_2, %dma_start3A_222] : memref<6400x128xi32, #tpu.memory_space<hbm>> -> memref<200x128xi32, #tpu.memory_space<hbm>>
      tpu.enqueue_dma source(%dma_start3A_223 : memref<200x128xi32, #tpu.memory_space<hbm>>) target(%arg5 : memref<200x128xi32, #tpu.memory_space<vmem>>) target_semaphore(%run_scoped3A : memref<!tpu.dma_semaphore, #tpu.memory_space<semaphore_mem>>)
      %dma_wait3A_224 = arith.constant 0 : i32
      %dma_wait3A_225 = tpu.memref_slice %arg2[%mul3A_2, %dma_wait3A_224] : memref<6400x128xi32, #tpu.memory_space<hbm>> -> memref<200x128xi32, #tpu.memory_space<hbm>>
      %dma_wait3A_226 = arith.constant 0 : i32
      %dma_wait3A_227 = tpu.memref_slice %arg2[%mul3A_2, %dma_wait3A_226] : memref<6400x128xi32, #tpu.memory_space<hbm>> -> memref<200x128xi32, #tpu.memory_space<hbm>>
      tpu.wait_dma2 semaphore(%run_scoped3A : memref<!tpu.dma_semaphore, #tpu.memory_space<semaphore_mem>>) src(%dma_wait3A_227 : memref<200x128xi32, #tpu.memory_space<hbm>>) dst(%arg5 : memref<200x128xi32, #tpu.memory_space<vmem>>)
      tpu.yield
    }) : () -> ()
    %dma_start3A = arith.constant 0 : i32
    %dma_start3A_3 = arith.constant 0 : i32
    %dma_start3A_4 = arith.constant 0 : i32
    %dma_start3A_5 = arith.constant 0 : i32
    %dma_start3A_6 = tpu.memref_slice %arg6[%dma_start3A_4, %dma_start3A_5] : memref<1024x64xf32, #tpu.memory_space<vmem>> -> memref<128x64xf32, #tpu.memory_space<vmem>>
    %dma_start3A_7 = arith.constant 0 : i32
    %dma_start3A_8 = tpu.memref_slice %arg5[%dma_start3A, %dma_start3A_7] : memref<200x128xi32, #tpu.memory_space<vmem>> -> memref<1x128xi32, #tpu.memory_space<vmem>>
    %dma_start3A_9 = tpu.memref_squeeze %dma_start3A_8 : memref<1x128xi32, #tpu.memory_space<vmem>> -> memref<128xi32, #tpu.memory_space<vmem>>
    %dma_start3A_10 = arith.constant 0 : i32
    %dma_start3A_11 = arith.constant 0 : i32
    %dma_start3A_12 = tpu.memref_slice %arg3[%dma_start3A_10, %dma_start3A_11] : memref<1000000x64xf32, #tpu.memory_space<hbm>> -> memref<1000000x64xf32, #tpu.memory_space<hbm>>
    %dma_start3A_13 = tpu.memref_slice %arg7[%dma_start3A_3] : memref<8x!tpu.dma_semaphore, #tpu.memory_space<semaphore_mem>> -> memref<1x!tpu.dma_semaphore, #tpu.memory_space<semaphore_mem>>
    %dma_start3A_14 = tpu.memref_squeeze %dma_start3A_13 : memref<1x!tpu.dma_semaphore, #tpu.memory_space<semaphore_mem>> -> memref<!tpu.dma_semaphore, #tpu.memory_space<semaphore_mem>>
    tpu.enqueue_indirect_dma source(%dma_start3A_12 : memref<1000000x64xf32, #tpu.memory_space<hbm>>) target(%dma_start3A_6 : memref<128x64xf32, #tpu.memory_space<vmem>>) offsets(%dma_start3A_9 : memref<128xi32, #tpu.memory_space<vmem>>) semaphore(%dma_start3A_14 : memref<!tpu.dma_semaphore, #tpu.memory_space<semaphore_mem>>)
    %dma_start3A_15 = arith.constant 1 : i32
    %dma_start3A_16 = arith.constant 1 : i32
    %dma_start3A_17 = arith.constant 128 : i32
    %dma_start3A_18 = arith.constant 0 : i32
    %dma_start3A_19 = tpu.memref_slice %arg6[%dma_start3A_17, %dma_start3A_18] : memref<1024x64xf32, #tpu.memory_space<vmem>> -> memref<128x64xf32, #tpu.memory_space<vmem>>
    %dma_start3A_20 = arith.constant 0 : i32
    %dma_start3A_21 = tpu.memref_slice %arg5[%dma_start3A_15, %dma_start3A_20] : memref<200x128xi32, #tpu.memory_space<vmem>> -> memref<1x128xi32, #tpu.memory_space<vmem>>
    %dma_start3A_22 = tpu.memref_squeeze %dma_start3A_21 : memref<1x128xi32, #tpu.memory_space<vmem>> -> memref<128xi32, #tpu.memory_space<vmem>>
    %dma_start3A_23 = arith.constant 0 : i32
    %dma_start3A_24 = arith.constant 0 : i32
    %dma_start3A_25 = tpu.memref_slice %arg3[%dma_start3A_23, %dma_start3A_24] : memref<1000000x64xf32, #tpu.memory_space<hbm>> -> memref<1000000x64xf32, #tpu.memory_space<hbm>>
    %dma_start3A_26 = tpu.memref_slice %arg7[%dma_start3A_16] : memref<8x!tpu.dma_semaphore, #tpu.memory_space<semaphore_mem>> -> memref<1x!tpu.dma_semaphore, #tpu.memory_space<semaphore_mem>>
    %dma_start3A_27 = tpu.memref_squeeze %dma_start3A_26 : memref<1x!tpu.dma_semaphore, #tpu.memory_space<semaphore_mem>> -> memref<!tpu.dma_semaphore, #tpu.memory_space<semaphore_mem>>
    tpu.enqueue_indirect_dma source(%dma_start3A_25 : memref<1000000x64xf32, #tpu.memory_space<hbm>>) target(%dma_start3A_19 : memref<128x64xf32, #tpu.memory_space<vmem>>) offsets(%dma_start3A_22 : memref<128xi32, #tpu.memory_space<vmem>>) semaphore(%dma_start3A_27 : memref<!tpu.dma_semaphore, #tpu.memory_space<semaphore_mem>>)
    %dma_start3A_28 = arith.constant 2 : i32
    %dma_start3A_29 = arith.constant 2 : i32
    %dma_start3A_30 = arith.constant 256 : i32
    %dma_start3A_31 = arith.constant 0 : i32
    %dma_start3A_32 = tpu.memref_slice %arg6[%dma_start3A_30, %dma_start3A_31] : memref<1024x64xf32, #tpu.memory_space<vmem>> -> memref<128x64xf32, #tpu.memory_space<vmem>>
    %dma_start3A_33 = arith.constant 0 : i32
    %dma_start3A_34 = tpu.memref_slice %arg5[%dma_start3A_28, %dma_start3A_33] : memref<200x128xi32, #tpu.memory_space<vmem>> -> memref<1x128xi32, #tpu.memory_space<vmem>>
    %dma_start3A_35 = tpu.memref_squeeze %dma_start3A_34 : memref<1x128xi32, #tpu.memory_space<vmem>> -> memref<128xi32, #tpu.memory_space<vmem>>
    %dma_start3A_36 = arith.constant 0 : i32
    %dma_start3A_37 = arith.constant 0 : i32
    %dma_start3A_38 = tpu.memref_slice %arg3[%dma_start3A_36, %dma_start3A_37] : memref<1000000x64xf32, #tpu.memory_space<hbm>> -> memref<1000000x64xf32, #tpu.memory_space<hbm>>
    %dma_start3A_39 = tpu.memref_slice %arg7[%dma_start3A_29] : memref<8x!tpu.dma_semaphore, #tpu.memory_space<semaphore_mem>> -> memref<1x!tpu.dma_semaphore, #tpu.memory_space<semaphore_mem>>
    %dma_start3A_40 = tpu.memref_squeeze %dma_start3A_39 : memref<1x!tpu.dma_semaphore, #tpu.memory_space<semaphore_mem>> -> memref<!tpu.dma_semaphore, #tpu.memory_space<semaphore_mem>>
    tpu.enqueue_indirect_dma source(%dma_start3A_38 : memref<1000000x64xf32, #tpu.memory_space<hbm>>) target(%dma_start3A_32 : memref<128x64xf32, #tpu.memory_space<vmem>>) offsets(%dma_start3A_35 : memref<128xi32, #tpu.memory_space<vmem>>) semaphore(%dma_start3A_40 : memref<!tpu.dma_semaphore, #tpu.memory_space<semaphore_mem>>)
    %dma_start3A_41 = arith.constant 3 : i32
    %dma_start3A_42 = arith.constant 3 : i32
    %dma_start3A_43 = arith.constant 384 : i32
    %dma_start3A_44 = arith.constant 0 : i32
    %dma_start3A_45 = tpu.memref_slice %arg6[%dma_start3A_43, %dma_start3A_44] : memref<1024x64xf32, #tpu.memory_space<vmem>> -> memref<128x64xf32, #tpu.memory_space<vmem>>
    %dma_start3A_46 = arith.constant 0 : i32
    %dma_start3A_47 = tpu.memref_slice %arg5[%dma_start3A_41, %dma_start3A_46] : memref<200x128xi32, #tpu.memory_space<vmem>> -> memref<1x128xi32, #tpu.memory_space<vmem>>
    %dma_start3A_48 = tpu.memref_squeeze %dma_start3A_47 : memref<1x128xi32, #tpu.memory_space<vmem>> -> memref<128xi32, #tpu.memory_space<vmem>>
    %dma_start3A_49 = arith.constant 0 : i32
    %dma_start3A_50 = arith.constant 0 : i32
    %dma_start3A_51 = tpu.memref_slice %arg3[%dma_start3A_49, %dma_start3A_50] : memref<1000000x64xf32, #tpu.memory_space<hbm>> -> memref<1000000x64xf32, #tpu.memory_space<hbm>>
    %dma_start3A_52 = tpu.memref_slice %arg7[%dma_start3A_42] : memref<8x!tpu.dma_semaphore, #tpu.memory_space<semaphore_mem>> -> memref<1x!tpu.dma_semaphore, #tpu.memory_space<semaphore_mem>>
    %dma_start3A_53 = tpu.memref_squeeze %dma_start3A_52 : memref<1x!tpu.dma_semaphore, #tpu.memory_space<semaphore_mem>> -> memref<!tpu.dma_semaphore, #tpu.memory_space<semaphore_mem>>
    tpu.enqueue_indirect_dma source(%dma_start3A_51 : memref<1000000x64xf32, #tpu.memory_space<hbm>>) target(%dma_start3A_45 : memref<128x64xf32, #tpu.memory_space<vmem>>) offsets(%dma_start3A_48 : memref<128xi32, #tpu.memory_space<vmem>>) semaphore(%dma_start3A_53 : memref<!tpu.dma_semaphore, #tpu.memory_space<semaphore_mem>>)
    %dma_start3A_54 = arith.constant 4 : i32
    %dma_start3A_55 = arith.constant 4 : i32
    %dma_start3A_56 = arith.constant 512 : i32
    %dma_start3A_57 = arith.constant 0 : i32
    %dma_start3A_58 = tpu.memref_slice %arg6[%dma_start3A_56, %dma_start3A_57] : memref<1024x64xf32, #tpu.memory_space<vmem>> -> memref<128x64xf32, #tpu.memory_space<vmem>>
    %dma_start3A_59 = arith.constant 0 : i32
    %dma_start3A_60 = tpu.memref_slice %arg5[%dma_start3A_54, %dma_start3A_59] : memref<200x128xi32, #tpu.memory_space<vmem>> -> memref<1x128xi32, #tpu.memory_space<vmem>>
    %dma_start3A_61 = tpu.memref_squeeze %dma_start3A_60 : memref<1x128xi32, #tpu.memory_space<vmem>> -> memref<128xi32, #tpu.memory_space<vmem>>
    %dma_start3A_62 = arith.constant 0 : i32
    %dma_start3A_63 = arith.constant 0 : i32
    %dma_start3A_64 = tpu.memref_slice %arg3[%dma_start3A_62, %dma_start3A_63] : memref<1000000x64xf32, #tpu.memory_space<hbm>> -> memref<1000000x64xf32, #tpu.memory_space<hbm>>
    %dma_start3A_65 = tpu.memref_slice %arg7[%dma_start3A_55] : memref<8x!tpu.dma_semaphore, #tpu.memory_space<semaphore_mem>> -> memref<1x!tpu.dma_semaphore, #tpu.memory_space<semaphore_mem>>
    %dma_start3A_66 = tpu.memref_squeeze %dma_start3A_65 : memref<1x!tpu.dma_semaphore, #tpu.memory_space<semaphore_mem>> -> memref<!tpu.dma_semaphore, #tpu.memory_space<semaphore_mem>>
    tpu.enqueue_indirect_dma source(%dma_start3A_64 : memref<1000000x64xf32, #tpu.memory_space<hbm>>) target(%dma_start3A_58 : memref<128x64xf32, #tpu.memory_space<vmem>>) offsets(%dma_start3A_61 : memref<128xi32, #tpu.memory_space<vmem>>) semaphore(%dma_start3A_66 : memref<!tpu.dma_semaphore, #tpu.memory_space<semaphore_mem>>)
    %dma_start3A_67 = arith.constant 5 : i32
    %dma_start3A_68 = arith.constant 5 : i32
    %dma_start3A_69 = arith.constant 640 : i32
    %dma_start3A_70 = arith.constant 0 : i32
    %dma_start3A_71 = tpu.memref_slice %arg6[%dma_start3A_69, %dma_start3A_70] : memref<1024x64xf32, #tpu.memory_space<vmem>> -> memref<128x64xf32, #tpu.memory_space<vmem>>
    %dma_start3A_72 = arith.constant 0 : i32
    %dma_start3A_73 = tpu.memref_slice %arg5[%dma_start3A_67, %dma_start3A_72] : memref<200x128xi32, #tpu.memory_space<vmem>> -> memref<1x128xi32, #tpu.memory_space<vmem>>
    %dma_start3A_74 = tpu.memref_squeeze %dma_start3A_73 : memref<1x128xi32, #tpu.memory_space<vmem>> -> memref<128xi32, #tpu.memory_space<vmem>>
    %dma_start3A_75 = arith.constant 0 : i32
    %dma_start3A_76 = arith.constant 0 : i32
    %dma_start3A_77 = tpu.memref_slice %arg3[%dma_start3A_75, %dma_start3A_76] : memref<1000000x64xf32, #tpu.memory_space<hbm>> -> memref<1000000x64xf32, #tpu.memory_space<hbm>>
    %dma_start3A_78 = tpu.memref_slice %arg7[%dma_start3A_68] : memref<8x!tpu.dma_semaphore, #tpu.memory_space<semaphore_mem>> -> memref<1x!tpu.dma_semaphore, #tpu.memory_space<semaphore_mem>>
    %dma_start3A_79 = tpu.memref_squeeze %dma_start3A_78 : memref<1x!tpu.dma_semaphore, #tpu.memory_space<semaphore_mem>> -> memref<!tpu.dma_semaphore, #tpu.memory_space<semaphore_mem>>
    tpu.enqueue_indirect_dma source(%dma_start3A_77 : memref<1000000x64xf32, #tpu.memory_space<hbm>>) target(%dma_start3A_71 : memref<128x64xf32, #tpu.memory_space<vmem>>) offsets(%dma_start3A_74 : memref<128xi32, #tpu.memory_space<vmem>>) semaphore(%dma_start3A_79 : memref<!tpu.dma_semaphore, #tpu.memory_space<semaphore_mem>>)
    %scan3A = arith.constant 0 : i32
    %scan3A_80 = arith.constant 0 : i32
    %scan3A_81 = arith.constant 25 : i32
    %scan3A_82 = arith.addi %scan3A_80, %scan3A_81 : i32
    %scan3A_83 = arith.constant 1 : i32
    scf.for %scan3A_220 = %scan3A_80 to %scan3A_82 step %scan3A_83  : i32 {
      %mul3A_221 = arith.constant 8 : i32
      %mul3A_222 = arith.muli %scan3A_220, %mul3A_221 : i32
      %add3A_223 = arith.constant 0 : i32
      %add3A_224 = arith.addi %mul3A_222, %add3A_223 : i32
      %add3A_225 = arith.constant 6 : i32
      %add3A_226 = arith.addi %add3A_224, %add3A_225 : i32
      %lt3A = arith.constant 200 : i32
      %lt3A_227 = arith.cmpi slt, %add3A_226, %lt3A : i32
      %convert_element_type3A = arith.extui %lt3A_227 : i1 to i32
      %cond3A = arith.constant 0 : i32
      %cond3A_228 = arith.cmpi ne, %convert_element_type3A, %cond3A : i32
      scf.if %cond3A_228 {
        %ge3A = arith.constant 8 : i32
        %ge3A_578 = arith.cmpi sge, %add3A_226, %ge3A : i32
        %convert_element_type3A_579 = arith.extui %ge3A_578 : i1 to i32
        %cond3A_580 = arith.constant 0 : i32
        %cond3A_581 = arith.cmpi ne, %convert_element_type3A_579, %cond3A_580 : i32
        scf.if %cond3A_581 {
          %sub3A = arith.constant 8 : i32
          %sub3A_594 = arith.subi %add3A_226, %sub3A : i32
          %add3A_595 = arith.addi %mul3A_2, %sub3A_594 : i32
          %mul3A_596 = arith.constant 128 : i32
          %mul3A_597 = arith.muli %add3A_595, %mul3A_596 : i32
          %dma_wait3A_598 = arith.constant 6 : i32
          %dma_wait3A_599 = arith.constant 768 : i32
          %dma_wait3A_600 = arith.constant 0 : i32
          %dma_wait3A_601 = tpu.memref_slice %arg6[%dma_wait3A_599, %dma_wait3A_600] : memref<1024x64xf32, #tpu.memory_space<vmem>> -> memref<128x64xf32, #tpu.memory_space<vmem>>
          %dma_wait3A_602 = arith.constant 0 : i32
          %dma_wait3A_603 = tpu.memref_slice %arg4[%mul3A_597, %dma_wait3A_602] : memref<819200x128xf32, #tpu.memory_space<hbm>> -> memref<128x64xf32, #tpu.memory_space<hbm>>
          %dma_wait3A_604 = tpu.memref_slice %arg8[%dma_wait3A_598] : memref<8x!tpu.dma_semaphore, #tpu.memory_space<semaphore_mem>> -> memref<1x!tpu.dma_semaphore, #tpu.memory_space<semaphore_mem>>
          %dma_wait3A_605 = tpu.memref_squeeze %dma_wait3A_604 : memref<1x!tpu.dma_semaphore, #tpu.memory_space<semaphore_mem>> -> memref<!tpu.dma_semaphore, #tpu.memory_space<semaphore_mem>>
          %dma_wait3A_606 = arith.constant 0 : i32
          %dma_wait3A_607 = tpu.memref_slice %arg4[%mul3A_597, %dma_wait3A_606] : memref<819200x128xf32, #tpu.memory_space<hbm>> -> memref<128x64xf32, #tpu.memory_space<hbm>>
          %dma_wait3A_608 = arith.constant 768 : i32
          %dma_wait3A_609 = arith.constant 0 : i32
          %dma_wait3A_610 = tpu.memref_slice %arg6[%dma_wait3A_608, %dma_wait3A_609] : memref<1024x64xf32, #tpu.memory_space<vmem>> -> memref<128x64xf32, #tpu.memory_space<vmem>>
          tpu.wait_dma2 semaphore(%dma_wait3A_605 : memref<!tpu.dma_semaphore, #tpu.memory_space<semaphore_mem>>) src(%dma_wait3A_610 : memref<128x64xf32, #tpu.memory_space<vmem>>) dst(%dma_wait3A_607 : memref<128x64xf32, #tpu.memory_space<hbm>>)
        } else {
        }
        %dma_start3A_582 = arith.constant 6 : i32
        %dma_start3A_583 = arith.constant 768 : i32
        %dma_start3A_584 = arith.constant 0 : i32
        %dma_start3A_585 = tpu.memref_slice %arg6[%dma_start3A_583, %dma_start3A_584] : memref<1024x64xf32, #tpu.memory_space<vmem>> -> memref<128x64xf32, #tpu.memory_space<vmem>>
        %dma_start3A_586 = arith.constant 0 : i32
        %dma_start3A_587 = tpu.memref_slice %arg5[%add3A_226, %dma_start3A_586] : memref<200x128xi32, #tpu.memory_space<vmem>> -> memref<1x128xi32, #tpu.memory_space<vmem>>
        %dma_start3A_588 = tpu.memref_squeeze %dma_start3A_587 : memref<1x128xi32, #tpu.memory_space<vmem>> -> memref<128xi32, #tpu.memory_space<vmem>>
        %dma_start3A_589 = arith.constant 0 : i32
        %dma_start3A_590 = arith.constant 0 : i32
        %dma_start3A_591 = tpu.memref_slice %arg3[%dma_start3A_589, %dma_start3A_590] : memref<1000000x64xf32, #tpu.memory_space<hbm>> -> memref<1000000x64xf32, #tpu.memory_space<hbm>>
        %dma_start3A_592 = tpu.memref_slice %arg7[%dma_start3A_582] : memref<8x!tpu.dma_semaphore, #tpu.memory_space<semaphore_mem>> -> memref<1x!tpu.dma_semaphore, #tpu.memory_space<semaphore_mem>>
        %dma_start3A_593 = tpu.memref_squeeze %dma_start3A_592 : memref<1x!tpu.dma_semaphore, #tpu.memory_space<semaphore_mem>> -> memref<!tpu.dma_semaphore, #tpu.memory_space<semaphore_mem>>
        tpu.enqueue_indirect_dma source(%dma_start3A_591 : memref<1000000x64xf32, #tpu.memory_space<hbm>>) target(%dma_start3A_585 : memref<128x64xf32, #tpu.memory_space<vmem>>) offsets(%dma_start3A_588 : memref<128xi32, #tpu.memory_space<vmem>>) semaphore(%dma_start3A_593 : memref<!tpu.dma_semaphore, #tpu.memory_space<semaphore_mem>>)
      } else {
      }
      %dma_wait3A_229 = arith.constant 0 : i32
      %dma_wait3A_230 = arith.constant 0 : i32
      %dma_wait3A_231 = arith.constant 0 : i32
      %dma_wait3A_232 = tpu.memref_slice %arg6[%dma_wait3A_230, %dma_wait3A_231] : memref<1024x64xf32, #tpu.memory_space<vmem>> -> memref<128x64xf32, #tpu.memory_space<vmem>>
      %dma_wait3A_233 = arith.constant 0 : i32
      %dma_wait3A_234 = tpu.memref_slice %arg5[%add3A_224, %dma_wait3A_233] : memref<200x128xi32, #tpu.memory_space<vmem>> -> memref<1x128xi32, #tpu.memory_space<vmem>>
      %dma_wait3A_235 = tpu.memref_squeeze %dma_wait3A_234 : memref<1x128xi32, #tpu.memory_space<vmem>> -> memref<128xi32, #tpu.memory_space<vmem>>
      %dma_wait3A_236 = arith.constant 0 : i32
      %dma_wait3A_237 = arith.constant 0 : i32
      %dma_wait3A_238 = tpu.memref_slice %arg3[%dma_wait3A_236, %dma_wait3A_237] : memref<1000000x64xf32, #tpu.memory_space<hbm>> -> memref<1000000x64xf32, #tpu.memory_space<hbm>>
      %dma_wait3A_239 = tpu.memref_slice %arg7[%dma_wait3A_229] : memref<8x!tpu.dma_semaphore, #tpu.memory_space<semaphore_mem>> -> memref<1x!tpu.dma_semaphore, #tpu.memory_space<semaphore_mem>>
      %dma_wait3A_240 = tpu.memref_squeeze %dma_wait3A_239 : memref<1x!tpu.dma_semaphore, #tpu.memory_space<semaphore_mem>> -> memref<!tpu.dma_semaphore, #tpu.memory_space<semaphore_mem>>
      tpu.wait_indirect_dma semaphore(%dma_wait3A_240 : memref<!tpu.dma_semaphore, #tpu.memory_space<semaphore_mem>>) src(%dma_wait3A_238 : memref<1000000x64xf32, #tpu.memory_space<hbm>>) dst(%dma_wait3A_232 : memref<128x64xf32, #tpu.memory_space<vmem>>)
      %scan3A_241 = arith.constant 0 : i32
      %scan3A_242 = arith.constant 0 : i32
      %scan3A_243 = arith.constant 128 : i32
      %scan3A_244 = arith.addi %scan3A_242, %scan3A_243 : i32
      %scan3A_245 = arith.constant 4 : i32
      scf.for %scan3A_578 = %scan3A_242 to %scan3A_244 step %scan3A_245  : i32 {
        %add3A_579 = arith.constant 0 : i32
        %add3A_580 = arith.addi %add3A_579, %scan3A_578 : i32
        %get3A = arith.index_cast %add3A_580 : i32 to index
        %get3A_581 = arith.constant 0 : index
        %get3A_582 = tpu.vector_load %arg6[%get3A, %get3A_581] {strides = array<i32>} : memref<1024x64xf32, #tpu.memory_space<vmem>>, vector<16xf32>,
        %mul3A_583 = arith.constant 8.000000e+00 : f32
        %mul3A_584 = vector.broadcast %mul3A_583 : f32 to vector<16xf32>
        %mul3A_585 = arith.mulf %get3A_582, %mul3A_584 : vector<16xf32>
        %swap3A = arith.index_cast %add3A_580 : i32 to index
        %swap3A_586 = arith.constant 0 : index
        %swap3A_587 = tpu.vector_load %arg6[%swap3A, %swap3A_586] {strides = array<i32>} : memref<1024x64xf32, #tpu.memory_space<vmem>>, vector<16xf32>,
        tpu.vector_store %arg6[%swap3A, %swap3A_586], %mul3A_585 {strides = array<i32>} : memref<1024x64xf32, #tpu.memory_space<vmem>>, vector<16xf32>,
        %get3A_588 = arith.index_cast %add3A_580 : i32 to index
        %get3A_589 = arith.constant 16 : index
        %get3A_590 = tpu.vector_load %arg6[%get3A_588, %get3A_589] {strides = array<i32>} : memref<1024x64xf32, #tpu.memory_space<vmem>>, vector<16xf32>,
        %mul3A_591 = arith.constant 8.000000e+00 : f32
        %mul3A_592 = vector.broadcast %mul3A_591 : f32 to vector<16xf32>
        %mul3A_593 = arith.mulf %get3A_590, %mul3A_592 : vector<16xf32>
        %swap3A_594 = arith.index_cast %add3A_580 : i32 to index
        %swap3A_595 = arith.constant 16 : index
        %swap3A_596 = tpu.vector_load %arg6[%swap3A_594, %swap3A_595] {strides = array<i32>} : memref<1024x64xf32, #tpu.memory_space<vmem>>, vector<16xf32>,
        tpu.vector_store %arg6[%swap3A_594, %swap3A_595], %mul3A_593 {strides = array<i32>} : memref<1024x64xf32, #tpu.memory_space<vmem>>, vector<16xf32>,
        %get3A_597 = arith.index_cast %add3A_580 : i32 to index
        %get3A_598 = arith.constant 32 : index
        %get3A_599 = tpu.vector_load %arg6[%get3A_597, %get3A_598] {strides = array<i32>} : memref<1024x64xf32, #tpu.memory_space<vmem>>, vector<16xf32>,
        %mul3A_600 = arith.constant 8.000000e+00 : f32
        %mul3A_601 = vector.broadcast %mul3A_600 : f32 to vector<16xf32>
        %mul3A_602 = arith.mulf %get3A_599, %mul3A_601 : vector<16xf32>
        %swap3A_603 = arith.index_cast %add3A_580 : i32 to index
        %swap3A_604 = arith.constant 32 : index
        %swap3A_605 = tpu.vector_load %arg6[%swap3A_603, %swap3A_604] {strides = array<i32>} : memref<1024x64xf32, #tpu.memory_space<vmem>>, vector<16xf32>,
        tpu.vector_store %arg6[%swap3A_603, %swap3A_604], %mul3A_602 {strides = array<i32>} : memref<1024x64xf32, #tpu.memory_space<vmem>>, vector<16xf32>,
        %get3A_606 = arith.index_cast %add3A_580 : i32 to index
        %get3A_607 = arith.constant 48 : index
        %get3A_608 = tpu.vector_load %arg6[%get3A_606, %get3A_607] {strides = array<i32>} : memref<1024x64xf32, #tpu.memory_space<vmem>>, vector<16xf32>,
        %mul3A_609 = arith.constant 8.000000e+00 : f32
        %mul3A_610 = vector.broadcast %mul3A_609 : f32 to vector<16xf32>
        %mul3A_611 = arith.mulf %get3A_608, %mul3A_610 : vector<16xf32>
        %swap3A_612 = arith.index_cast %add3A_580 : i32 to index
        %swap3A_613 = arith.constant 48 : index
        %swap3A_614 = tpu.vector_load %arg6[%swap3A_612, %swap3A_613] {strides = array<i32>} : memref<1024x64xf32, #tpu.memory_space<vmem>>, vector<16xf32>,
        tpu.vector_store %arg6[%swap3A_612, %swap3A_613], %mul3A_611 {strides = array<i32>} : memref<1024x64xf32, #tpu.memory_space<vmem>>, vector<16xf32>,
        %scan3A_615 = arith.constant 1 : i32
        %scan3A_616 = arith.addi %scan3A_578, %scan3A_615 : i32
        %add3A_617 = arith.constant 0 : i32
        %add3A_618 = arith.addi %add3A_617, %scan3A_616 : i32
        %get3A_619 = arith.index_cast %add3A_618 : i32 to index
        %get3A_620 = arith.constant 0 : index
        %get3A_621 = tpu.vector_load %arg6[%get3A_619, %get3A_620] {strides = array<i32>} : memref<1024x64xf32, #tpu.memory_space<vmem>>, vector<16xf32>,
        %mul3A_622 = arith.constant 8.000000e+00 : f32
        %mul3A_623 = vector.broadcast %mul3A_622 : f32 to vector<16xf32>
        %mul3A_624 = arith.mulf %get3A_621, %mul3A_623 : vector<16xf32>
        %swap3A_625 = arith.index_cast %add3A_618 : i32 to index
        %swap3A_626 = arith.constant 0 : index
        %swap3A_627 = tpu.vector_load %arg6[%swap3A_625, %swap3A_626] {strides = array<i32>} : memref<1024x64xf32, #tpu.memory_space<vmem>>, vector<16xf32>,
        tpu.vector_store %arg6[%swap3A_625, %swap3A_626], %mul3A_624 {strides = array<i32>} : memref<1024x64xf32, #tpu.memory_space<vmem>>, vector<16xf32>,
        %get3A_628 = arith.index_cast %add3A_618 : i32 to index
        %get3A_629 = arith.constant 16 : index
        %get3A_630 = tpu.vector_load %arg6[%get3A_628, %get3A_629] {strides = array<i32>} : memref<1024x64xf32, #tpu.memory_space<vmem>>, vector<16xf32>,
        %mul3A_631 = arith.constant 8.000000e+00 : f32
        %mul3A_632 = vector.broadcast %mul3A_631 : f32 to vector<16xf32>
        %mul3A_633 = arith.mulf %get3A_630, %mul3A_632 : vector<16xf32>
        %swap3A_634 = arith.index_cast %add3A_618 : i32 to index
        %swap3A_635 = arith.constant 16 : index
        %swap3A_636 = tpu.vector_load %arg6[%swap3A_634, %swap3A_635] {strides = array<i32>} : memref<1024x64xf32, #tpu.memory_space<vmem>>, vector<16xf32>,
        tpu.vector_store %arg6[%swap3A_634, %swap3A_635], %mul3A_633 {strides = array<i32>} : memref<1024x64xf32, #tpu.memory_space<vmem>>, vector<16xf32>,
        %get3A_637 = arith.index_cast %add3A_618 : i32 to index
        %get3A_638 = arith.constant 32 : index
        %get3A_639 = tpu.vector_load %arg6[%get3A_637, %get3A_638] {strides = array<i32>} : memref<1024x64xf32, #tpu.memory_space<vmem>>, vector<16xf32>,
        %mul3A_640 = arith.constant 8.000000e+00 : f32
        %mul3A_641 = vector.broadcast %mul3A_640 : f32 to vector<16xf32>
        %mul3A_642 = arith.mulf %get3A_639, %mul3A_641 : vector<16xf32>
        %swap3A_643 = arith.index_cast %add3A_618 : i32 to index
        %swap3A_644 = arith.constant 32 : index
        %swap3A_645 = tpu.vector_load %arg6[%swap3A_643, %swap3A_644] {strides = array<i32>} : memref<1024x64xf32, #tpu.memory_space<vmem>>, vector<16xf32>,
        tpu.vector_store %arg6[%swap3A_643, %swap3A_644], %mul3A_642 {strides = array<i32>} : memref<1024x64xf32, #tpu.memory_space<vmem>>, vector<16xf32>,
        %get3A_646 = arith.index_cast %add3A_618 : i32 to index
        %get3A_647 = arith.constant 48 : index
        %get3A_648 = tpu.vector_load %arg6[%get3A_646, %get3A_647] {strides = array<i32>} : memref<1024x64xf32, #tpu.memory_space<vmem>>, vector<16xf32>,
        %mul3A_649 = arith.constant 8.000000e+00 : f32
        %mul3A_650 = vector.broadcast %mul3A_649 : f32 to vector<16xf32>
        %mul3A_651 = arith.mulf %get3A_648, %mul3A_650 : vector<16xf32>
        %swap3A_652 = arith.index_cast %add3A_618 : i32 to index
        %swap3A_653 = arith.constant 48 : index
        %swap3A_654 = tpu.vector_load %arg6[%swap3A_652, %swap3A_653] {strides = array<i32>} : memref<1024x64xf32, #tpu.memory_space<vmem>>, vector<16xf32>,
        tpu.vector_store %arg6[%swap3A_652, %swap3A_653], %mul3A_651 {strides = array<i32>} : memref<1024x64xf32, #tpu.memory_space<vmem>>, vector<16xf32>,
        %scan3A_655 = arith.constant 2 : i32
        %scan3A_656 = arith.addi %scan3A_578, %scan3A_655 : i32
        %add3A_657 = arith.constant 0 : i32
        %add3A_658 = arith.addi %add3A_657, %scan3A_656 : i32
        %get3A_659 = arith.index_cast %add3A_658 : i32 to index
        %get3A_660 = arith.constant 0 : index
        %get3A_661 = tpu.vector_load %arg6[%get3A_659, %get3A_660] {strides = array<i32>} : memref<1024x64xf32, #tpu.memory_space<vmem>>, vector<16xf32>,
        %mul3A_662 = arith.constant 8.000000e+00 : f32
        %mul3A_663 = vector.broadcast %mul3A_662 : f32 to vector<16xf32>
        %mul3A_664 = arith.mulf %get3A_661, %mul3A_663 : vector<16xf32>
        %swap3A_665 = arith.index_cast %add3A_658 : i32 to index
        %swap3A_666 = arith.constant 0 : index
        %swap3A_667 = tpu.vector_load %arg6[%swap3A_665, %swap3A_666] {strides = array<i32>} : memref<1024x64xf32, #tpu.memory_space<vmem>>, vector<16xf32>,
        tpu.vector_store %arg6[%swap3A_665, %swap3A_666], %mul3A_664 {strides = array<i32>} : memref<1024x64xf32, #tpu.memory_space<vmem>>, vector<16xf32>,
        %get3A_668 = arith.index_cast %add3A_658 : i32 to index
        %get3A_669 = arith.constant 16 : index
        %get3A_670 = tpu.vector_load %arg6[%get3A_668, %get3A_669] {strides = array<i32>} : memref<1024x64xf32, #tpu.memory_space<vmem>>, vector<16xf32>,
        %mul3A_671 = arith.constant 8.000000e+00 : f32
        %mul3A_672 = vector.broadcast %mul3A_671 : f32 to vector<16xf32>
        %mul3A_673 = arith.mulf %get3A_670, %mul3A_672 : vector<16xf32>
        %swap3A_674 = arith.index_cast %add3A_658 : i32 to index
        %swap3A_675 = arith.constant 16 : index
        %swap3A_676 = tpu.vector_load %arg6[%swap3A_674, %swap3A_675] {strides = array<i32>} : memref<1024x64xf32, #tpu.memory_space<vmem>>, vector<16xf32>,
        tpu.vector_store %arg6[%swap3A_674, %swap3A_675], %mul3A_673 {strides = array<i32>} : memref<1024x64xf32, #tpu.memory_space<vmem>>, vector<16xf32>,
        %get3A_677 = arith.index_cast %add3A_658 : i32 to index
        %get3A_678 = arith.constant 32 : index
        %get3A_679 = tpu.vector_load %arg6[%get3A_677, %get3A_678] {strides = array<i32>} : memref<1024x64xf32, #tpu.memory_space<vmem>>, vector<16xf32>,
        %mul3A_680 = arith.constant 8.000000e+00 : f32
        %mul3A_681 = vector.broadcast %mul3A_680 : f32 to vector<16xf32>
        %mul3A_682 = arith.mulf %get3A_679, %mul3A_681 : vector<16xf32>
        %swap3A_683 = arith.index_cast %add3A_658 : i32 to index
        %swap3A_684 = arith.constant 32 : index
        %swap3A_685 = tpu.vector_load %arg6[%swap3A_683, %swap3A_684] {strides = array<i32>} : memref<1024x64xf32, #tpu.memory_space<vmem>>, vector<16xf32>,
        tpu.vector_store %arg6[%swap3A_683, %swap3A_684], %mul3A_682 {strides = array<i32>} : memref<1024x64xf32, #tpu.memory_space<vmem>>, vector<16xf32>,
        %get3A_686 = arith.index_cast %add3A_658 : i32 to index
        %get3A_687 = arith.constant 48 : index
        %get3A_688 = tpu.vector_load %arg6[%get3A_686, %get3A_687] {strides = array<i32>} : memref<1024x64xf32, #tpu.memory_space<vmem>>, vector<16xf32>,
        %mul3A_689 = arith.constant 8.000000e+00 : f32
        %mul3A_690 = vector.broadcast %mul3A_689 : f32 to vector<16xf32>
        %mul3A_691 = arith.mulf %get3A_688, %mul3A_690 : vector<16xf32>
        %swap3A_692 = arith.index_cast %add3A_658 : i32 to index
        %swap3A_693 = arith.constant 48 : index
        %swap3A_694 = tpu.vector_load %arg6[%swap3A_692, %swap3A_693] {strides = array<i32>} : memref<1024x64xf32, #tpu.memory_space<vmem>>, vector<16xf32>,
        tpu.vector_store %arg6[%swap3A_692, %swap3A_693], %mul3A_691 {strides = array<i32>} : memref<1024x64xf32, #tpu.memory_space<vmem>>, vector<16xf32>,
        %scan3A_695 = arith.constant 3 : i32
        %scan3A_696 = arith.addi %scan3A_578, %scan3A_695 : i32
        %add3A_697 = arith.constant 0 : i32
        %add3A_698 = arith.addi %add3A_697, %scan3A_696 : i32
        %get3A_699 = arith.index_cast %add3A_698 : i32 to index
        %get3A_700 = arith.constant 0 : index
        %get3A_701 = tpu.vector_load %arg6[%get3A_699, %get3A_700] {strides = array<i32>} : memref<1024x64xf32, #tpu.memory_space<vmem>>, vector<16xf32>,
        %mul3A_702 = arith.constant 8.000000e+00 : f32
        %mul3A_703 = vector.broadcast %mul3A_702 : f32 to vector<16xf32>
        %mul3A_704 = arith.mulf %get3A_701, %mul3A_703 : vector<16xf32>
        %swap3A_705 = arith.index_cast %add3A_698 : i32 to index
        %swap3A_706 = arith.constant 0 : index
        %swap3A_707 = tpu.vector_load %arg6[%swap3A_705, %swap3A_706] {strides = array<i32>} : memref<1024x64xf32, #tpu.memory_space<vmem>>, vector<16xf32>,
        tpu.vector_store %arg6[%swap3A_705, %swap3A_706], %mul3A_704 {strides = array<i32>} : memref<1024x64xf32, #tpu.memory_space<vmem>>, vector<16xf32>,
        %get3A_708 = arith.index_cast %add3A_698 : i32 to index
        %get3A_709 = arith.constant 16 : index
        %get3A_710 = tpu.vector_load %arg6[%get3A_708, %get3A_709] {strides = array<i32>} : memref<1024x64xf32, #tpu.memory_space<vmem>>, vector<16xf32>,
        %mul3A_711 = arith.constant 8.000000e+00 : f32
        %mul3A_712 = vector.broadcast %mul3A_711 : f32 to vector<16xf32>
        %mul3A_713 = arith.mulf %get3A_710, %mul3A_712 : vector<16xf32>
        %swap3A_714 = arith.index_cast %add3A_698 : i32 to index
        %swap3A_715 = arith.constant 16 : index
        %swap3A_716 = tpu.vector_load %arg6[%swap3A_714, %swap3A_715] {strides = array<i32>} : memref<1024x64xf32, #tpu.memory_space<vmem>>, vector<16xf32>,
        tpu.vector_store %arg6[%swap3A_714, %swap3A_715], %mul3A_713 {strides = array<i32>} : memref<1024x64xf32, #tpu.memory_space<vmem>>, vector<16xf32>,
        %get3A_717 = arith.index_cast %add3A_698 : i32 to index
        %get3A_718 = arith.constant 32 : index
        %get3A_719 = tpu.vector_load %arg6[%get3A_717, %get3A_718] {strides = array<i32>} : memref<1024x64xf32, #tpu.memory_space<vmem>>, vector<16xf32>,
        %mul3A_720 = arith.constant 8.000000e+00 : f32
        %mul3A_721 = vector.broadcast %mul3A_720 : f32 to vector<16xf32>
        %mul3A_722 = arith.mulf %get3A_719, %mul3A_721 : vector<16xf32>
        %swap3A_723 = arith.index_cast %add3A_698 : i32 to index
        %swap3A_724 = arith.constant 32 : index
        %swap3A_725 = tpu.vector_load %arg6[%swap3A_723, %swap3A_724] {strides = array<i32>} : memref<1024x64xf32, #tpu.memory_space<vmem>>, vector<16xf32>,
        tpu.vector_store %arg6[%swap3A_723, %swap3A_724], %mul3A_722 {strides = array<i32>} : memref<1024x64xf32, #tpu.memory_space<vmem>>, vector<16xf32>,
        %get3A_726 = arith.index_cast %add3A_698 : i32 to index
        %get3A_727 = arith.constant 48 : index
        %get3A_728 = tpu.vector_load %arg6[%get3A_726, %get3A_727] {strides = array<i32>} : memref<1024x64xf32, #tpu.memory_space<vmem>>, vector<16xf32>,
        %mul3A_729 = arith.constant 8.000000e+00 : f32
        %mul3A_730 = vector.broadcast %mul3A_729 : f32 to vector<16xf32>
        %mul3A_731 = arith.mulf %get3A_728, %mul3A_730 : vector<16xf32>
        %swap3A_732 = arith.index_cast %add3A_698 : i32 to index
        %swap3A_733 = arith.constant 48 : index
        %swap3A_734 = tpu.vector_load %arg6[%swap3A_732, %swap3A_733] {strides = array<i32>} : memref<1024x64xf32, #tpu.memory_space<vmem>>, vector<16xf32>,
        tpu.vector_store %arg6[%swap3A_732, %swap3A_733], %mul3A_731 {strides = array<i32>} : memref<1024x64xf32, #tpu.memory_space<vmem>>, vector<16xf32>,
      }
      %scan3A_246 = arith.constant 128 : i32
      %add3A_247 = arith.addi %mul3A_2, %add3A_224 : i32
      %mul3A_248 = arith.constant 128 : i32
      %mul3A_249 = arith.muli %add3A_247, %mul3A_248 : i32
      %dma_start3A_250 = arith.constant 0 : i32
      %dma_start3A_251 = arith.constant 0 : i32
      %dma_start3A_252 = arith.constant 0 : i32
      %dma_start3A_253 = tpu.memref_slice %arg6[%dma_start3A_251, %dma_start3A_252] : memref<1024x64xf32, #tpu.memory_space<vmem>> -> memref<128x64xf32, #tpu.memory_space<vmem>>
      %dma_start3A_254 = arith.constant 0 : i32
      %dma_start3A_255 = tpu.memref_slice %arg4[%mul3A_249, %dma_start3A_254] : memref<819200x128xf32, #tpu.memory_space<hbm>> -> memref<128x64xf32, #tpu.memory_space<hbm>>
      %dma_start3A_256 = tpu.memref_slice %arg8[%dma_start3A_250] : memref<8x!tpu.dma_semaphore, #tpu.memory_space<semaphore_mem>> -> memref<1x!tpu.dma_semaphore, #tpu.memory_space<semaphore_mem>>
      %dma_start3A_257 = tpu.memref_squeeze %dma_start3A_256 : memref<1x!tpu.dma_semaphore, #tpu.memory_space<semaphore_mem>> -> memref<!tpu.dma_semaphore, #tpu.memory_space<semaphore_mem>>
      %dma_start3A_258 = arith.constant 0 : i32
      %dma_start3A_259 = tpu.memref_slice %arg4[%mul3A_249, %dma_start3A_258] : memref<819200x128xf32, #tpu.memory_space<hbm>> -> memref<128x64xf32, #tpu.memory_space<hbm>>
      %dma_start3A_260 = arith.constant 0 : i32
      %dma_start3A_261 = arith.constant 0 : i32
      %dma_start3A_262 = tpu.memref_slice %arg6[%dma_start3A_260, %dma_start3A_261] : memref<1024x64xf32, #tpu.memory_space<vmem>> -> memref<128x64xf32, #tpu.memory_space<vmem>>
      tpu.enqueue_dma source(%dma_start3A_262 : memref<128x64xf32, #tpu.memory_space<vmem>>) target(%dma_start3A_259 : memref<128x64xf32, #tpu.memory_space<hbm>>) target_semaphore(%dma_start3A_257 : memref<!tpu.dma_semaphore, #tpu.memory_space<semaphore_mem>>)
      %mul3A_263 = arith.constant 8 : i32
      %mul3A_264 = arith.muli %scan3A_220, %mul3A_263 : i32
      %add3A_265 = arith.constant 1 : i32
      %add3A_266 = arith.addi %mul3A_264, %add3A_265 : i32
      %add3A_267 = arith.constant 6 : i32
      %add3A_268 = arith.addi %add3A_266, %add3A_267 : i32
      %lt3A_269 = arith.constant 200 : i32
      %lt3A_270 = arith.cmpi slt, %add3A_268, %lt3A_269 : i32
      %convert_element_type3A_271 = arith.extui %lt3A_270 : i1 to i32
      %cond3A_272 = arith.constant 0 : i32
      %cond3A_273 = arith.cmpi ne, %convert_element_type3A_271, %cond3A_272 : i32
      scf.if %cond3A_273 {
        %ge3A = arith.constant 8 : i32
        %ge3A_578 = arith.cmpi sge, %add3A_268, %ge3A : i32
        %convert_element_type3A_579 = arith.extui %ge3A_578 : i1 to i32
        %cond3A_580 = arith.constant 0 : i32
        %cond3A_581 = arith.cmpi ne, %convert_element_type3A_579, %cond3A_580 : i32
        scf.if %cond3A_581 {
          %sub3A = arith.constant 8 : i32
          %sub3A_594 = arith.subi %add3A_268, %sub3A : i32
          %add3A_595 = arith.addi %mul3A_2, %sub3A_594 : i32
          %mul3A_596 = arith.constant 128 : i32
          %mul3A_597 = arith.muli %add3A_595, %mul3A_596 : i32
          %dma_wait3A_598 = arith.constant 7 : i32
          %dma_wait3A_599 = arith.constant 896 : i32
          %dma_wait3A_600 = arith.constant 0 : i32
          %dma_wait3A_601 = tpu.memref_slice %arg6[%dma_wait3A_599, %dma_wait3A_600] : memref<1024x64xf32, #tpu.memory_space<vmem>> -> memref<128x64xf32, #tpu.memory_space<vmem>>
          %dma_wait3A_602 = arith.constant 0 : i32
          %dma_wait3A_603 = tpu.memref_slice %arg4[%mul3A_597, %dma_wait3A_602] : memref<819200x128xf32, #tpu.memory_space<hbm>> -> memref<128x64xf32, #tpu.memory_space<hbm>>
          %dma_wait3A_604 = tpu.memref_slice %arg8[%dma_wait3A_598] : memref<8x!tpu.dma_semaphore, #tpu.memory_space<semaphore_mem>> -> memref<1x!tpu.dma_semaphore, #tpu.memory_space<semaphore_mem>>
          %dma_wait3A_605 = tpu.memref_squeeze %dma_wait3A_604 : memref<1x!tpu.dma_semaphore, #tpu.memory_space<semaphore_mem>> -> memref<!tpu.dma_semaphore, #tpu.memory_space<semaphore_mem>>
          %dma_wait3A_606 = arith.constant 0 : i32
          %dma_wait3A_607 = tpu.memref_slice %arg4[%mul3A_597, %dma_wait3A_606] : memref<819200x128xf32, #tpu.memory_space<hbm>> -> memref<128x64xf32, #tpu.memory_space<hbm>>
          %dma_wait3A_608 = arith.constant 896 : i32
          %dma_wait3A_609 = arith.constant 0 : i32
          %dma_wait3A_610 = tpu.memref_slice %arg6[%dma_wait3A_608, %dma_wait3A_609] : memref<1024x64xf32, #tpu.memory_space<vmem>> -> memref<128x64xf32, #tpu.memory_space<vmem>>
          tpu.wait_dma2 semaphore(%dma_wait3A_605 : memref<!tpu.dma_semaphore, #tpu.memory_space<semaphore_mem>>) src(%dma_wait3A_610 : memref<128x64xf32, #tpu.memory_space<vmem>>) dst(%dma_wait3A_607 : memref<128x64xf32, #tpu.memory_space<hbm>>)
        } else {
        }
        %dma_start3A_582 = arith.constant 7 : i32
        %dma_start3A_583 = arith.constant 896 : i32
        %dma_start3A_584 = arith.constant 0 : i32
        %dma_start3A_585 = tpu.memref_slice %arg6[%dma_start3A_583, %dma_start3A_584] : memref<1024x64xf32, #tpu.memory_space<vmem>> -> memref<128x64xf32, #tpu.memory_space<vmem>>
        %dma_start3A_586 = arith.constant 0 : i32
        %dma_start3A_587 = tpu.memref_slice %arg5[%add3A_268, %dma_start3A_586] : memref<200x128xi32, #tpu.memory_space<vmem>> -> memref<1x128xi32, #tpu.memory_space<vmem>>
        %dma_start3A_588 = tpu.memref_squeeze %dma_start3A_587 : memref<1x128xi32, #tpu.memory_space<vmem>> -> memref<128xi32, #tpu.memory_space<vmem>>
        %dma_start3A_589 = arith.constant 0 : i32
        %dma_start3A_590 = arith.constant 0 : i32
        %dma_start3A_591 = tpu.memref_slice %arg3[%dma_start3A_589, %dma_start3A_590] : memref<1000000x64xf32, #tpu.memory_space<hbm>> -> memref<1000000x64xf32, #tpu.memory_space<hbm>>
        %dma_start3A_592 = tpu.memref_slice %arg7[%dma_start3A_582] : memref<8x!tpu.dma_semaphore, #tpu.memory_space<semaphore_mem>> -> memref<1x!tpu.dma_semaphore, #tpu.memory_space<semaphore_mem>>
        %dma_start3A_593 = tpu.memref_squeeze %dma_start3A_592 : memref<1x!tpu.dma_semaphore, #tpu.memory_space<semaphore_mem>> -> memref<!tpu.dma_semaphore, #tpu.memory_space<semaphore_mem>>
        tpu.enqueue_indirect_dma source(%dma_start3A_591 : memref<1000000x64xf32, #tpu.memory_space<hbm>>) target(%dma_start3A_585 : memref<128x64xf32, #tpu.memory_space<vmem>>) offsets(%dma_start3A_588 : memref<128xi32, #tpu.memory_space<vmem>>) semaphore(%dma_start3A_593 : memref<!tpu.dma_semaphore, #tpu.memory_space<semaphore_mem>>)
      } else {
      }
      %dma_wait3A_274 = arith.constant 1 : i32
      %dma_wait3A_275 = arith.constant 128 : i32
      %dma_wait3A_276 = arith.constant 0 : i32
      %dma_wait3A_277 = tpu.memref_slice %arg6[%dma_wait3A_275, %dma_wait3A_276] : memref<1024x64xf32, #tpu.memory_space<vmem>> -> memref<128x64xf32, #tpu.memory_space<vmem>>
      %dma_wait3A_278 = arith.constant 0 : i32
      %dma_wait3A_279 = tpu.memref_slice %arg5[%add3A_266, %dma_wait3A_278] : memref<200x128xi32, #tpu.memory_space<vmem>> -> memref<1x128xi32, #tpu.memory_space<vmem>>
      %dma_wait3A_280 = tpu.memref_squeeze %dma_wait3A_279 : memref<1x128xi32, #tpu.memory_space<vmem>> -> memref<128xi32, #tpu.memory_space<vmem>>
      %dma_wait3A_281 = arith.constant 0 : i32
      %dma_wait3A_282 = arith.constant 0 : i32
      %dma_wait3A_283 = tpu.memref_slice %arg3[%dma_wait3A_281, %dma_wait3A_282] : memref<1000000x64xf32, #tpu.memory_space<hbm>> -> memref<1000000x64xf32, #tpu.memory_space<hbm>>
      %dma_wait3A_284 = tpu.memref_slice %arg7[%dma_wait3A_274] : memref<8x!tpu.dma_semaphore, #tpu.memory_space<semaphore_mem>> -> memref<1x!tpu.dma_semaphore, #tpu.memory_space<semaphore_mem>>
      %dma_wait3A_285 = tpu.memref_squeeze %dma_wait3A_284 : memref<1x!tpu.dma_semaphore, #tpu.memory_space<semaphore_mem>> -> memref<!tpu.dma_semaphore, #tpu.memory_space<semaphore_mem>>
      tpu.wait_indirect_dma semaphore(%dma_wait3A_285 : memref<!tpu.dma_semaphore, #tpu.memory_space<semaphore_mem>>) src(%dma_wait3A_283 : memref<1000000x64xf32, #tpu.memory_space<hbm>>) dst(%dma_wait3A_277 : memref<128x64xf32, #tpu.memory_space<vmem>>)
      %scan3A_286 = arith.constant 0 : i32
      %scan3A_287 = arith.constant 0 : i32
      %scan3A_288 = arith.constant 128 : i32
      %scan3A_289 = arith.addi %scan3A_287, %scan3A_288 : i32
      %scan3A_290 = arith.constant 4 : i32
      scf.for %scan3A_578 = %scan3A_287 to %scan3A_289 step %scan3A_290  : i32 {
        %add3A_579 = arith.constant 128 : i32
        %add3A_580 = arith.addi %add3A_579, %scan3A_578 : i32
        %get3A = arith.index_cast %add3A_580 : i32 to index
        %get3A_581 = arith.constant 0 : index
        %get3A_582 = tpu.vector_load %arg6[%get3A, %get3A_581] {strides = array<i32>} : memref<1024x64xf32, #tpu.memory_space<vmem>>, vector<16xf32>,
        %mul3A_583 = arith.constant 8.000000e+00 : f32
        %mul3A_584 = vector.broadcast %mul3A_583 : f32 to vector<16xf32>
        %mul3A_585 = arith.mulf %get3A_582, %mul3A_584 : vector<16xf32>
        %swap3A = arith.index_cast %add3A_580 : i32 to index
        %swap3A_586 = arith.constant 0 : index
        %swap3A_587 = tpu.vector_load %arg6[%swap3A, %swap3A_586] {strides = array<i32>} : memref<1024x64xf32, #tpu.memory_space<vmem>>, vector<16xf32>,
        tpu.vector_store %arg6[%swap3A, %swap3A_586], %mul3A_585 {strides = array<i32>} : memref<1024x64xf32, #tpu.memory_space<vmem>>, vector<16xf32>,
        %get3A_588 = arith.index_cast %add3A_580 : i32 to index
        %get3A_589 = arith.constant 16 : index
        %get3A_590 = tpu.vector_load %arg6[%get3A_588, %get3A_589] {strides = array<i32>} : memref<1024x64xf32, #tpu.memory_space<vmem>>, vector<16xf32>,
        %mul3A_591 = arith.constant 8.000000e+00 : f32
        %mul3A_592 = vector.broadcast %mul3A_591 : f32 to vector<16xf32>
        %mul3A_593 = arith.mulf %get3A_590, %mul3A_592 : vector<16xf32>
        %swap3A_594 = arith.index_cast %add3A_580 : i32 to index
        %swap3A_595 = arith.constant 16 : index
        %swap3A_596 = tpu.vector_load %arg6[%swap3A_594, %swap3A_595] {strides = array<i32>} : memref<1024x64xf32, #tpu.memory_space<vmem>>, vector<16xf32>,
        tpu.vector_store %arg6[%swap3A_594, %swap3A_595], %mul3A_593 {strides = array<i32>} : memref<1024x64xf32, #tpu.memory_space<vmem>>, vector<16xf32>,
        %get3A_597 = arith.index_cast %add3A_580 : i32 to index
        %get3A_598 = arith.constant 32 : index
        %get3A_599 = tpu.vector_load %arg6[%get3A_597, %get3A_598] {strides = array<i32>} : memref<1024x64xf32, #tpu.memory_space<vmem>>, vector<16xf32>,
        %mul3A_600 = arith.constant 8.000000e+00 : f32
        %mul3A_601 = vector.broadcast %mul3A_600 : f32 to vector<16xf32>
        %mul3A_602 = arith.mulf %get3A_599, %mul3A_601 : vector<16xf32>
        %swap3A_603 = arith.index_cast %add3A_580 : i32 to index
        %swap3A_604 = arith.constant 32 : index
        %swap3A_605 = tpu.vector_load %arg6[%swap3A_603, %swap3A_604] {strides = array<i32>} : memref<1024x64xf32, #tpu.memory_space<vmem>>, vector<16xf32>,
        tpu.vector_store %arg6[%swap3A_603, %swap3A_604], %mul3A_602 {strides = array<i32>} : memref<1024x64xf32, #tpu.memory_space<vmem>>, vector<16xf32>,
        %get3A_606 = arith.index_cast %add3A_580 : i32 to index
        %get3A_607 = arith.constant 48 : index
        %get3A_608 = tpu.vector_load %arg6[%get3A_606, %get3A_607] {strides = array<i32>} : memref<1024x64xf32, #tpu.memory_space<vmem>>, vector<16xf32>,
        %mul3A_609 = arith.constant 8.000000e+00 : f32
        %mul3A_610 = vector.broadcast %mul3A_609 : f32 to vector<16xf32>
        %mul3A_611 = arith.mulf %get3A_608, %mul3A_610 : vector<16xf32>
        %swap3A_612 = arith.index_cast %add3A_580 : i32 to index
        %swap3A_613 = arith.constant 48 : index
        %swap3A_614 = tpu.vector_load %arg6[%swap3A_612, %swap3A_613] {strides = array<i32>} : memref<1024x64xf32, #tpu.memory_space<vmem>>, vector<16xf32>,
        tpu.vector_store %arg6[%swap3A_612, %swap3A_613], %mul3A_611 {strides = array<i32>} : memref<1024x64xf32, #tpu.memory_space<vmem>>, vector<16xf32>,
        %scan3A_615 = arith.constant 1 : i32
        %scan3A_616 = arith.addi %scan3A_578, %scan3A_615 : i32
        %add3A_617 = arith.constant 128 : i32
        %add3A_618 = arith.addi %add3A_617, %scan3A_616 : i32
        %get3A_619 = arith.index_cast %add3A_618 : i32 to index
        %get3A_620 = arith.constant 0 : index
        %get3A_621 = tpu.vector_load %arg6[%get3A_619, %get3A_620] {strides = array<i32>} : memref<1024x64xf32, #tpu.memory_space<vmem>>, vector<16xf32>,
        %mul3A_622 = arith.constant 8.000000e+00 : f32
        %mul3A_623 = vector.broadcast %mul3A_622 : f32 to vector<16xf32>
        %mul3A_624 = arith.mulf %get3A_621, %mul3A_623 : vector<16xf32>
        %swap3A_625 = arith.index_cast %add3A_618 : i32 to index
        %swap3A_626 = arith.constant 0 : index
        %swap3A_627 = tpu.vector_load %arg6[%swap3A_625, %swap3A_626] {strides = array<i32>} : memref<1024x64xf32, #tpu.memory_space<vmem>>, vector<16xf32>,
        tpu.vector_store %arg6[%swap3A_625, %swap3A_626], %mul3A_624 {strides = array<i32>} : memref<1024x64xf32, #tpu.memory_space<vmem>>, vector<16xf32>,
        %get3A_628 = arith.index_cast %add3A_618 : i32 to index
        %get3A_629 = arith.constant 16 : index
        %get3A_630 = tpu.vector_load %arg6[%get3A_628, %get3A_629] {strides = array<i32>} : memref<1024x64xf32, #tpu.memory_space<vmem>>, vector<16xf32>,
        %mul3A_631 = arith.constant 8.000000e+00 : f32
        %mul3A_632 = vector.broadcast %mul3A_631 : f32 to vector<16xf32>
        %mul3A_633 = arith.mulf %get3A_630, %mul3A_632 : vector<16xf32>
        %swap3A_634 = arith.index_cast %add3A_618 : i32 to index
        %swap3A_635 = arith.constant 16 : index
        %swap3A_636 = tpu.vector_load %arg6[%swap3A_634, %swap3A_635] {strides = array<i32>} : memref<1024x64xf32, #tpu.memory_space<vmem>>, vector<16xf32>,
        tpu.vector_store %arg6[%swap3A_634, %swap3A_635], %mul3A_633 {strides = array<i32>} : memref<1024x64xf32, #tpu.memory_space<vmem>>, vector<16xf32>,
        %get3A_637 = arith.index_cast %add3A_618 : i32 to index
        %get3A_638 = arith.constant 32 : index
        %get3A_639 = tpu.vector_load %arg6[%get3A_637, %get3A_638] {strides = array<i32>} : memref<1024x64xf32, #tpu.memory_space<vmem>>, vector<16xf32>,
        %mul3A_640 = arith.constant 8.000000e+00 : f32
        %mul3A_641 = vector.broadcast %mul3A_640 : f32 to vector<16xf32>
        %mul3A_642 = arith.mulf %get3A_639, %mul3A_641 : vector<16xf32>
        %swap3A_643 = arith.index_cast %add3A_618 : i32 to index
        %swap3A_644 = arith.constant 32 : index
        %swap3A_645 = tpu.vector_load %arg6[%swap3A_643, %swap3A_644] {strides = array<i32>} : memref<1024x64xf32, #tpu.memory_space<vmem>>, vector<16xf32>,
        tpu.vector_store %arg6[%swap3A_643, %swap3A_644], %mul3A_642 {strides = array<i32>} : memref<1024x64xf32, #tpu.memory_space<vmem>>, vector<16xf32>,
        %get3A_646 = arith.index_cast %add3A_618 : i32 to index
        %get3A_647 = arith.constant 48 : index
        %get3A_648 = tpu.vector_load %arg6[%get3A_646, %get3A_647] {strides = array<i32>} : memref<1024x64xf32, #tpu.memory_space<vmem>>, vector<16xf32>,
        %mul3A_649 = arith.constant 8.000000e+00 : f32
        %mul3A_650 = vector.broadcast %mul3A_649 : f32 to vector<16xf32>
        %mul3A_651 = arith.mulf %get3A_648, %mul3A_650 : vector<16xf32>
        %swap3A_652 = arith.index_cast %add3A_618 : i32 to index
        %swap3A_653 = arith.constant 48 : index
        %swap3A_654 = tpu.vector_load %arg6[%swap3A_652, %swap3A_653] {strides = array<i32>} : memref<1024x64xf32, #tpu.memory_space<vmem>>, vector<16xf32>,
        tpu.vector_store %arg6[%swap3A_652, %swap3A_653], %mul3A_651 {strides = array<i32>} : memref<1024x64xf32, #tpu.memory_space<vmem>>, vector<16xf32>,
        %scan3A_655 = arith.constant 2 : i32
        %scan3A_656 = arith.addi %scan3A_578, %scan3A_655 : i32
        %add3A_657 = arith.constant 128 : i32
        %add3A_658 = arith.addi %add3A_657, %scan3A_656 : i32
        %get3A_659 = arith.index_cast %add3A_658 : i32 to index
        %get3A_660 = arith.constant 0 : index
        %get3A_661 = tpu.vector_load %arg6[%get3A_659, %get3A_660] {strides = array<i32>} : memref<1024x64xf32, #tpu.memory_space<vmem>>, vector<16xf32>,
        %mul3A_662 = arith.constant 8.000000e+00 : f32
        %mul3A_663 = vector.broadcast %mul3A_662 : f32 to vector<16xf32>
        %mul3A_664 = arith.mulf %get3A_661, %mul3A_663 : vector<16xf32>
        %swap3A_665 = arith.index_cast %add3A_658 : i32 to index
        %swap3A_666 = arith.constant 0 : index
        %swap3A_667 = tpu.vector_load %arg6[%swap3A_665, %swap3A_666] {strides = array<i32>} : memref<1024x64xf32, #tpu.memory_space<vmem>>, vector<16xf32>,
        tpu.vector_store %arg6[%swap3A_665, %swap3A_666], %mul3A_664 {strides = array<i32>} : memref<1024x64xf32, #tpu.memory_space<vmem>>, vector<16xf32>,
        %get3A_668 = arith.index_cast %add3A_658 : i32 to index
        %get3A_669 = arith.constant 16 : index
        %get3A_670 = tpu.vector_load %arg6[%get3A_668, %get3A_669] {strides = array<i32>} : memref<1024x64xf32, #tpu.memory_space<vmem>>, vector<16xf32>,
        %mul3A_671 = arith.constant 8.000000e+00 : f32
        %mul3A_672 = vector.broadcast %mul3A_671 : f32 to vector<16xf32>
        %mul3A_673 = arith.mulf %get3A_670, %mul3A_672 : vector<16xf32>
        %swap3A_674 = arith.index_cast %add3A_658 : i32 to index
        %swap3A_675 = arith.constant 16 : index
        %swap3A_676 = tpu.vector_load %arg6[%swap3A_674, %swap3A_675] {strides = array<i32>} : memref<1024x64xf32, #tpu.memory_space<vmem>>, vector<16xf32>,
        tpu.vector_store %arg6[%swap3A_674, %swap3A_675], %mul3A_673 {strides = array<i32>} : memref<1024x64xf32, #tpu.memory_space<vmem>>, vector<16xf32>,
        %get3A_677 = arith.index_cast %add3A_658 : i32 to index
        %get3A_678 = arith.constant 32 : index
        %get3A_679 = tpu.vector_load %arg6[%get3A_677, %get3A_678] {strides = array<i32>} : memref<1024x64xf32, #tpu.memory_space<vmem>>, vector<16xf32>,
        %mul3A_680 = arith.constant 8.000000e+00 : f32
        %mul3A_681 = vector.broadcast %mul3A_680 : f32 to vector<16xf32>
        %mul3A_682 = arith.mulf %get3A_679, %mul3A_681 : vector<16xf32>
        %swap3A_683 = arith.index_cast %add3A_658 : i32 to index
        %swap3A_684 = arith.constant 32 : index
        %swap3A_685 = tpu.vector_load %arg6[%swap3A_683, %swap3A_684] {strides = array<i32>} : memref<1024x64xf32, #tpu.memory_space<vmem>>, vector<16xf32>,
        tpu.vector_store %arg6[%swap3A_683, %swap3A_684], %mul3A_682 {strides = array<i32>} : memref<1024x64xf32, #tpu.memory_space<vmem>>, vector<16xf32>,
        %get3A_686 = arith.index_cast %add3A_658 : i32 to index
        %get3A_687 = arith.constant 48 : index
        %get3A_688 = tpu.vector_load %arg6[%get3A_686, %get3A_687] {strides = array<i32>} : memref<1024x64xf32, #tpu.memory_space<vmem>>, vector<16xf32>,
        %mul3A_689 = arith.constant 8.000000e+00 : f32
        %mul3A_690 = vector.broadcast %mul3A_689 : f32 to vector<16xf32>
        %mul3A_691 = arith.mulf %get3A_688, %mul3A_690 : vector<16xf32>
        %swap3A_692 = arith.index_cast %add3A_658 : i32 to index
        %swap3A_693 = arith.constant 48 : index
        %swap3A_694 = tpu.vector_load %arg6[%swap3A_692, %swap3A_693] {strides = array<i32>} : memref<1024x64xf32, #tpu.memory_space<vmem>>, vector<16xf32>,
        tpu.vector_store %arg6[%swap3A_692, %swap3A_693], %mul3A_691 {strides = array<i32>} : memref<1024x64xf32, #tpu.memory_space<vmem>>, vector<16xf32>,
        %scan3A_695 = arith.constant 3 : i32
        %scan3A_696 = arith.addi %scan3A_578, %scan3A_695 : i32
        %add3A_697 = arith.constant 128 : i32
        %add3A_698 = arith.addi %add3A_697, %scan3A_696 : i32
        %get3A_699 = arith.index_cast %add3A_698 : i32 to index
        %get3A_700 = arith.constant 0 : index
        %get3A_701 = tpu.vector_load %arg6[%get3A_699, %get3A_700] {strides = array<i32>} : memref<1024x64xf32, #tpu.memory_space<vmem>>, vector<16xf32>,
        %mul3A_702 = arith.constant 8.000000e+00 : f32
        %mul3A_703 = vector.broadcast %mul3A_702 : f32 to vector<16xf32>
        %mul3A_704 = arith.mulf %get3A_701, %mul3A_703 : vector<16xf32>
        %swap3A_705 = arith.index_cast %add3A_698 : i32 to index
        %swap3A_706 = arith.constant 0 : index
        %swap3A_707 = tpu.vector_load %arg6[%swap3A_705, %swap3A_706] {strides = array<i32>} : memref<1024x64xf32, #tpu.memory_space<vmem>>, vector<16xf32>,
        tpu.vector_store %arg6[%swap3A_705, %swap3A_706], %mul3A_704 {strides = array<i32>} : memref<1024x64xf32, #tpu.memory_space<vmem>>, vector<16xf32>,
        %get3A_708 = arith.index_cast %add3A_698 : i32 to index
        %get3A_709 = arith.constant 16 : index
        %get3A_710 = tpu.vector_load %arg6[%get3A_708, %get3A_709] {strides = array<i32>} : memref<1024x64xf32, #tpu.memory_space<vmem>>, vector<16xf32>,
        %mul3A_711 = arith.constant 8.000000e+00 : f32
        %mul3A_712 = vector.broadcast %mul3A_711 : f32 to vector<16xf32>
        %mul3A_713 = arith.mulf %get3A_710, %mul3A_712 : vector<16xf32>
        %swap3A_714 = arith.index_cast %add3A_698 : i32 to index
        %swap3A_715 = arith.constant 16 : index
        %swap3A_716 = tpu.vector_load %arg6[%swap3A_714, %swap3A_715] {strides = array<i32>} : memref<1024x64xf32, #tpu.memory_space<vmem>>, vector<16xf32>,
        tpu.vector_store %arg6[%swap3A_714, %swap3A_715], %mul3A_713 {strides = array<i32>} : memref<1024x64xf32, #tpu.memory_space<vmem>>, vector<16xf32>,
        %get3A_717 = arith.index_cast %add3A_698 : i32 to index
        %get3A_718 = arith.constant 32 : index
        %get3A_719 = tpu.vector_load %arg6[%get3A_717, %get3A_718] {strides = array<i32>} : memref<1024x64xf32, #tpu.memory_space<vmem>>, vector<16xf32>,
        %mul3A_720 = arith.constant 8.000000e+00 : f32
        %mul3A_721 = vector.broadcast %mul3A_720 : f32 to vector<16xf32>
        %mul3A_722 = arith.mulf %get3A_719, %mul3A_721 : vector<16xf32>
        %swap3A_723 = arith.index_cast %add3A_698 : i32 to index
        %swap3A_724 = arith.constant 32 : index
        %swap3A_725 = tpu.vector_load %arg6[%swap3A_723, %swap3A_724] {strides = array<i32>} : memref<1024x64xf32, #tpu.memory_space<vmem>>, vector<16xf32>,
        tpu.vector_store %arg6[%swap3A_723, %swap3A_724], %mul3A_722 {strides = array<i32>} : memref<1024x64xf32, #tpu.memory_space<vmem>>, vector<16xf32>,
        %get3A_726 = arith.index_cast %add3A_698 : i32 to index
        %get3A_727 = arith.constant 48 : index
        %get3A_728 = tpu.vector_load %arg6[%get3A_726, %get3A_727] {strides = array<i32>} : memref<1024x64xf32, #tpu.memory_space<vmem>>, vector<16xf32>,
        %mul3A_729 = arith.constant 8.000000e+00 : f32
        %mul3A_730 = vector.broadcast %mul3A_729 : f32 to vector<16xf32>
        %mul3A_731 = arith.mulf %get3A_728, %mul3A_730 : vector<16xf32>
        %swap3A_732 = arith.index_cast %add3A_698 : i32 to index
        %swap3A_733 = arith.constant 48 : index
        %swap3A_734 = tpu.vector_load %arg6[%swap3A_732, %swap3A_733] {strides = array<i32>} : memref<1024x64xf32, #tpu.memory_space<vmem>>, vector<16xf32>,
        tpu.vector_store %arg6[%swap3A_732, %swap3A_733], %mul3A_731 {strides = array<i32>} : memref<1024x64xf32, #tpu.memory_space<vmem>>, vector<16xf32>,
      }
      %scan3A_291 = arith.constant 128 : i32
      %add3A_292 = arith.addi %mul3A_2, %add3A_266 : i32
      %mul3A_293 = arith.constant 128 : i32
      %mul3A_294 = arith.muli %add3A_292, %mul3A_293 : i32
      %dma_start3A_295 = arith.constant 1 : i32
      %dma_start3A_296 = arith.constant 128 : i32
      %dma_start3A_297 = arith.constant 0 : i32
      %dma_start3A_298 = tpu.memref_slice %arg6[%dma_start3A_296, %dma_start3A_297] : memref<1024x64xf32, #tpu.memory_space<vmem>> -> memref<128x64xf32, #tpu.memory_space<vmem>>
      %dma_start3A_299 = arith.constant 0 : i32
      %dma_start3A_300 = tpu.memref_slice %arg4[%mul3A_294, %dma_start3A_299] : memref<819200x128xf32, #tpu.memory_space<hbm>> -> memref<128x64xf32, #tpu.memory_space<hbm>>
      %dma_start3A_301 = tpu.memref_slice %arg8[%dma_start3A_295] : memref<8x!tpu.dma_semaphore, #tpu.memory_space<semaphore_mem>> -> memref<1x!tpu.dma_semaphore, #tpu.memory_space<semaphore_mem>>
      %dma_start3A_302 = tpu.memref_squeeze %dma_start3A_301 : memref<1x!tpu.dma_semaphore, #tpu.memory_space<semaphore_mem>> -> memref<!tpu.dma_semaphore, #tpu.memory_space<semaphore_mem>>
      %dma_start3A_303 = arith.constant 0 : i32
      %dma_start3A_304 = tpu.memref_slice %arg4[%mul3A_294, %dma_start3A_303] : memref<819200x128xf32, #tpu.memory_space<hbm>> -> memref<128x64xf32, #tpu.memory_space<hbm>>
      %dma_start3A_305 = arith.constant 128 : i32
      %dma_start3A_306 = arith.constant 0 : i32
      %dma_start3A_307 = tpu.memref_slice %arg6[%dma_start3A_305, %dma_start3A_306] : memref<1024x64xf32, #tpu.memory_space<vmem>> -> memref<128x64xf32, #tpu.memory_space<vmem>>
      tpu.enqueue_dma source(%dma_start3A_307 : memref<128x64xf32, #tpu.memory_space<vmem>>) target(%dma_start3A_304 : memref<128x64xf32, #tpu.memory_space<hbm>>) target_semaphore(%dma_start3A_302 : memref<!tpu.dma_semaphore, #tpu.memory_space<semaphore_mem>>)
      %mul3A_308 = arith.constant 8 : i32
      %mul3A_309 = arith.muli %scan3A_220, %mul3A_308 : i32
      %add3A_310 = arith.constant 2 : i32
      %add3A_311 = arith.addi %mul3A_309, %add3A_310 : i32
      %add3A_312 = arith.constant 6 : i32
      %add3A_313 = arith.addi %add3A_311, %add3A_312 : i32
      %lt3A_314 = arith.constant 200 : i32
      %lt3A_315 = arith.cmpi slt, %add3A_313, %lt3A_314 : i32
      %convert_element_type3A_316 = arith.extui %lt3A_315 : i1 to i32
      %cond3A_317 = arith.constant 0 : i32
      %cond3A_318 = arith.cmpi ne, %convert_element_type3A_316, %cond3A_317 : i32
      scf.if %cond3A_318 {
        %ge3A = arith.constant 8 : i32
        %ge3A_578 = arith.cmpi sge, %add3A_313, %ge3A : i32
        %convert_element_type3A_579 = arith.extui %ge3A_578 : i1 to i32
        %cond3A_580 = arith.constant 0 : i32
        %cond3A_581 = arith.cmpi ne, %convert_element_type3A_579, %cond3A_580 : i32
        scf.if %cond3A_581 {
          %sub3A = arith.constant 8 : i32
          %sub3A_594 = arith.subi %add3A_313, %sub3A : i32
          %add3A_595 = arith.addi %mul3A_2, %sub3A_594 : i32
          %mul3A_596 = arith.constant 128 : i32
          %mul3A_597 = arith.muli %add3A_595, %mul3A_596 : i32
          %dma_wait3A_598 = arith.constant 0 : i32
          %dma_wait3A_599 = arith.constant 0 : i32
          %dma_wait3A_600 = arith.constant 0 : i32
          %dma_wait3A_601 = tpu.memref_slice %arg6[%dma_wait3A_599, %dma_wait3A_600] : memref<1024x64xf32, #tpu.memory_space<vmem>> -> memref<128x64xf32, #tpu.memory_space<vmem>>
          %dma_wait3A_602 = arith.constant 0 : i32
          %dma_wait3A_603 = tpu.memref_slice %arg4[%mul3A_597, %dma_wait3A_602] : memref<819200x128xf32, #tpu.memory_space<hbm>> -> memref<128x64xf32, #tpu.memory_space<hbm>>
          %dma_wait3A_604 = tpu.memref_slice %arg8[%dma_wait3A_598] : memref<8x!tpu.dma_semaphore, #tpu.memory_space<semaphore_mem>> -> memref<1x!tpu.dma_semaphore, #tpu.memory_space<semaphore_mem>>
          %dma_wait3A_605 = tpu.memref_squeeze %dma_wait3A_604 : memref<1x!tpu.dma_semaphore, #tpu.memory_space<semaphore_mem>> -> memref<!tpu.dma_semaphore, #tpu.memory_space<semaphore_mem>>
          %dma_wait3A_606 = arith.constant 0 : i32
          %dma_wait3A_607 = tpu.memref_slice %arg4[%mul3A_597, %dma_wait3A_606] : memref<819200x128xf32, #tpu.memory_space<hbm>> -> memref<128x64xf32, #tpu.memory_space<hbm>>
          %dma_wait3A_608 = arith.constant 0 : i32
          %dma_wait3A_609 = arith.constant 0 : i32
          %dma_wait3A_610 = tpu.memref_slice %arg6[%dma_wait3A_608, %dma_wait3A_609] : memref<1024x64xf32, #tpu.memory_space<vmem>> -> memref<128x64xf32, #tpu.memory_space<vmem>>
          tpu.wait_dma2 semaphore(%dma_wait3A_605 : memref<!tpu.dma_semaphore, #tpu.memory_space<semaphore_mem>>) src(%dma_wait3A_610 : memref<128x64xf32, #tpu.memory_space<vmem>>) dst(%dma_wait3A_607 : memref<128x64xf32, #tpu.memory_space<hbm>>)
        } else {
        }
        %dma_start3A_582 = arith.constant 0 : i32
        %dma_start3A_583 = arith.constant 0 : i32
        %dma_start3A_584 = arith.constant 0 : i32
        %dma_start3A_585 = tpu.memref_slice %arg6[%dma_start3A_583, %dma_start3A_584] : memref<1024x64xf32, #tpu.memory_space<vmem>> -> memref<128x64xf32, #tpu.memory_space<vmem>>
        %dma_start3A_586 = arith.constant 0 : i32
        %dma_start3A_587 = tpu.memref_slice %arg5[%add3A_313, %dma_start3A_586] : memref<200x128xi32, #tpu.memory_space<vmem>> -> memref<1x128xi32, #tpu.memory_space<vmem>>
        %dma_start3A_588 = tpu.memref_squeeze %dma_start3A_587 : memref<1x128xi32, #tpu.memory_space<vmem>> -> memref<128xi32, #tpu.memory_space<vmem>>
        %dma_start3A_589 = arith.constant 0 : i32
        %dma_start3A_590 = arith.constant 0 : i32
        %dma_start3A_591 = tpu.memref_slice %arg3[%dma_start3A_589, %dma_start3A_590] : memref<1000000x64xf32, #tpu.memory_space<hbm>> -> memref<1000000x64xf32, #tpu.memory_space<hbm>>
        %dma_start3A_592 = tpu.memref_slice %arg7[%dma_start3A_582] : memref<8x!tpu.dma_semaphore, #tpu.memory_space<semaphore_mem>> -> memref<1x!tpu.dma_semaphore, #tpu.memory_space<semaphore_mem>>
        %dma_start3A_593 = tpu.memref_squeeze %dma_start3A_592 : memref<1x!tpu.dma_semaphore, #tpu.memory_space<semaphore_mem>> -> memref<!tpu.dma_semaphore, #tpu.memory_space<semaphore_mem>>
        tpu.enqueue_indirect_dma source(%dma_start3A_591 : memref<1000000x64xf32, #tpu.memory_space<hbm>>) target(%dma_start3A_585 : memref<128x64xf32, #tpu.memory_space<vmem>>) offsets(%dma_start3A_588 : memref<128xi32, #tpu.memory_space<vmem>>) semaphore(%dma_start3A_593 : memref<!tpu.dma_semaphore, #tpu.memory_space<semaphore_mem>>)
      } else {
      }
      %dma_wait3A_319 = arith.constant 2 : i32
      %dma_wait3A_320 = arith.constant 256 : i32
      %dma_wait3A_321 = arith.constant 0 : i32
      %dma_wait3A_322 = tpu.memref_slice %arg6[%dma_wait3A_320, %dma_wait3A_321] : memref<1024x64xf32, #tpu.memory_space<vmem>> -> memref<128x64xf32, #tpu.memory_space<vmem>>
      %dma_wait3A_323 = arith.constant 0 : i32
      %dma_wait3A_324 = tpu.memref_slice %arg5[%add3A_311, %dma_wait3A_323] : memref<200x128xi32, #tpu.memory_space<vmem>> -> memref<1x128xi32, #tpu.memory_space<vmem>>
      %dma_wait3A_325 = tpu.memref_squeeze %dma_wait3A_324 : memref<1x128xi32, #tpu.memory_space<vmem>> -> memref<128xi32, #tpu.memory_space<vmem>>
      %dma_wait3A_326 = arith.constant 0 : i32
      %dma_wait3A_327 = arith.constant 0 : i32
      %dma_wait3A_328 = tpu.memref_slice %arg3[%dma_wait3A_326, %dma_wait3A_327] : memref<1000000x64xf32, #tpu.memory_space<hbm>> -> memref<1000000x64xf32, #tpu.memory_space<hbm>>
      %dma_wait3A_329 = tpu.memref_slice %arg7[%dma_wait3A_319] : memref<8x!tpu.dma_semaphore, #tpu.memory_space<semaphore_mem>> -> memref<1x!tpu.dma_semaphore, #tpu.memory_space<semaphore_mem>>
      %dma_wait3A_330 = tpu.memref_squeeze %dma_wait3A_329 : memref<1x!tpu.dma_semaphore, #tpu.memory_space<semaphore_mem>> -> memref<!tpu.dma_semaphore, #tpu.memory_space<semaphore_mem>>
      tpu.wait_indirect_dma semaphore(%dma_wait3A_330 : memref<!tpu.dma_semaphore, #tpu.memory_space<semaphore_mem>>) src(%dma_wait3A_328 : memref<1000000x64xf32, #tpu.memory_space<hbm>>) dst(%dma_wait3A_322 : memref<128x64xf32, #tpu.memory_space<vmem>>)
      %scan3A_331 = arith.constant 0 : i32
      %scan3A_332 = arith.constant 0 : i32
      %scan3A_333 = arith.constant 128 : i32
      %scan3A_334 = arith.addi %scan3A_332, %scan3A_333 : i32
      %scan3A_335 = arith.constant 4 : i32
      scf.for %scan3A_578 = %scan3A_332 to %scan3A_334 step %scan3A_335  : i32 {
        %add3A_579 = arith.constant 256 : i32
        %add3A_580 = arith.addi %add3A_579, %scan3A_578 : i32
        %get3A = arith.index_cast %add3A_580 : i32 to index
        %get3A_581 = arith.constant 0 : index
        %get3A_582 = tpu.vector_load %arg6[%get3A, %get3A_581] {strides = array<i32>} : memref<1024x64xf32, #tpu.memory_space<vmem>>, vector<16xf32>,
        %mul3A_583 = arith.constant 8.000000e+00 : f32
        %mul3A_584 = vector.broadcast %mul3A_583 : f32 to vector<16xf32>
        %mul3A_585 = arith.mulf %get3A_582, %mul3A_584 : vector<16xf32>
        %swap3A = arith.index_cast %add3A_580 : i32 to index
        %swap3A_586 = arith.constant 0 : index
        %swap3A_587 = tpu.vector_load %arg6[%swap3A, %swap3A_586] {strides = array<i32>} : memref<1024x64xf32, #tpu.memory_space<vmem>>, vector<16xf32>,
        tpu.vector_store %arg6[%swap3A, %swap3A_586], %mul3A_585 {strides = array<i32>} : memref<1024x64xf32, #tpu.memory_space<vmem>>, vector<16xf32>,
        %get3A_588 = arith.index_cast %add3A_580 : i32 to index
        %get3A_589 = arith.constant 16 : index
        %get3A_590 = tpu.vector_load %arg6[%get3A_588, %get3A_589] {strides = array<i32>} : memref<1024x64xf32, #tpu.memory_space<vmem>>, vector<16xf32>,
        %mul3A_591 = arith.constant 8.000000e+00 : f32
        %mul3A_592 = vector.broadcast %mul3A_591 : f32 to vector<16xf32>
        %mul3A_593 = arith.mulf %get3A_590, %mul3A_592 : vector<16xf32>
        %swap3A_594 = arith.index_cast %add3A_580 : i32 to index
        %swap3A_595 = arith.constant 16 : index
        %swap3A_596 = tpu.vector_load %arg6[%swap3A_594, %swap3A_595] {strides = array<i32>} : memref<1024x64xf32, #tpu.memory_space<vmem>>, vector<16xf32>,
        tpu.vector_store %arg6[%swap3A_594, %swap3A_595], %mul3A_593 {strides = array<i32>} : memref<1024x64xf32, #tpu.memory_space<vmem>>, vector<16xf32>,
        %get3A_597 = arith.index_cast %add3A_580 : i32 to index
        %get3A_598 = arith.constant 32 : index
        %get3A_599 = tpu.vector_load %arg6[%get3A_597, %get3A_598] {strides = array<i32>} : memref<1024x64xf32, #tpu.memory_space<vmem>>, vector<16xf32>,
        %mul3A_600 = arith.constant 8.000000e+00 : f32
        %mul3A_601 = vector.broadcast %mul3A_600 : f32 to vector<16xf32>
        %mul3A_602 = arith.mulf %get3A_599, %mul3A_601 : vector<16xf32>
        %swap3A_603 = arith.index_cast %add3A_580 : i32 to index
        %swap3A_604 = arith.constant 32 : index
        %swap3A_605 = tpu.vector_load %arg6[%swap3A_603, %swap3A_604] {strides = array<i32>} : memref<1024x64xf32, #tpu.memory_space<vmem>>, vector<16xf32>,
        tpu.vector_store %arg6[%swap3A_603, %swap3A_604], %mul3A_602 {strides = array<i32>} : memref<1024x64xf32, #tpu.memory_space<vmem>>, vector<16xf32>,
        %get3A_606 = arith.index_cast %add3A_580 : i32 to index
        %get3A_607 = arith.constant 48 : index
        %get3A_608 = tpu.vector_load %arg6[%get3A_606, %get3A_607] {strides = array<i32>} : memref<1024x64xf32, #tpu.memory_space<vmem>>, vector<16xf32>,
        %mul3A_609 = arith.constant 8.000000e+00 : f32
        %mul3A_610 = vector.broadcast %mul3A_609 : f32 to vector<16xf32>
        %mul3A_611 = arith.mulf %get3A_608, %mul3A_610 : vector<16xf32>
        %swap3A_612 = arith.index_cast %add3A_580 : i32 to index
        %swap3A_613 = arith.constant 48 : index
        %swap3A_614 = tpu.vector_load %arg6[%swap3A_612, %swap3A_613] {strides = array<i32>} : memref<1024x64xf32, #tpu.memory_space<vmem>>, vector<16xf32>,
        tpu.vector_store %arg6[%swap3A_612, %swap3A_613], %mul3A_611 {strides = array<i32>} : memref<1024x64xf32, #tpu.memory_space<vmem>>, vector<16xf32>,
        %scan3A_615 = arith.constant 1 : i32
        %scan3A_616 = arith.addi %scan3A_578, %scan3A_615 : i32
        %add3A_617 = arith.constant 256 : i32
        %add3A_618 = arith.addi %add3A_617, %scan3A_616 : i32
        %get3A_619 = arith.index_cast %add3A_618 : i32 to index
        %get3A_620 = arith.constant 0 : index
        %get3A_621 = tpu.vector_load %arg6[%get3A_619, %get3A_620] {strides = array<i32>} : memref<1024x64xf32, #tpu.memory_space<vmem>>, vector<16xf32>,
        %mul3A_622 = arith.constant 8.000000e+00 : f32
        %mul3A_623 = vector.broadcast %mul3A_622 : f32 to vector<16xf32>
        %mul3A_624 = arith.mulf %get3A_621, %mul3A_623 : vector<16xf32>
        %swap3A_625 = arith.index_cast %add3A_618 : i32 to index
        %swap3A_626 = arith.constant 0 : index
        %swap3A_627 = tpu.vector_load %arg6[%swap3A_625, %swap3A_626] {strides = array<i32>} : memref<1024x64xf32, #tpu.memory_space<vmem>>, vector<16xf32>,
        tpu.vector_store %arg6[%swap3A_625, %swap3A_626], %mul3A_624 {strides = array<i32>} : memref<1024x64xf32, #tpu.memory_space<vmem>>, vector<16xf32>,
        %get3A_628 = arith.index_cast %add3A_618 : i32 to index
        %get3A_629 = arith.constant 16 : index
        %get3A_630 = tpu.vector_load %arg6[%get3A_628, %get3A_629] {strides = array<i32>} : memref<1024x64xf32, #tpu.memory_space<vmem>>, vector<16xf32>,
        %mul3A_631 = arith.constant 8.000000e+00 : f32
        %mul3A_632 = vector.broadcast %mul3A_631 : f32 to vector<16xf32>
        %mul3A_633 = arith.mulf %get3A_630, %mul3A_632 : vector<16xf32>
        %swap3A_634 = arith.index_cast %add3A_618 : i32 to index
        %swap3A_635 = arith.constant 16 : index
        %swap3A_636 = tpu.vector_load %arg6[%swap3A_634, %swap3A_635] {strides = array<i32>} : memref<1024x64xf32, #tpu.memory_space<vmem>>, vector<16xf32>,
        tpu.vector_store %arg6[%swap3A_634, %swap3A_635], %mul3A_633 {strides = array<i32>} : memref<1024x64xf32, #tpu.memory_space<vmem>>, vector<16xf32>,
        %get3A_637 = arith.index_cast %add3A_618 : i32 to index
        %get3A_638 = arith.constant 32 : index
        %get3A_639 = tpu.vector_load %arg6[%get3A_637, %get3A_638] {strides = array<i32>} : memref<1024x64xf32, #tpu.memory_space<vmem>>, vector<16xf32>,
        %mul3A_640 = arith.constant 8.000000e+00 : f32
        %mul3A_641 = vector.broadcast %mul3A_640 : f32 to vector<16xf32>
        %mul3A_642 = arith.mulf %get3A_639, %mul3A_641 : vector<16xf32>
        %swap3A_643 = arith.index_cast %add3A_618 : i32 to index
        %swap3A_644 = arith.constant 32 : index
        %swap3A_645 = tpu.vector_load %arg6[%swap3A_643, %swap3A_644] {strides = array<i32>} : memref<1024x64xf32, #tpu.memory_space<vmem>>, vector<16xf32>,
        tpu.vector_store %arg6[%swap3A_643, %swap3A_644], %mul3A_642 {strides = array<i32>} : memref<1024x64xf32, #tpu.memory_space<vmem>>, vector<16xf32>,
        %get3A_646 = arith.index_cast %add3A_618 : i32 to index
        %get3A_647 = arith.constant 48 : index
        %get3A_648 = tpu.vector_load %arg6[%get3A_646, %get3A_647] {strides = array<i32>} : memref<1024x64xf32, #tpu.memory_space<vmem>>, vector<16xf32>,
        %mul3A_649 = arith.constant 8.000000e+00 : f32
        %mul3A_650 = vector.broadcast %mul3A_649 : f32 to vector<16xf32>
        %mul3A_651 = arith.mulf %get3A_648, %mul3A_650 : vector<16xf32>
        %swap3A_652 = arith.index_cast %add3A_618 : i32 to index
        %swap3A_653 = arith.constant 48 : index
        %swap3A_654 = tpu.vector_load %arg6[%swap3A_652, %swap3A_653] {strides = array<i32>} : memref<1024x64xf32, #tpu.memory_space<vmem>>, vector<16xf32>,
        tpu.vector_store %arg6[%swap3A_652, %swap3A_653], %mul3A_651 {strides = array<i32>} : memref<1024x64xf32, #tpu.memory_space<vmem>>, vector<16xf32>,
        %scan3A_655 = arith.constant 2 : i32
        %scan3A_656 = arith.addi %scan3A_578, %scan3A_655 : i32
        %add3A_657 = arith.constant 256 : i32
        %add3A_658 = arith.addi %add3A_657, %scan3A_656 : i32
        %get3A_659 = arith.index_cast %add3A_658 : i32 to index
        %get3A_660 = arith.constant 0 : index
        %get3A_661 = tpu.vector_load %arg6[%get3A_659, %get3A_660] {strides = array<i32>} : memref<1024x64xf32, #tpu.memory_space<vmem>>, vector<16xf32>,
        %mul3A_662 = arith.constant 8.000000e+00 : f32
        %mul3A_663 = vector.broadcast %mul3A_662 : f32 to vector<16xf32>
        %mul3A_664 = arith.mulf %get3A_661, %mul3A_663 : vector<16xf32>
        %swap3A_665 = arith.index_cast %add3A_658 : i32 to index
        %swap3A_666 = arith.constant 0 : index
        %swap3A_667 = tpu.vector_load %arg6[%swap3A_665, %swap3A_666] {strides = array<i32>} : memref<1024x64xf32, #tpu.memory_space<vmem>>, vector<16xf32>,
        tpu.vector_store %arg6[%swap3A_665, %swap3A_666], %mul3A_664 {strides = array<i32>} : memref<1024x64xf32, #tpu.memory_space<vmem>>, vector<16xf32>,
        %get3A_668 = arith.index_cast %add3A_658 : i32 to index
        %get3A_669 = arith.constant 16 : index
        %get3A_670 = tpu.vector_load %arg6[%get3A_668, %get3A_669] {strides = array<i32>} : memref<1024x64xf32, #tpu.memory_space<vmem>>, vector<16xf32>,
        %mul3A_671 = arith.constant 8.000000e+00 : f32
        %mul3A_672 = vector.broadcast %mul3A_671 : f32 to vector<16xf32>
        %mul3A_673 = arith.mulf %get3A_670, %mul3A_672 : vector<16xf32>
        %swap3A_674 = arith.index_cast %add3A_658 : i32 to index
        %swap3A_675 = arith.constant 16 : index
        %swap3A_676 = tpu.vector_load %arg6[%swap3A_674, %swap3A_675] {strides = array<i32>} : memref<1024x64xf32, #tpu.memory_space<vmem>>, vector<16xf32>,
        tpu.vector_store %arg6[%swap3A_674, %swap3A_675], %mul3A_673 {strides = array<i32>} : memref<1024x64xf32, #tpu.memory_space<vmem>>, vector<16xf32>,
        %get3A_677 = arith.index_cast %add3A_658 : i32 to index
        %get3A_678 = arith.constant 32 : index
        %get3A_679 = tpu.vector_load %arg6[%get3A_677, %get3A_678] {strides = array<i32>} : memref<1024x64xf32, #tpu.memory_space<vmem>>, vector<16xf32>,
        %mul3A_680 = arith.constant 8.000000e+00 : f32
        %mul3A_681 = vector.broadcast %mul3A_680 : f32 to vector<16xf32>
        %mul3A_682 = arith.mulf %get3A_679, %mul3A_681 : vector<16xf32>
        %swap3A_683 = arith.index_cast %add3A_658 : i32 to index
        %swap3A_684 = arith.constant 32 : index
        %swap3A_685 = tpu.vector_load %arg6[%swap3A_683, %swap3A_684] {strides = array<i32>} : memref<1024x64xf32, #tpu.memory_space<vmem>>, vector<16xf32>,
        tpu.vector_store %arg6[%swap3A_683, %swap3A_684], %mul3A_682 {strides = array<i32>} : memref<1024x64xf32, #tpu.memory_space<vmem>>, vector<16xf32>,
        %get3A_686 = arith.index_cast %add3A_658 : i32 to index
        %get3A_687 = arith.constant 48 : index
        %get3A_688 = tpu.vector_load %arg6[%get3A_686, %get3A_687] {strides = array<i32>} : memref<1024x64xf32, #tpu.memory_space<vmem>>, vector<16xf32>,
        %mul3A_689 = arith.constant 8.000000e+00 : f32
        %mul3A_690 = vector.broadcast %mul3A_689 : f32 to vector<16xf32>
        %mul3A_691 = arith.mulf %get3A_688, %mul3A_690 : vector<16xf32>
        %swap3A_692 = arith.index_cast %add3A_658 : i32 to index
        %swap3A_693 = arith.constant 48 : index
        %swap3A_694 = tpu.vector_load %arg6[%swap3A_692, %swap3A_693] {strides = array<i32>} : memref<1024x64xf32, #tpu.memory_space<vmem>>, vector<16xf32>,
        tpu.vector_store %arg6[%swap3A_692, %swap3A_693], %mul3A_691 {strides = array<i32>} : memref<1024x64xf32, #tpu.memory_space<vmem>>, vector<16xf32>,
        %scan3A_695 = arith.constant 3 : i32
        %scan3A_696 = arith.addi %scan3A_578, %scan3A_695 : i32
        %add3A_697 = arith.constant 256 : i32
        %add3A_698 = arith.addi %add3A_697, %scan3A_696 : i32
        %get3A_699 = arith.index_cast %add3A_698 : i32 to index
        %get3A_700 = arith.constant 0 : index
        %get3A_701 = tpu.vector_load %arg6[%get3A_699, %get3A_700] {strides = array<i32>} : memref<1024x64xf32, #tpu.memory_space<vmem>>, vector<16xf32>,
        %mul3A_702 = arith.constant 8.000000e+00 : f32
        %mul3A_703 = vector.broadcast %mul3A_702 : f32 to vector<16xf32>
        %mul3A_704 = arith.mulf %get3A_701, %mul3A_703 : vector<16xf32>
        %swap3A_705 = arith.index_cast %add3A_698 : i32 to index
        %swap3A_706 = arith.constant 0 : index
        %swap3A_707 = tpu.vector_load %arg6[%swap3A_705, %swap3A_706] {strides = array<i32>} : memref<1024x64xf32, #tpu.memory_space<vmem>>, vector<16xf32>,
        tpu.vector_store %arg6[%swap3A_705, %swap3A_706], %mul3A_704 {strides = array<i32>} : memref<1024x64xf32, #tpu.memory_space<vmem>>, vector<16xf32>,
        %get3A_708 = arith.index_cast %add3A_698 : i32 to index
        %get3A_709 = arith.constant 16 : index
        %get3A_710 = tpu.vector_load %arg6[%get3A_708, %get3A_709] {strides = array<i32>} : memref<1024x64xf32, #tpu.memory_space<vmem>>, vector<16xf32>,
        %mul3A_711 = arith.constant 8.000000e+00 : f32
        %mul3A_712 = vector.broadcast %mul3A_711 : f32 to vector<16xf32>
        %mul3A_713 = arith.mulf %get3A_710, %mul3A_712 : vector<16xf32>
        %swap3A_714 = arith.index_cast %add3A_698 : i32 to index
        %swap3A_715 = arith.constant 16 : index
        %swap3A_716 = tpu.vector_load %arg6[%swap3A_714, %swap3A_715] {strides = array<i32>} : memref<1024x64xf32, #tpu.memory_space<vmem>>, vector<16xf32>,
        tpu.vector_store %arg6[%swap3A_714, %swap3A_715], %mul3A_713 {strides = array<i32>} : memref<1024x64xf32, #tpu.memory_space<vmem>>, vector<16xf32>,
        %get3A_717 = arith.index_cast %add3A_698 : i32 to index
        %get3A_718 = arith.constant 32 : index
        %get3A_719 = tpu.vector_load %arg6[%get3A_717, %get3A_718] {strides = array<i32>} : memref<1024x64xf32, #tpu.memory_space<vmem>>, vector<16xf32>,
        %mul3A_720 = arith.constant 8.000000e+00 : f32
        %mul3A_721 = vector.broadcast %mul3A_720 : f32 to vector<16xf32>
        %mul3A_722 = arith.mulf %get3A_719, %mul3A_721 : vector<16xf32>
        %swap3A_723 = arith.index_cast %add3A_698 : i32 to index
        %swap3A_724 = arith.constant 32 : index
        %swap3A_725 = tpu.vector_load %arg6[%swap3A_723, %swap3A_724] {strides = array<i32>} : memref<1024x64xf32, #tpu.memory_space<vmem>>, vector<16xf32>,
        tpu.vector_store %arg6[%swap3A_723, %swap3A_724], %mul3A_722 {strides = array<i32>} : memref<1024x64xf32, #tpu.memory_space<vmem>>, vector<16xf32>,
        %get3A_726 = arith.index_cast %add3A_698 : i32 to index
        %get3A_727 = arith.constant 48 : index
        %get3A_728 = tpu.vector_load %arg6[%get3A_726, %get3A_727] {strides = array<i32>} : memref<1024x64xf32, #tpu.memory_space<vmem>>, vector<16xf32>,
        %mul3A_729 = arith.constant 8.000000e+00 : f32
        %mul3A_730 = vector.broadcast %mul3A_729 : f32 to vector<16xf32>
        %mul3A_731 = arith.mulf %get3A_728, %mul3A_730 : vector<16xf32>
        %swap3A_732 = arith.index_cast %add3A_698 : i32 to index
        %swap3A_733 = arith.constant 48 : index
        %swap3A_734 = tpu.vector_load %arg6[%swap3A_732, %swap3A_733] {strides = array<i32>} : memref<1024x64xf32, #tpu.memory_space<vmem>>, vector<16xf32>,
        tpu.vector_store %arg6[%swap3A_732, %swap3A_733], %mul3A_731 {strides = array<i32>} : memref<1024x64xf32, #tpu.memory_space<vmem>>, vector<16xf32>,
      }
      %scan3A_336 = arith.constant 128 : i32
      %add3A_337 = arith.addi %mul3A_2, %add3A_311 : i32
      %mul3A_338 = arith.constant 128 : i32
      %mul3A_339 = arith.muli %add3A_337, %mul3A_338 : i32
      %dma_start3A_340 = arith.constant 2 : i32
      %dma_start3A_341 = arith.constant 256 : i32
      %dma_start3A_342 = arith.constant 0 : i32
      %dma_start3A_343 = tpu.memref_slice %arg6[%dma_start3A_341, %dma_start3A_342] : memref<1024x64xf32, #tpu.memory_space<vmem>> -> memref<128x64xf32, #tpu.memory_space<vmem>>
      %dma_start3A_344 = arith.constant 0 : i32
      %dma_start3A_345 = tpu.memref_slice %arg4[%mul3A_339, %dma_start3A_344] : memref<819200x128xf32, #tpu.memory_space<hbm>> -> memref<128x64xf32, #tpu.memory_space<hbm>>
      %dma_start3A_346 = tpu.memref_slice %arg8[%dma_start3A_340] : memref<8x!tpu.dma_semaphore, #tpu.memory_space<semaphore_mem>> -> memref<1x!tpu.dma_semaphore, #tpu.memory_space<semaphore_mem>>
      %dma_start3A_347 = tpu.memref_squeeze %dma_start3A_346 : memref<1x!tpu.dma_semaphore, #tpu.memory_space<semaphore_mem>> -> memref<!tpu.dma_semaphore, #tpu.memory_space<semaphore_mem>>
      %dma_start3A_348 = arith.constant 0 : i32
      %dma_start3A_349 = tpu.memref_slice %arg4[%mul3A_339, %dma_start3A_348] : memref<819200x128xf32, #tpu.memory_space<hbm>> -> memref<128x64xf32, #tpu.memory_space<hbm>>
      %dma_start3A_350 = arith.constant 256 : i32
      %dma_start3A_351 = arith.constant 0 : i32
      %dma_start3A_352 = tpu.memref_slice %arg6[%dma_start3A_350, %dma_start3A_351] : memref<1024x64xf32, #tpu.memory_space<vmem>> -> memref<128x64xf32, #tpu.memory_space<vmem>>
      tpu.enqueue_dma source(%dma_start3A_352 : memref<128x64xf32, #tpu.memory_space<vmem>>) target(%dma_start3A_349 : memref<128x64xf32, #tpu.memory_space<hbm>>) target_semaphore(%dma_start3A_347 : memref<!tpu.dma_semaphore, #tpu.memory_space<semaphore_mem>>)
      %mul3A_353 = arith.constant 8 : i32
      %mul3A_354 = arith.muli %scan3A_220, %mul3A_353 : i32
      %add3A_355 = arith.constant 3 : i32
      %add3A_356 = arith.addi %mul3A_354, %add3A_355 : i32
      %add3A_357 = arith.constant 6 : i32
      %add3A_358 = arith.addi %add3A_356, %add3A_357 : i32
      %lt3A_359 = arith.constant 200 : i32
      %lt3A_360 = arith.cmpi slt, %add3A_358, %lt3A_359 : i32
      %convert_element_type3A_361 = arith.extui %lt3A_360 : i1 to i32
      %cond3A_362 = arith.constant 0 : i32
      %cond3A_363 = arith.cmpi ne, %convert_element_type3A_361, %cond3A_362 : i32
      scf.if %cond3A_363 {
        %ge3A = arith.constant 8 : i32
        %ge3A_578 = arith.cmpi sge, %add3A_358, %ge3A : i32
        %convert_element_type3A_579 = arith.extui %ge3A_578 : i1 to i32
        %cond3A_580 = arith.constant 0 : i32
        %cond3A_581 = arith.cmpi ne, %convert_element_type3A_579, %cond3A_580 : i32
        scf.if %cond3A_581 {
          %sub3A = arith.constant 8 : i32
          %sub3A_594 = arith.subi %add3A_358, %sub3A : i32
          %add3A_595 = arith.addi %mul3A_2, %sub3A_594 : i32
          %mul3A_596 = arith.constant 128 : i32
          %mul3A_597 = arith.muli %add3A_595, %mul3A_596 : i32
          %dma_wait3A_598 = arith.constant 1 : i32
          %dma_wait3A_599 = arith.constant 128 : i32
          %dma_wait3A_600 = arith.constant 0 : i32
          %dma_wait3A_601 = tpu.memref_slice %arg6[%dma_wait3A_599, %dma_wait3A_600] : memref<1024x64xf32, #tpu.memory_space<vmem>> -> memref<128x64xf32, #tpu.memory_space<vmem>>
          %dma_wait3A_602 = arith.constant 0 : i32
          %dma_wait3A_603 = tpu.memref_slice %arg4[%mul3A_597, %dma_wait3A_602] : memref<819200x128xf32, #tpu.memory_space<hbm>> -> memref<128x64xf32, #tpu.memory_space<hbm>>
          %dma_wait3A_604 = tpu.memref_slice %arg8[%dma_wait3A_598] : memref<8x!tpu.dma_semaphore, #tpu.memory_space<semaphore_mem>> -> memref<1x!tpu.dma_semaphore, #tpu.memory_space<semaphore_mem>>
          %dma_wait3A_605 = tpu.memref_squeeze %dma_wait3A_604 : memref<1x!tpu.dma_semaphore, #tpu.memory_space<semaphore_mem>> -> memref<!tpu.dma_semaphore, #tpu.memory_space<semaphore_mem>>
          %dma_wait3A_606 = arith.constant 0 : i32
          %dma_wait3A_607 = tpu.memref_slice %arg4[%mul3A_597, %dma_wait3A_606] : memref<819200x128xf32, #tpu.memory_space<hbm>> -> memref<128x64xf32, #tpu.memory_space<hbm>>
          %dma_wait3A_608 = arith.constant 128 : i32
          %dma_wait3A_609 = arith.constant 0 : i32
          %dma_wait3A_610 = tpu.memref_slice %arg6[%dma_wait3A_608, %dma_wait3A_609] : memref<1024x64xf32, #tpu.memory_space<vmem>> -> memref<128x64xf32, #tpu.memory_space<vmem>>
          tpu.wait_dma2 semaphore(%dma_wait3A_605 : memref<!tpu.dma_semaphore, #tpu.memory_space<semaphore_mem>>) src(%dma_wait3A_610 : memref<128x64xf32, #tpu.memory_space<vmem>>) dst(%dma_wait3A_607 : memref<128x64xf32, #tpu.memory_space<hbm>>)
        } else {
        }
        %dma_start3A_582 = arith.constant 1 : i32
        %dma_start3A_583 = arith.constant 128 : i32
        %dma_start3A_584 = arith.constant 0 : i32
        %dma_start3A_585 = tpu.memref_slice %arg6[%dma_start3A_583, %dma_start3A_584] : memref<1024x64xf32, #tpu.memory_space<vmem>> -> memref<128x64xf32, #tpu.memory_space<vmem>>
        %dma_start3A_586 = arith.constant 0 : i32
        %dma_start3A_587 = tpu.memref_slice %arg5[%add3A_358, %dma_start3A_586] : memref<200x128xi32, #tpu.memory_space<vmem>> -> memref<1x128xi32, #tpu.memory_space<vmem>>
        %dma_start3A_588 = tpu.memref_squeeze %dma_start3A_587 : memref<1x128xi32, #tpu.memory_space<vmem>> -> memref<128xi32, #tpu.memory_space<vmem>>
        %dma_start3A_589 = arith.constant 0 : i32
        %dma_start3A_590 = arith.constant 0 : i32
        %dma_start3A_591 = tpu.memref_slice %arg3[%dma_start3A_589, %dma_start3A_590] : memref<1000000x64xf32, #tpu.memory_space<hbm>> -> memref<1000000x64xf32, #tpu.memory_space<hbm>>
        %dma_start3A_592 = tpu.memref_slice %arg7[%dma_start3A_582] : memref<8x!tpu.dma_semaphore, #tpu.memory_space<semaphore_mem>> -> memref<1x!tpu.dma_semaphore, #tpu.memory_space<semaphore_mem>>
        %dma_start3A_593 = tpu.memref_squeeze %dma_start3A_592 : memref<1x!tpu.dma_semaphore, #tpu.memory_space<semaphore_mem>> -> memref<!tpu.dma_semaphore, #tpu.memory_space<semaphore_mem>>
        tpu.enqueue_indirect_dma source(%dma_start3A_591 : memref<1000000x64xf32, #tpu.memory_space<hbm>>) target(%dma_start3A_585 : memref<128x64xf32, #tpu.memory_space<vmem>>) offsets(%dma_start3A_588 : memref<128xi32, #tpu.memory_space<vmem>>) semaphore(%dma_start3A_593 : memref<!tpu.dma_semaphore, #tpu.memory_space<semaphore_mem>>)
      } else {
      }
      %dma_wait3A_364 = arith.constant 3 : i32
      %dma_wait3A_365 = arith.constant 384 : i32
      %dma_wait3A_366 = arith.constant 0 : i32
      %dma_wait3A_367 = tpu.memref_slice %arg6[%dma_wait3A_365, %dma_wait3A_366] : memref<1024x64xf32, #tpu.memory_space<vmem>> -> memref<128x64xf32, #tpu.memory_space<vmem>>
      %dma_wait3A_368 = arith.constant 0 : i32
      %dma_wait3A_369 = tpu.memref_slice %arg5[%add3A_356, %dma_wait3A_368] : memref<200x128xi32, #tpu.memory_space<vmem>> -> memref<1x128xi32, #tpu.memory_space<vmem>>
      %dma_wait3A_370 = tpu.memref_squeeze %dma_wait3A_369 : memref<1x128xi32, #tpu.memory_space<vmem>> -> memref<128xi32, #tpu.memory_space<vmem>>
      %dma_wait3A_371 = arith.constant 0 : i32
      %dma_wait3A_372 = arith.constant 0 : i32
      %dma_wait3A_373 = tpu.memref_slice %arg3[%dma_wait3A_371, %dma_wait3A_372] : memref<1000000x64xf32, #tpu.memory_space<hbm>> -> memref<1000000x64xf32, #tpu.memory_space<hbm>>
      %dma_wait3A_374 = tpu.memref_slice %arg7[%dma_wait3A_364] : memref<8x!tpu.dma_semaphore, #tpu.memory_space<semaphore_mem>> -> memref<1x!tpu.dma_semaphore, #tpu.memory_space<semaphore_mem>>
      %dma_wait3A_375 = tpu.memref_squeeze %dma_wait3A_374 : memref<1x!tpu.dma_semaphore, #tpu.memory_space<semaphore_mem>> -> memref<!tpu.dma_semaphore, #tpu.memory_space<semaphore_mem>>
      tpu.wait_indirect_dma semaphore(%dma_wait3A_375 : memref<!tpu.dma_semaphore, #tpu.memory_space<semaphore_mem>>) src(%dma_wait3A_373 : memref<1000000x64xf32, #tpu.memory_space<hbm>>) dst(%dma_wait3A_367 : memref<128x64xf32, #tpu.memory_space<vmem>>)
      %scan3A_376 = arith.constant 0 : i32
      %scan3A_377 = arith.constant 0 : i32
      %scan3A_378 = arith.constant 128 : i32
      %scan3A_379 = arith.addi %scan3A_377, %scan3A_378 : i32
      %scan3A_380 = arith.constant 4 : i32
      scf.for %scan3A_578 = %scan3A_377 to %scan3A_379 step %scan3A_380  : i32 {
        %add3A_579 = arith.constant 384 : i32
        %add3A_580 = arith.addi %add3A_579, %scan3A_578 : i32
        %get3A = arith.index_cast %add3A_580 : i32 to index
        %get3A_581 = arith.constant 0 : index
        %get3A_582 = tpu.vector_load %arg6[%get3A, %get3A_581] {strides = array<i32>} : memref<1024x64xf32, #tpu.memory_space<vmem>>, vector<16xf32>,
        %mul3A_583 = arith.constant 8.000000e+00 : f32
        %mul3A_584 = vector.broadcast %mul3A_583 : f32 to vector<16xf32>
        %mul3A_585 = arith.mulf %get3A_582, %mul3A_584 : vector<16xf32>
        %swap3A = arith.index_cast %add3A_580 : i32 to index
        %swap3A_586 = arith.constant 0 : index
        %swap3A_587 = tpu.vector_load %arg6[%swap3A, %swap3A_586] {strides = array<i32>} : memref<1024x64xf32, #tpu.memory_space<vmem>>, vector<16xf32>,
        tpu.vector_store %arg6[%swap3A, %swap3A_586], %mul3A_585 {strides = array<i32>} : memref<1024x64xf32, #tpu.memory_space<vmem>>, vector<16xf32>,
        %get3A_588 = arith.index_cast %add3A_580 : i32 to index
        %get3A_589 = arith.constant 16 : index
        %get3A_590 = tpu.vector_load %arg6[%get3A_588, %get3A_589] {strides = array<i32>} : memref<1024x64xf32, #tpu.memory_space<vmem>>, vector<16xf32>,
        %mul3A_591 = arith.constant 8.000000e+00 : f32
        %mul3A_592 = vector.broadcast %mul3A_591 : f32 to vector<16xf32>
        %mul3A_593 = arith.mulf %get3A_590, %mul3A_592 : vector<16xf32>
        %swap3A_594 = arith.index_cast %add3A_580 : i32 to index
        %swap3A_595 = arith.constant 16 : index
        %swap3A_596 = tpu.vector_load %arg6[%swap3A_594, %swap3A_595] {strides = array<i32>} : memref<1024x64xf32, #tpu.memory_space<vmem>>, vector<16xf32>,
        tpu.vector_store %arg6[%swap3A_594, %swap3A_595], %mul3A_593 {strides = array<i32>} : memref<1024x64xf32, #tpu.memory_space<vmem>>, vector<16xf32>,
        %get3A_597 = arith.index_cast %add3A_580 : i32 to index
        %get3A_598 = arith.constant 32 : index
        %get3A_599 = tpu.vector_load %arg6[%get3A_597, %get3A_598] {strides = array<i32>} : memref<1024x64xf32, #tpu.memory_space<vmem>>, vector<16xf32>,
        %mul3A_600 = arith.constant 8.000000e+00 : f32
        %mul3A_601 = vector.broadcast %mul3A_600 : f32 to vector<16xf32>
        %mul3A_602 = arith.mulf %get3A_599, %mul3A_601 : vector<16xf32>
        %swap3A_603 = arith.index_cast %add3A_580 : i32 to index
        %swap3A_604 = arith.constant 32 : index
        %swap3A_605 = tpu.vector_load %arg6[%swap3A_603, %swap3A_604] {strides = array<i32>} : memref<1024x64xf32, #tpu.memory_space<vmem>>, vector<16xf32>,
        tpu.vector_store %arg6[%swap3A_603, %swap3A_604], %mul3A_602 {strides = array<i32>} : memref<1024x64xf32, #tpu.memory_space<vmem>>, vector<16xf32>,
        %get3A_606 = arith.index_cast %add3A_580 : i32 to index
        %get3A_607 = arith.constant 48 : index
        %get3A_608 = tpu.vector_load %arg6[%get3A_606, %get3A_607] {strides = array<i32>} : memref<1024x64xf32, #tpu.memory_space<vmem>>, vector<16xf32>,
        %mul3A_609 = arith.constant 8.000000e+00 : f32
        %mul3A_610 = vector.broadcast %mul3A_609 : f32 to vector<16xf32>
        %mul3A_611 = arith.mulf %get3A_608, %mul3A_610 : vector<16xf32>
        %swap3A_612 = arith.index_cast %add3A_580 : i32 to index
        %swap3A_613 = arith.constant 48 : index
        %swap3A_614 = tpu.vector_load %arg6[%swap3A_612, %swap3A_613] {strides = array<i32>} : memref<1024x64xf32, #tpu.memory_space<vmem>>, vector<16xf32>,
        tpu.vector_store %arg6[%swap3A_612, %swap3A_613], %mul3A_611 {strides = array<i32>} : memref<1024x64xf32, #tpu.memory_space<vmem>>, vector<16xf32>,
        %scan3A_615 = arith.constant 1 : i32
        %scan3A_616 = arith.addi %scan3A_578, %scan3A_615 : i32
        %add3A_617 = arith.constant 384 : i32
        %add3A_618 = arith.addi %add3A_617, %scan3A_616 : i32
        %get3A_619 = arith.index_cast %add3A_618 : i32 to index
        %get3A_620 = arith.constant 0 : index
        %get3A_621 = tpu.vector_load %arg6[%get3A_619, %get3A_620] {strides = array<i32>} : memref<1024x64xf32, #tpu.memory_space<vmem>>, vector<16xf32>,
        %mul3A_622 = arith.constant 8.000000e+00 : f32
        %mul3A_623 = vector.broadcast %mul3A_622 : f32 to vector<16xf32>
        %mul3A_624 = arith.mulf %get3A_621, %mul3A_623 : vector<16xf32>
        %swap3A_625 = arith.index_cast %add3A_618 : i32 to index
        %swap3A_626 = arith.constant 0 : index
        %swap3A_627 = tpu.vector_load %arg6[%swap3A_625, %swap3A_626] {strides = array<i32>} : memref<1024x64xf32, #tpu.memory_space<vmem>>, vector<16xf32>,
        tpu.vector_store %arg6[%swap3A_625, %swap3A_626], %mul3A_624 {strides = array<i32>} : memref<1024x64xf32, #tpu.memory_space<vmem>>, vector<16xf32>,
        %get3A_628 = arith.index_cast %add3A_618 : i32 to index
        %get3A_629 = arith.constant 16 : index
        %get3A_630 = tpu.vector_load %arg6[%get3A_628, %get3A_629] {strides = array<i32>} : memref<1024x64xf32, #tpu.memory_space<vmem>>, vector<16xf32>,
        %mul3A_631 = arith.constant 8.000000e+00 : f32
        %mul3A_632 = vector.broadcast %mul3A_631 : f32 to vector<16xf32>
        %mul3A_633 = arith.mulf %get3A_630, %mul3A_632 : vector<16xf32>
        %swap3A_634 = arith.index_cast %add3A_618 : i32 to index
        %swap3A_635 = arith.constant 16 : index
        %swap3A_636 = tpu.vector_load %arg6[%swap3A_634, %swap3A_635] {strides = array<i32>} : memref<1024x64xf32, #tpu.memory_space<vmem>>, vector<16xf32>,
        tpu.vector_store %arg6[%swap3A_634, %swap3A_635], %mul3A_633 {strides = array<i32>} : memref<1024x64xf32, #tpu.memory_space<vmem>>, vector<16xf32>,
        %get3A_637 = arith.index_cast %add3A_618 : i32 to index
        %get3A_638 = arith.constant 32 : index
        %get3A_639 = tpu.vector_load %arg6[%get3A_637, %get3A_638] {strides = array<i32>} : memref<1024x64xf32, #tpu.memory_space<vmem>>, vector<16xf32>,
        %mul3A_640 = arith.constant 8.000000e+00 : f32
        %mul3A_641 = vector.broadcast %mul3A_640 : f32 to vector<16xf32>
        %mul3A_642 = arith.mulf %get3A_639, %mul3A_641 : vector<16xf32>
        %swap3A_643 = arith.index_cast %add3A_618 : i32 to index
        %swap3A_644 = arith.constant 32 : index
        %swap3A_645 = tpu.vector_load %arg6[%swap3A_643, %swap3A_644] {strides = array<i32>} : memref<1024x64xf32, #tpu.memory_space<vmem>>, vector<16xf32>,
        tpu.vector_store %arg6[%swap3A_643, %swap3A_644], %mul3A_642 {strides = array<i32>} : memref<1024x64xf32, #tpu.memory_space<vmem>>, vector<16xf32>,
        %get3A_646 = arith.index_cast %add3A_618 : i32 to index
        %get3A_647 = arith.constant 48 : index
        %get3A_648 = tpu.vector_load %arg6[%get3A_646, %get3A_647] {strides = array<i32>} : memref<1024x64xf32, #tpu.memory_space<vmem>>, vector<16xf32>,
        %mul3A_649 = arith.constant 8.000000e+00 : f32
        %mul3A_650 = vector.broadcast %mul3A_649 : f32 to vector<16xf32>
        %mul3A_651 = arith.mulf %get3A_648, %mul3A_650 : vector<16xf32>
        %swap3A_652 = arith.index_cast %add3A_618 : i32 to index
        %swap3A_653 = arith.constant 48 : index
        %swap3A_654 = tpu.vector_load %arg6[%swap3A_652, %swap3A_653] {strides = array<i32>} : memref<1024x64xf32, #tpu.memory_space<vmem>>, vector<16xf32>,
        tpu.vector_store %arg6[%swap3A_652, %swap3A_653], %mul3A_651 {strides = array<i32>} : memref<1024x64xf32, #tpu.memory_space<vmem>>, vector<16xf32>,
        %scan3A_655 = arith.constant 2 : i32
        %scan3A_656 = arith.addi %scan3A_578, %scan3A_655 : i32
        %add3A_657 = arith.constant 384 : i32
        %add3A_658 = arith.addi %add3A_657, %scan3A_656 : i32
        %get3A_659 = arith.index_cast %add3A_658 : i32 to index
        %get3A_660 = arith.constant 0 : index
        %get3A_661 = tpu.vector_load %arg6[%get3A_659, %get3A_660] {strides = array<i32>} : memref<1024x64xf32, #tpu.memory_space<vmem>>, vector<16xf32>,
        %mul3A_662 = arith.constant 8.000000e+00 : f32
        %mul3A_663 = vector.broadcast %mul3A_662 : f32 to vector<16xf32>
        %mul3A_664 = arith.mulf %get3A_661, %mul3A_663 : vector<16xf32>
        %swap3A_665 = arith.index_cast %add3A_658 : i32 to index
        %swap3A_666 = arith.constant 0 : index
        %swap3A_667 = tpu.vector_load %arg6[%swap3A_665, %swap3A_666] {strides = array<i32>} : memref<1024x64xf32, #tpu.memory_space<vmem>>, vector<16xf32>,
        tpu.vector_store %arg6[%swap3A_665, %swap3A_666], %mul3A_664 {strides = array<i32>} : memref<1024x64xf32, #tpu.memory_space<vmem>>, vector<16xf32>,
        %get3A_668 = arith.index_cast %add3A_658 : i32 to index
        %get3A_669 = arith.constant 16 : index
        %get3A_670 = tpu.vector_load %arg6[%get3A_668, %get3A_669] {strides = array<i32>} : memref<1024x64xf32, #tpu.memory_space<vmem>>, vector<16xf32>,
        %mul3A_671 = arith.constant 8.000000e+00 : f32
        %mul3A_672 = vector.broadcast %mul3A_671 : f32 to vector<16xf32>
        %mul3A_673 = arith.mulf %get3A_670, %mul3A_672 : vector<16xf32>
        %swap3A_674 = arith.index_cast %add3A_658 : i32 to index
        %swap3A_675 = arith.constant 16 : index
        %swap3A_676 = tpu.vector_load %arg6[%swap3A_674, %swap3A_675] {strides = array<i32>} : memref<1024x64xf32, #tpu.memory_space<vmem>>, vector<16xf32>,
        tpu.vector_store %arg6[%swap3A_674, %swap3A_675], %mul3A_673 {strides = array<i32>} : memref<1024x64xf32, #tpu.memory_space<vmem>>, vector<16xf32>,
        %get3A_677 = arith.index_cast %add3A_658 : i32 to index
        %get3A_678 = arith.constant 32 : index
        %get3A_679 = tpu.vector_load %arg6[%get3A_677, %get3A_678] {strides = array<i32>} : memref<1024x64xf32, #tpu.memory_space<vmem>>, vector<16xf32>,
        %mul3A_680 = arith.constant 8.000000e+00 : f32
        %mul3A_681 = vector.broadcast %mul3A_680 : f32 to vector<16xf32>
        %mul3A_682 = arith.mulf %get3A_679, %mul3A_681 : vector<16xf32>
        %swap3A_683 = arith.index_cast %add3A_658 : i32 to index
        %swap3A_684 = arith.constant 32 : index
        %swap3A_685 = tpu.vector_load %arg6[%swap3A_683, %swap3A_684] {strides = array<i32>} : memref<1024x64xf32, #tpu.memory_space<vmem>>, vector<16xf32>,
        tpu.vector_store %arg6[%swap3A_683, %swap3A_684], %mul3A_682 {strides = array<i32>} : memref<1024x64xf32, #tpu.memory_space<vmem>>, vector<16xf32>,
        %get3A_686 = arith.index_cast %add3A_658 : i32 to index
        %get3A_687 = arith.constant 48 : index
        %get3A_688 = tpu.vector_load %arg6[%get3A_686, %get3A_687] {strides = array<i32>} : memref<1024x64xf32, #tpu.memory_space<vmem>>, vector<16xf32>,
        %mul3A_689 = arith.constant 8.000000e+00 : f32
        %mul3A_690 = vector.broadcast %mul3A_689 : f32 to vector<16xf32>
        %mul3A_691 = arith.mulf %get3A_688, %mul3A_690 : vector<16xf32>
        %swap3A_692 = arith.index_cast %add3A_658 : i32 to index
        %swap3A_693 = arith.constant 48 : index
        %swap3A_694 = tpu.vector_load %arg6[%swap3A_692, %swap3A_693] {strides = array<i32>} : memref<1024x64xf32, #tpu.memory_space<vmem>>, vector<16xf32>,
        tpu.vector_store %arg6[%swap3A_692, %swap3A_693], %mul3A_691 {strides = array<i32>} : memref<1024x64xf32, #tpu.memory_space<vmem>>, vector<16xf32>,
        %scan3A_695 = arith.constant 3 : i32
        %scan3A_696 = arith.addi %scan3A_578, %scan3A_695 : i32
        %add3A_697 = arith.constant 384 : i32
        %add3A_698 = arith.addi %add3A_697, %scan3A_696 : i32
        %get3A_699 = arith.index_cast %add3A_698 : i32 to index
        %get3A_700 = arith.constant 0 : index
        %get3A_701 = tpu.vector_load %arg6[%get3A_699, %get3A_700] {strides = array<i32>} : memref<1024x64xf32, #tpu.memory_space<vmem>>, vector<16xf32>,
        %mul3A_702 = arith.constant 8.000000e+00 : f32
        %mul3A_703 = vector.broadcast %mul3A_702 : f32 to vector<16xf32>
        %mul3A_704 = arith.mulf %get3A_701, %mul3A_703 : vector<16xf32>
        %swap3A_705 = arith.index_cast %add3A_698 : i32 to index
        %swap3A_706 = arith.constant 0 : index
        %swap3A_707 = tpu.vector_load %arg6[%swap3A_705, %swap3A_706] {strides = array<i32>} : memref<1024x64xf32, #tpu.memory_space<vmem>>, vector<16xf32>,
        tpu.vector_store %arg6[%swap3A_705, %swap3A_706], %mul3A_704 {strides = array<i32>} : memref<1024x64xf32, #tpu.memory_space<vmem>>, vector<16xf32>,
        %get3A_708 = arith.index_cast %add3A_698 : i32 to index
        %get3A_709 = arith.constant 16 : index
        %get3A_710 = tpu.vector_load %arg6[%get3A_708, %get3A_709] {strides = array<i32>} : memref<1024x64xf32, #tpu.memory_space<vmem>>, vector<16xf32>,
        %mul3A_711 = arith.constant 8.000000e+00 : f32
        %mul3A_712 = vector.broadcast %mul3A_711 : f32 to vector<16xf32>
        %mul3A_713 = arith.mulf %get3A_710, %mul3A_712 : vector<16xf32>
        %swap3A_714 = arith.index_cast %add3A_698 : i32 to index
        %swap3A_715 = arith.constant 16 : index
        %swap3A_716 = tpu.vector_load %arg6[%swap3A_714, %swap3A_715] {strides = array<i32>} : memref<1024x64xf32, #tpu.memory_space<vmem>>, vector<16xf32>,
        tpu.vector_store %arg6[%swap3A_714, %swap3A_715], %mul3A_713 {strides = array<i32>} : memref<1024x64xf32, #tpu.memory_space<vmem>>, vector<16xf32>,
        %get3A_717 = arith.index_cast %add3A_698 : i32 to index
        %get3A_718 = arith.constant 32 : index
        %get3A_719 = tpu.vector_load %arg6[%get3A_717, %get3A_718] {strides = array<i32>} : memref<1024x64xf32, #tpu.memory_space<vmem>>, vector<16xf32>,
        %mul3A_720 = arith.constant 8.000000e+00 : f32
        %mul3A_721 = vector.broadcast %mul3A_720 : f32 to vector<16xf32>
        %mul3A_722 = arith.mulf %get3A_719, %mul3A_721 : vector<16xf32>
        %swap3A_723 = arith.index_cast %add3A_698 : i32 to index
        %swap3A_724 = arith.constant 32 : index
        %swap3A_725 = tpu.vector_load %arg6[%swap3A_723, %swap3A_724] {strides = array<i32>} : memref<1024x64xf32, #tpu.memory_space<vmem>>, vector<16xf32>,
        tpu.vector_store %arg6[%swap3A_723, %swap3A_724], %mul3A_722 {strides = array<i32>} : memref<1024x64xf32, #tpu.memory_space<vmem>>, vector<16xf32>,
        %get3A_726 = arith.index_cast %add3A_698 : i32 to index
        %get3A_727 = arith.constant 48 : index
        %get3A_728 = tpu.vector_load %arg6[%get3A_726, %get3A_727] {strides = array<i32>} : memref<1024x64xf32, #tpu.memory_space<vmem>>, vector<16xf32>,
        %mul3A_729 = arith.constant 8.000000e+00 : f32
        %mul3A_730 = vector.broadcast %mul3A_729 : f32 to vector<16xf32>
        %mul3A_731 = arith.mulf %get3A_728, %mul3A_730 : vector<16xf32>
        %swap3A_732 = arith.index_cast %add3A_698 : i32 to index
        %swap3A_733 = arith.constant 48 : index
        %swap3A_734 = tpu.vector_load %arg6[%swap3A_732, %swap3A_733] {strides = array<i32>} : memref<1024x64xf32, #tpu.memory_space<vmem>>, vector<16xf32>,
        tpu.vector_store %arg6[%swap3A_732, %swap3A_733], %mul3A_731 {strides = array<i32>} : memref<1024x64xf32, #tpu.memory_space<vmem>>, vector<16xf32>,
      }
      %scan3A_381 = arith.constant 128 : i32
      %add3A_382 = arith.addi %mul3A_2, %add3A_356 : i32
      %mul3A_383 = arith.constant 128 : i32
      %mul3A_384 = arith.muli %add3A_382, %mul3A_383 : i32
      %dma_start3A_385 = arith.constant 3 : i32
      %dma_start3A_386 = arith.constant 384 : i32
      %dma_start3A_387 = arith.constant 0 : i32
      %dma_start3A_388 = tpu.memref_slice %arg6[%dma_start3A_386, %dma_start3A_387] : memref<1024x64xf32, #tpu.memory_space<vmem>> -> memref<128x64xf32, #tpu.memory_space<vmem>>
      %dma_start3A_389 = arith.constant 0 : i32
      %dma_start3A_390 = tpu.memref_slice %arg4[%mul3A_384, %dma_start3A_389] : memref<819200x128xf32, #tpu.memory_space<hbm>> -> memref<128x64xf32, #tpu.memory_space<hbm>>
      %dma_start3A_391 = tpu.memref_slice %arg8[%dma_start3A_385] : memref<8x!tpu.dma_semaphore, #tpu.memory_space<semaphore_mem>> -> memref<1x!tpu.dma_semaphore, #tpu.memory_space<semaphore_mem>>
      %dma_start3A_392 = tpu.memref_squeeze %dma_start3A_391 : memref<1x!tpu.dma_semaphore, #tpu.memory_space<semaphore_mem>> -> memref<!tpu.dma_semaphore, #tpu.memory_space<semaphore_mem>>
      %dma_start3A_393 = arith.constant 0 : i32
      %dma_start3A_394 = tpu.memref_slice %arg4[%mul3A_384, %dma_start3A_393] : memref<819200x128xf32, #tpu.memory_space<hbm>> -> memref<128x64xf32, #tpu.memory_space<hbm>>
      %dma_start3A_395 = arith.constant 384 : i32
      %dma_start3A_396 = arith.constant 0 : i32
      %dma_start3A_397 = tpu.memref_slice %arg6[%dma_start3A_395, %dma_start3A_396] : memref<1024x64xf32, #tpu.memory_space<vmem>> -> memref<128x64xf32, #tpu.memory_space<vmem>>
      tpu.enqueue_dma source(%dma_start3A_397 : memref<128x64xf32, #tpu.memory_space<vmem>>) target(%dma_start3A_394 : memref<128x64xf32, #tpu.memory_space<hbm>>) target_semaphore(%dma_start3A_392 : memref<!tpu.dma_semaphore, #tpu.memory_space<semaphore_mem>>)
      %mul3A_398 = arith.constant 8 : i32
      %mul3A_399 = arith.muli %scan3A_220, %mul3A_398 : i32
      %add3A_400 = arith.constant 4 : i32
      %add3A_401 = arith.addi %mul3A_399, %add3A_400 : i32
      %add3A_402 = arith.constant 6 : i32
      %add3A_403 = arith.addi %add3A_401, %add3A_402 : i32
      %lt3A_404 = arith.constant 200 : i32
      %lt3A_405 = arith.cmpi slt, %add3A_403, %lt3A_404 : i32
      %convert_element_type3A_406 = arith.extui %lt3A_405 : i1 to i32
      %cond3A_407 = arith.constant 0 : i32
      %cond3A_408 = arith.cmpi ne, %convert_element_type3A_406, %cond3A_407 : i32
      scf.if %cond3A_408 {
        %ge3A = arith.constant 8 : i32
        %ge3A_578 = arith.cmpi sge, %add3A_403, %ge3A : i32
        %convert_element_type3A_579 = arith.extui %ge3A_578 : i1 to i32
        %cond3A_580 = arith.constant 0 : i32
        %cond3A_581 = arith.cmpi ne, %convert_element_type3A_579, %cond3A_580 : i32
        scf.if %cond3A_581 {
          %sub3A = arith.constant 8 : i32
          %sub3A_594 = arith.subi %add3A_403, %sub3A : i32
          %add3A_595 = arith.addi %mul3A_2, %sub3A_594 : i32
          %mul3A_596 = arith.constant 128 : i32
          %mul3A_597 = arith.muli %add3A_595, %mul3A_596 : i32
          %dma_wait3A_598 = arith.constant 2 : i32
          %dma_wait3A_599 = arith.constant 256 : i32
          %dma_wait3A_600 = arith.constant 0 : i32
          %dma_wait3A_601 = tpu.memref_slice %arg6[%dma_wait3A_599, %dma_wait3A_600] : memref<1024x64xf32, #tpu.memory_space<vmem>> -> memref<128x64xf32, #tpu.memory_space<vmem>>
          %dma_wait3A_602 = arith.constant 0 : i32
          %dma_wait3A_603 = tpu.memref_slice %arg4[%mul3A_597, %dma_wait3A_602] : memref<819200x128xf32, #tpu.memory_space<hbm>> -> memref<128x64xf32, #tpu.memory_space<hbm>>
          %dma_wait3A_604 = tpu.memref_slice %arg8[%dma_wait3A_598] : memref<8x!tpu.dma_semaphore, #tpu.memory_space<semaphore_mem>> -> memref<1x!tpu.dma_semaphore, #tpu.memory_space<semaphore_mem>>
          %dma_wait3A_605 = tpu.memref_squeeze %dma_wait3A_604 : memref<1x!tpu.dma_semaphore, #tpu.memory_space<semaphore_mem>> -> memref<!tpu.dma_semaphore, #tpu.memory_space<semaphore_mem>>
          %dma_wait3A_606 = arith.constant 0 : i32
          %dma_wait3A_607 = tpu.memref_slice %arg4[%mul3A_597, %dma_wait3A_606] : memref<819200x128xf32, #tpu.memory_space<hbm>> -> memref<128x64xf32, #tpu.memory_space<hbm>>
          %dma_wait3A_608 = arith.constant 256 : i32
          %dma_wait3A_609 = arith.constant 0 : i32
          %dma_wait3A_610 = tpu.memref_slice %arg6[%dma_wait3A_608, %dma_wait3A_609] : memref<1024x64xf32, #tpu.memory_space<vmem>> -> memref<128x64xf32, #tpu.memory_space<vmem>>
          tpu.wait_dma2 semaphore(%dma_wait3A_605 : memref<!tpu.dma_semaphore, #tpu.memory_space<semaphore_mem>>) src(%dma_wait3A_610 : memref<128x64xf32, #tpu.memory_space<vmem>>) dst(%dma_wait3A_607 : memref<128x64xf32, #tpu.memory_space<hbm>>)
        } else {
        }
        %dma_start3A_582 = arith.constant 2 : i32
        %dma_start3A_583 = arith.constant 256 : i32
        %dma_start3A_584 = arith.constant 0 : i32
        %dma_start3A_585 = tpu.memref_slice %arg6[%dma_start3A_583, %dma_start3A_584] : memref<1024x64xf32, #tpu.memory_space<vmem>> -> memref<128x64xf32, #tpu.memory_space<vmem>>
        %dma_start3A_586 = arith.constant 0 : i32
        %dma_start3A_587 = tpu.memref_slice %arg5[%add3A_403, %dma_start3A_586] : memref<200x128xi32, #tpu.memory_space<vmem>> -> memref<1x128xi32, #tpu.memory_space<vmem>>
        %dma_start3A_588 = tpu.memref_squeeze %dma_start3A_587 : memref<1x128xi32, #tpu.memory_space<vmem>> -> memref<128xi32, #tpu.memory_space<vmem>>
        %dma_start3A_589 = arith.constant 0 : i32
        %dma_start3A_590 = arith.constant 0 : i32
        %dma_start3A_591 = tpu.memref_slice %arg3[%dma_start3A_589, %dma_start3A_590] : memref<1000000x64xf32, #tpu.memory_space<hbm>> -> memref<1000000x64xf32, #tpu.memory_space<hbm>>
        %dma_start3A_592 = tpu.memref_slice %arg7[%dma_start3A_582] : memref<8x!tpu.dma_semaphore, #tpu.memory_space<semaphore_mem>> -> memref<1x!tpu.dma_semaphore, #tpu.memory_space<semaphore_mem>>
        %dma_start3A_593 = tpu.memref_squeeze %dma_start3A_592 : memref<1x!tpu.dma_semaphore, #tpu.memory_space<semaphore_mem>> -> memref<!tpu.dma_semaphore, #tpu.memory_space<semaphore_mem>>
        tpu.enqueue_indirect_dma source(%dma_start3A_591 : memref<1000000x64xf32, #tpu.memory_space<hbm>>) target(%dma_start3A_585 : memref<128x64xf32, #tpu.memory_space<vmem>>) offsets(%dma_start3A_588 : memref<128xi32, #tpu.memory_space<vmem>>) semaphore(%dma_start3A_593 : memref<!tpu.dma_semaphore, #tpu.memory_space<semaphore_mem>>)
      } else {
      }
      %dma_wait3A_409 = arith.constant 4 : i32
      %dma_wait3A_410 = arith.constant 512 : i32
      %dma_wait3A_411 = arith.constant 0 : i32
      %dma_wait3A_412 = tpu.memref_slice %arg6[%dma_wait3A_410, %dma_wait3A_411] : memref<1024x64xf32, #tpu.memory_space<vmem>> -> memref<128x64xf32, #tpu.memory_space<vmem>>
      %dma_wait3A_413 = arith.constant 0 : i32
      %dma_wait3A_414 = tpu.memref_slice %arg5[%add3A_401, %dma_wait3A_413] : memref<200x128xi32, #tpu.memory_space<vmem>> -> memref<1x128xi32, #tpu.memory_space<vmem>>
      %dma_wait3A_415 = tpu.memref_squeeze %dma_wait3A_414 : memref<1x128xi32, #tpu.memory_space<vmem>> -> memref<128xi32, #tpu.memory_space<vmem>>
      %dma_wait3A_416 = arith.constant 0 : i32
      %dma_wait3A_417 = arith.constant 0 : i32
      %dma_wait3A_418 = tpu.memref_slice %arg3[%dma_wait3A_416, %dma_wait3A_417] : memref<1000000x64xf32, #tpu.memory_space<hbm>> -> memref<1000000x64xf32, #tpu.memory_space<hbm>>
      %dma_wait3A_419 = tpu.memref_slice %arg7[%dma_wait3A_409] : memref<8x!tpu.dma_semaphore, #tpu.memory_space<semaphore_mem>> -> memref<1x!tpu.dma_semaphore, #tpu.memory_space<semaphore_mem>>
      %dma_wait3A_420 = tpu.memref_squeeze %dma_wait3A_419 : memref<1x!tpu.dma_semaphore, #tpu.memory_space<semaphore_mem>> -> memref<!tpu.dma_semaphore, #tpu.memory_space<semaphore_mem>>
      tpu.wait_indirect_dma semaphore(%dma_wait3A_420 : memref<!tpu.dma_semaphore, #tpu.memory_space<semaphore_mem>>) src(%dma_wait3A_418 : memref<1000000x64xf32, #tpu.memory_space<hbm>>) dst(%dma_wait3A_412 : memref<128x64xf32, #tpu.memory_space<vmem>>)
      %scan3A_421 = arith.constant 0 : i32
      %scan3A_422 = arith.constant 0 : i32
      %scan3A_423 = arith.constant 128 : i32
      %scan3A_424 = arith.addi %scan3A_422, %scan3A_423 : i32
      %scan3A_425 = arith.constant 4 : i32
      scf.for %scan3A_578 = %scan3A_422 to %scan3A_424 step %scan3A_425  : i32 {
        %add3A_579 = arith.constant 512 : i32
        %add3A_580 = arith.addi %add3A_579, %scan3A_578 : i32
        %get3A = arith.index_cast %add3A_580 : i32 to index
        %get3A_581 = arith.constant 0 : index
        %get3A_582 = tpu.vector_load %arg6[%get3A, %get3A_581] {strides = array<i32>} : memref<1024x64xf32, #tpu.memory_space<vmem>>, vector<16xf32>,
        %mul3A_583 = arith.constant 8.000000e+00 : f32
        %mul3A_584 = vector.broadcast %mul3A_583 : f32 to vector<16xf32>
        %mul3A_585 = arith.mulf %get3A_582, %mul3A_584 : vector<16xf32>
        %swap3A = arith.index_cast %add3A_580 : i32 to index
        %swap3A_586 = arith.constant 0 : index
        %swap3A_587 = tpu.vector_load %arg6[%swap3A, %swap3A_586] {strides = array<i32>} : memref<1024x64xf32, #tpu.memory_space<vmem>>, vector<16xf32>,
        tpu.vector_store %arg6[%swap3A, %swap3A_586], %mul3A_585 {strides = array<i32>} : memref<1024x64xf32, #tpu.memory_space<vmem>>, vector<16xf32>,
        %get3A_588 = arith.index_cast %add3A_580 : i32 to index
        %get3A_589 = arith.constant 16 : index
        %get3A_590 = tpu.vector_load %arg6[%get3A_588, %get3A_589] {strides = array<i32>} : memref<1024x64xf32, #tpu.memory_space<vmem>>, vector<16xf32>,
        %mul3A_591 = arith.constant 8.000000e+00 : f32
        %mul3A_592 = vector.broadcast %mul3A_591 : f32 to vector<16xf32>
        %mul3A_593 = arith.mulf %get3A_590, %mul3A_592 : vector<16xf32>
        %swap3A_594 = arith.index_cast %add3A_580 : i32 to index
        %swap3A_595 = arith.constant 16 : index
        %swap3A_596 = tpu.vector_load %arg6[%swap3A_594, %swap3A_595] {strides = array<i32>} : memref<1024x64xf32, #tpu.memory_space<vmem>>, vector<16xf32>,
        tpu.vector_store %arg6[%swap3A_594, %swap3A_595], %mul3A_593 {strides = array<i32>} : memref<1024x64xf32, #tpu.memory_space<vmem>>, vector<16xf32>,
        %get3A_597 = arith.index_cast %add3A_580 : i32 to index
        %get3A_598 = arith.constant 32 : index
        %get3A_599 = tpu.vector_load %arg6[%get3A_597, %get3A_598] {strides = array<i32>} : memref<1024x64xf32, #tpu.memory_space<vmem>>, vector<16xf32>,
        %mul3A_600 = arith.constant 8.000000e+00 : f32
        %mul3A_601 = vector.broadcast %mul3A_600 : f32 to vector<16xf32>
        %mul3A_602 = arith.mulf %get3A_599, %mul3A_601 : vector<16xf32>
        %swap3A_603 = arith.index_cast %add3A_580 : i32 to index
        %swap3A_604 = arith.constant 32 : index
        %swap3A_605 = tpu.vector_load %arg6[%swap3A_603, %swap3A_604] {strides = array<i32>} : memref<1024x64xf32, #tpu.memory_space<vmem>>, vector<16xf32>,
        tpu.vector_store %arg6[%swap3A_603, %swap3A_604], %mul3A_602 {strides = array<i32>} : memref<1024x64xf32, #tpu.memory_space<vmem>>, vector<16xf32>,
        %get3A_606 = arith.index_cast %add3A_580 : i32 to index
        %get3A_607 = arith.constant 48 : index
        %get3A_608 = tpu.vector_load %arg6[%get3A_606, %get3A_607] {strides = array<i32>} : memref<1024x64xf32, #tpu.memory_space<vmem>>, vector<16xf32>,
        %mul3A_609 = arith.constant 8.000000e+00 : f32
        %mul3A_610 = vector.broadcast %mul3A_609 : f32 to vector<16xf32>
        %mul3A_611 = arith.mulf %get3A_608, %mul3A_610 : vector<16xf32>
        %swap3A_612 = arith.index_cast %add3A_580 : i32 to index
        %swap3A_613 = arith.constant 48 : index
        %swap3A_614 = tpu.vector_load %arg6[%swap3A_612, %swap3A_613] {strides = array<i32>} : memref<1024x64xf32, #tpu.memory_space<vmem>>, vector<16xf32>,
        tpu.vector_store %arg6[%swap3A_612, %swap3A_613], %mul3A_611 {strides = array<i32>} : memref<1024x64xf32, #tpu.memory_space<vmem>>, vector<16xf32>,
        %scan3A_615 = arith.constant 1 : i32
        %scan3A_616 = arith.addi %scan3A_578, %scan3A_615 : i32
        %add3A_617 = arith.constant 512 : i32
        %add3A_618 = arith.addi %add3A_617, %scan3A_616 : i32
        %get3A_619 = arith.index_cast %add3A_618 : i32 to index
        %get3A_620 = arith.constant 0 : index
        %get3A_621 = tpu.vector_load %arg6[%get3A_619, %get3A_620] {strides = array<i32>} : memref<1024x64xf32, #tpu.memory_space<vmem>>, vector<16xf32>,
        %mul3A_622 = arith.constant 8.000000e+00 : f32
        %mul3A_623 = vector.broadcast %mul3A_622 : f32 to vector<16xf32>
        %mul3A_624 = arith.mulf %get3A_621, %mul3A_623 : vector<16xf32>
        %swap3A_625 = arith.index_cast %add3A_618 : i32 to index
        %swap3A_626 = arith.constant 0 : index
        %swap3A_627 = tpu.vector_load %arg6[%swap3A_625, %swap3A_626] {strides = array<i32>} : memref<1024x64xf32, #tpu.memory_space<vmem>>, vector<16xf32>,
        tpu.vector_store %arg6[%swap3A_625, %swap3A_626], %mul3A_624 {strides = array<i32>} : memref<1024x64xf32, #tpu.memory_space<vmem>>, vector<16xf32>,
        %get3A_628 = arith.index_cast %add3A_618 : i32 to index
        %get3A_629 = arith.constant 16 : index
        %get3A_630 = tpu.vector_load %arg6[%get3A_628, %get3A_629] {strides = array<i32>} : memref<1024x64xf32, #tpu.memory_space<vmem>>, vector<16xf32>,
        %mul3A_631 = arith.constant 8.000000e+00 : f32
        %mul3A_632 = vector.broadcast %mul3A_631 : f32 to vector<16xf32>
        %mul3A_633 = arith.mulf %get3A_630, %mul3A_632 : vector<16xf32>
        %swap3A_634 = arith.index_cast %add3A_618 : i32 to index
        %swap3A_635 = arith.constant 16 : index
        %swap3A_636 = tpu.vector_load %arg6[%swap3A_634, %swap3A_635] {strides = array<i32>} : memref<1024x64xf32, #tpu.memory_space<vmem>>, vector<16xf32>,
        tpu.vector_store %arg6[%swap3A_634, %swap3A_635], %mul3A_633 {strides = array<i32>} : memref<1024x64xf32, #tpu.memory_space<vmem>>, vector<16xf32>,
        %get3A_637 = arith.index_cast %add3A_618 : i32 to index
        %get3A_638 = arith.constant 32 : index
        %get3A_639 = tpu.vector_load %arg6[%get3A_637, %get3A_638] {strides = array<i32>} : memref<1024x64xf32, #tpu.memory_space<vmem>>, vector<16xf32>,
        %mul3A_640 = arith.constant 8.000000e+00 : f32
        %mul3A_641 = vector.broadcast %mul3A_640 : f32 to vector<16xf32>
        %mul3A_642 = arith.mulf %get3A_639, %mul3A_641 : vector<16xf32>
        %swap3A_643 = arith.index_cast %add3A_618 : i32 to index
        %swap3A_644 = arith.constant 32 : index
        %swap3A_645 = tpu.vector_load %arg6[%swap3A_643, %swap3A_644] {strides = array<i32>} : memref<1024x64xf32, #tpu.memory_space<vmem>>, vector<16xf32>,
        tpu.vector_store %arg6[%swap3A_643, %swap3A_644], %mul3A_642 {strides = array<i32>} : memref<1024x64xf32, #tpu.memory_space<vmem>>, vector<16xf32>,
        %get3A_646 = arith.index_cast %add3A_618 : i32 to index
        %get3A_647 = arith.constant 48 : index
        %get3A_648 = tpu.vector_load %arg6[%get3A_646, %get3A_647] {strides = array<i32>} : memref<1024x64xf32, #tpu.memory_space<vmem>>, vector<16xf32>,
        %mul3A_649 = arith.constant 8.000000e+00 : f32
        %mul3A_650 = vector.broadcast %mul3A_649 : f32 to vector<16xf32>
        %mul3A_651 = arith.mulf %get3A_648, %mul3A_650 : vector<16xf32>
        %swap3A_652 = arith.index_cast %add3A_618 : i32 to index
        %swap3A_653 = arith.constant 48 : index
        %swap3A_654 = tpu.vector_load %arg6[%swap3A_652, %swap3A_653] {strides = array<i32>} : memref<1024x64xf32, #tpu.memory_space<vmem>>, vector<16xf32>,
        tpu.vector_store %arg6[%swap3A_652, %swap3A_653], %mul3A_651 {strides = array<i32>} : memref<1024x64xf32, #tpu.memory_space<vmem>>, vector<16xf32>,
        %scan3A_655 = arith.constant 2 : i32
        %scan3A_656 = arith.addi %scan3A_578, %scan3A_655 : i32
        %add3A_657 = arith.constant 512 : i32
        %add3A_658 = arith.addi %add3A_657, %scan3A_656 : i32
        %get3A_659 = arith.index_cast %add3A_658 : i32 to index
        %get3A_660 = arith.constant 0 : index
        %get3A_661 = tpu.vector_load %arg6[%get3A_659, %get3A_660] {strides = array<i32>} : memref<1024x64xf32, #tpu.memory_space<vmem>>, vector<16xf32>,
        %mul3A_662 = arith.constant 8.000000e+00 : f32
        %mul3A_663 = vector.broadcast %mul3A_662 : f32 to vector<16xf32>
        %mul3A_664 = arith.mulf %get3A_661, %mul3A_663 : vector<16xf32>
        %swap3A_665 = arith.index_cast %add3A_658 : i32 to index
        %swap3A_666 = arith.constant 0 : index
        %swap3A_667 = tpu.vector_load %arg6[%swap3A_665, %swap3A_666] {strides = array<i32>} : memref<1024x64xf32, #tpu.memory_space<vmem>>, vector<16xf32>,
        tpu.vector_store %arg6[%swap3A_665, %swap3A_666], %mul3A_664 {strides = array<i32>} : memref<1024x64xf32, #tpu.memory_space<vmem>>, vector<16xf32>,
        %get3A_668 = arith.index_cast %add3A_658 : i32 to index
        %get3A_669 = arith.constant 16 : index
        %get3A_670 = tpu.vector_load %arg6[%get3A_668, %get3A_669] {strides = array<i32>} : memref<1024x64xf32, #tpu.memory_space<vmem>>, vector<16xf32>,
        %mul3A_671 = arith.constant 8.000000e+00 : f32
        %mul3A_672 = vector.broadcast %mul3A_671 : f32 to vector<16xf32>
        %mul3A_673 = arith.mulf %get3A_670, %mul3A_672 : vector<16xf32>
        %swap3A_674 = arith.index_cast %add3A_658 : i32 to index
        %swap3A_675 = arith.constant 16 : index
        %swap3A_676 = tpu.vector_load %arg6[%swap3A_674, %swap3A_675] {strides = array<i32>} : memref<1024x64xf32, #tpu.memory_space<vmem>>, vector<16xf32>,
        tpu.vector_store %arg6[%swap3A_674, %swap3A_675], %mul3A_673 {strides = array<i32>} : memref<1024x64xf32, #tpu.memory_space<vmem>>, vector<16xf32>,
        %get3A_677 = arith.index_cast %add3A_658 : i32 to index
        %get3A_678 = arith.constant 32 : index
        %get3A_679 = tpu.vector_load %arg6[%get3A_677, %get3A_678] {strides = array<i32>} : memref<1024x64xf32, #tpu.memory_space<vmem>>, vector<16xf32>,
        %mul3A_680 = arith.constant 8.000000e+00 : f32
        %mul3A_681 = vector.broadcast %mul3A_680 : f32 to vector<16xf32>
        %mul3A_682 = arith.mulf %get3A_679, %mul3A_681 : vector<16xf32>
        %swap3A_683 = arith.index_cast %add3A_658 : i32 to index
        %swap3A_684 = arith.constant 32 : index
        %swap3A_685 = tpu.vector_load %arg6[%swap3A_683, %swap3A_684] {strides = array<i32>} : memref<1024x64xf32, #tpu.memory_space<vmem>>, vector<16xf32>,
        tpu.vector_store %arg6[%swap3A_683, %swap3A_684], %mul3A_682 {strides = array<i32>} : memref<1024x64xf32, #tpu.memory_space<vmem>>, vector<16xf32>,
        %get3A_686 = arith.index_cast %add3A_658 : i32 to index
        %get3A_687 = arith.constant 48 : index
        %get3A_688 = tpu.vector_load %arg6[%get3A_686, %get3A_687] {strides = array<i32>} : memref<1024x64xf32, #tpu.memory_space<vmem>>, vector<16xf32>,
        %mul3A_689 = arith.constant 8.000000e+00 : f32
        %mul3A_690 = vector.broadcast %mul3A_689 : f32 to vector<16xf32>
        %mul3A_691 = arith.mulf %get3A_688, %mul3A_690 : vector<16xf32>
        %swap3A_692 = arith.index_cast %add3A_658 : i32 to index
        %swap3A_693 = arith.constant 48 : index
        %swap3A_694 = tpu.vector_load %arg6[%swap3A_692, %swap3A_693] {strides = array<i32>} : memref<1024x64xf32, #tpu.memory_space<vmem>>, vector<16xf32>,
        tpu.vector_store %arg6[%swap3A_692, %swap3A_693], %mul3A_691 {strides = array<i32>} : memref<1024x64xf32, #tpu.memory_space<vmem>>, vector<16xf32>,
        %scan3A_695 = arith.constant 3 : i32
        %scan3A_696 = arith.addi %scan3A_578, %scan3A_695 : i32
        %add3A_697 = arith.constant 512 : i32
        %add3A_698 = arith.addi %add3A_697, %scan3A_696 : i32
        %get3A_699 = arith.index_cast %add3A_698 : i32 to index
        %get3A_700 = arith.constant 0 : index
        %get3A_701 = tpu.vector_load %arg6[%get3A_699, %get3A_700] {strides = array<i32>} : memref<1024x64xf32, #tpu.memory_space<vmem>>, vector<16xf32>,
        %mul3A_702 = arith.constant 8.000000e+00 : f32
        %mul3A_703 = vector.broadcast %mul3A_702 : f32 to vector<16xf32>
        %mul3A_704 = arith.mulf %get3A_701, %mul3A_703 : vector<16xf32>
        %swap3A_705 = arith.index_cast %add3A_698 : i32 to index
        %swap3A_706 = arith.constant 0 : index
        %swap3A_707 = tpu.vector_load %arg6[%swap3A_705, %swap3A_706] {strides = array<i32>} : memref<1024x64xf32, #tpu.memory_space<vmem>>, vector<16xf32>,
        tpu.vector_store %arg6[%swap3A_705, %swap3A_706], %mul3A_704 {strides = array<i32>} : memref<1024x64xf32, #tpu.memory_space<vmem>>, vector<16xf32>,
        %get3A_708 = arith.index_cast %add3A_698 : i32 to index
        %get3A_709 = arith.constant 16 : index
        %get3A_710 = tpu.vector_load %arg6[%get3A_708, %get3A_709] {strides = array<i32>} : memref<1024x64xf32, #tpu.memory_space<vmem>>, vector<16xf32>,
        %mul3A_711 = arith.constant 8.000000e+00 : f32
        %mul3A_712 = vector.broadcast %mul3A_711 : f32 to vector<16xf32>
        %mul3A_713 = arith.mulf %get3A_710, %mul3A_712 : vector<16xf32>
        %swap3A_714 = arith.index_cast %add3A_698 : i32 to index
        %swap3A_715 = arith.constant 16 : index
        %swap3A_716 = tpu.vector_load %arg6[%swap3A_714, %swap3A_715] {strides = array<i32>} : memref<1024x64xf32, #tpu.memory_space<vmem>>, vector<16xf32>,
        tpu.vector_store %arg6[%swap3A_714, %swap3A_715], %mul3A_713 {strides = array<i32>} : memref<1024x64xf32, #tpu.memory_space<vmem>>, vector<16xf32>,
        %get3A_717 = arith.index_cast %add3A_698 : i32 to index
        %get3A_718 = arith.constant 32 : index
        %get3A_719 = tpu.vector_load %arg6[%get3A_717, %get3A_718] {strides = array<i32>} : memref<1024x64xf32, #tpu.memory_space<vmem>>, vector<16xf32>,
        %mul3A_720 = arith.constant 8.000000e+00 : f32
        %mul3A_721 = vector.broadcast %mul3A_720 : f32 to vector<16xf32>
        %mul3A_722 = arith.mulf %get3A_719, %mul3A_721 : vector<16xf32>
        %swap3A_723 = arith.index_cast %add3A_698 : i32 to index
        %swap3A_724 = arith.constant 32 : index
        %swap3A_725 = tpu.vector_load %arg6[%swap3A_723, %swap3A_724] {strides = array<i32>} : memref<1024x64xf32, #tpu.memory_space<vmem>>, vector<16xf32>,
        tpu.vector_store %arg6[%swap3A_723, %swap3A_724], %mul3A_722 {strides = array<i32>} : memref<1024x64xf32, #tpu.memory_space<vmem>>, vector<16xf32>,
        %get3A_726 = arith.index_cast %add3A_698 : i32 to index
        %get3A_727 = arith.constant 48 : index
        %get3A_728 = tpu.vector_load %arg6[%get3A_726, %get3A_727] {strides = array<i32>} : memref<1024x64xf32, #tpu.memory_space<vmem>>, vector<16xf32>,
        %mul3A_729 = arith.constant 8.000000e+00 : f32
        %mul3A_730 = vector.broadcast %mul3A_729 : f32 to vector<16xf32>
        %mul3A_731 = arith.mulf %get3A_728, %mul3A_730 : vector<16xf32>
        %swap3A_732 = arith.index_cast %add3A_698 : i32 to index
        %swap3A_733 = arith.constant 48 : index
        %swap3A_734 = tpu.vector_load %arg6[%swap3A_732, %swap3A_733] {strides = array<i32>} : memref<1024x64xf32, #tpu.memory_space<vmem>>, vector<16xf32>,
        tpu.vector_store %arg6[%swap3A_732, %swap3A_733], %mul3A_731 {strides = array<i32>} : memref<1024x64xf32, #tpu.memory_space<vmem>>, vector<16xf32>,
      }
      %scan3A_426 = arith.constant 128 : i32
      %add3A_427 = arith.addi %mul3A_2, %add3A_401 : i32
      %mul3A_428 = arith.constant 128 : i32
      %mul3A_429 = arith.muli %add3A_427, %mul3A_428 : i32
      %dma_start3A_430 = arith.constant 4 : i32
      %dma_start3A_431 = arith.constant 512 : i32
      %dma_start3A_432 = arith.constant 0 : i32
      %dma_start3A_433 = tpu.memref_slice %arg6[%dma_start3A_431, %dma_start3A_432] : memref<1024x64xf32, #tpu.memory_space<vmem>> -> memref<128x64xf32, #tpu.memory_space<vmem>>
      %dma_start3A_434 = arith.constant 0 : i32
      %dma_start3A_435 = tpu.memref_slice %arg4[%mul3A_429, %dma_start3A_434] : memref<819200x128xf32, #tpu.memory_space<hbm>> -> memref<128x64xf32, #tpu.memory_space<hbm>>
      %dma_start3A_436 = tpu.memref_slice %arg8[%dma_start3A_430] : memref<8x!tpu.dma_semaphore, #tpu.memory_space<semaphore_mem>> -> memref<1x!tpu.dma_semaphore, #tpu.memory_space<semaphore_mem>>
      %dma_start3A_437 = tpu.memref_squeeze %dma_start3A_436 : memref<1x!tpu.dma_semaphore, #tpu.memory_space<semaphore_mem>> -> memref<!tpu.dma_semaphore, #tpu.memory_space<semaphore_mem>>
      %dma_start3A_438 = arith.constant 0 : i32
      %dma_start3A_439 = tpu.memref_slice %arg4[%mul3A_429, %dma_start3A_438] : memref<819200x128xf32, #tpu.memory_space<hbm>> -> memref<128x64xf32, #tpu.memory_space<hbm>>
      %dma_start3A_440 = arith.constant 512 : i32
      %dma_start3A_441 = arith.constant 0 : i32
      %dma_start3A_442 = tpu.memref_slice %arg6[%dma_start3A_440, %dma_start3A_441] : memref<1024x64xf32, #tpu.memory_space<vmem>> -> memref<128x64xf32, #tpu.memory_space<vmem>>
      tpu.enqueue_dma source(%dma_start3A_442 : memref<128x64xf32, #tpu.memory_space<vmem>>) target(%dma_start3A_439 : memref<128x64xf32, #tpu.memory_space<hbm>>) target_semaphore(%dma_start3A_437 : memref<!tpu.dma_semaphore, #tpu.memory_space<semaphore_mem>>)
      %mul3A_443 = arith.constant 8 : i32
      %mul3A_444 = arith.muli %scan3A_220, %mul3A_443 : i32
      %add3A_445 = arith.constant 5 : i32
      %add3A_446 = arith.addi %mul3A_444, %add3A_445 : i32
      %add3A_447 = arith.constant 6 : i32
      %add3A_448 = arith.addi %add3A_446, %add3A_447 : i32
      %lt3A_449 = arith.constant 200 : i32
      %lt3A_450 = arith.cmpi slt, %add3A_448, %lt3A_449 : i32
      %convert_element_type3A_451 = arith.extui %lt3A_450 : i1 to i32
      %cond3A_452 = arith.constant 0 : i32
      %cond3A_453 = arith.cmpi ne, %convert_element_type3A_451, %cond3A_452 : i32
      scf.if %cond3A_453 {
        %ge3A = arith.constant 8 : i32
        %ge3A_578 = arith.cmpi sge, %add3A_448, %ge3A : i32
        %convert_element_type3A_579 = arith.extui %ge3A_578 : i1 to i32
        %cond3A_580 = arith.constant 0 : i32
        %cond3A_581 = arith.cmpi ne, %convert_element_type3A_579, %cond3A_580 : i32
        scf.if %cond3A_581 {
          %sub3A = arith.constant 8 : i32
          %sub3A_594 = arith.subi %add3A_448, %sub3A : i32
          %add3A_595 = arith.addi %mul3A_2, %sub3A_594 : i32
          %mul3A_596 = arith.constant 128 : i32
          %mul3A_597 = arith.muli %add3A_595, %mul3A_596 : i32
          %dma_wait3A_598 = arith.constant 3 : i32
          %dma_wait3A_599 = arith.constant 384 : i32
          %dma_wait3A_600 = arith.constant 0 : i32
          %dma_wait3A_601 = tpu.memref_slice %arg6[%dma_wait3A_599, %dma_wait3A_600] : memref<1024x64xf32, #tpu.memory_space<vmem>> -> memref<128x64xf32, #tpu.memory_space<vmem>>
          %dma_wait3A_602 = arith.constant 0 : i32
          %dma_wait3A_603 = tpu.memref_slice %arg4[%mul3A_597, %dma_wait3A_602] : memref<819200x128xf32, #tpu.memory_space<hbm>> -> memref<128x64xf32, #tpu.memory_space<hbm>>
          %dma_wait3A_604 = tpu.memref_slice %arg8[%dma_wait3A_598] : memref<8x!tpu.dma_semaphore, #tpu.memory_space<semaphore_mem>> -> memref<1x!tpu.dma_semaphore, #tpu.memory_space<semaphore_mem>>
          %dma_wait3A_605 = tpu.memref_squeeze %dma_wait3A_604 : memref<1x!tpu.dma_semaphore, #tpu.memory_space<semaphore_mem>> -> memref<!tpu.dma_semaphore, #tpu.memory_space<semaphore_mem>>
          %dma_wait3A_606 = arith.constant 0 : i32
          %dma_wait3A_607 = tpu.memref_slice %arg4[%mul3A_597, %dma_wait3A_606] : memref<819200x128xf32, #tpu.memory_space<hbm>> -> memref<128x64xf32, #tpu.memory_space<hbm>>
          %dma_wait3A_608 = arith.constant 384 : i32
          %dma_wait3A_609 = arith.constant 0 : i32
          %dma_wait3A_610 = tpu.memref_slice %arg6[%dma_wait3A_608, %dma_wait3A_609] : memref<1024x64xf32, #tpu.memory_space<vmem>> -> memref<128x64xf32, #tpu.memory_space<vmem>>
          tpu.wait_dma2 semaphore(%dma_wait3A_605 : memref<!tpu.dma_semaphore, #tpu.memory_space<semaphore_mem>>) src(%dma_wait3A_610 : memref<128x64xf32, #tpu.memory_space<vmem>>) dst(%dma_wait3A_607 : memref<128x64xf32, #tpu.memory_space<hbm>>)
        } else {
        }
        %dma_start3A_582 = arith.constant 3 : i32
        %dma_start3A_583 = arith.constant 384 : i32
        %dma_start3A_584 = arith.constant 0 : i32
        %dma_start3A_585 = tpu.memref_slice %arg6[%dma_start3A_583, %dma_start3A_584] : memref<1024x64xf32, #tpu.memory_space<vmem>> -> memref<128x64xf32, #tpu.memory_space<vmem>>
        %dma_start3A_586 = arith.constant 0 : i32
        %dma_start3A_587 = tpu.memref_slice %arg5[%add3A_448, %dma_start3A_586] : memref<200x128xi32, #tpu.memory_space<vmem>> -> memref<1x128xi32, #tpu.memory_space<vmem>>
        %dma_start3A_588 = tpu.memref_squeeze %dma_start3A_587 : memref<1x128xi32, #tpu.memory_space<vmem>> -> memref<128xi32, #tpu.memory_space<vmem>>
        %dma_start3A_589 = arith.constant 0 : i32
        %dma_start3A_590 = arith.constant 0 : i32
        %dma_start3A_591 = tpu.memref_slice %arg3[%dma_start3A_589, %dma_start3A_590] : memref<1000000x64xf32, #tpu.memory_space<hbm>> -> memref<1000000x64xf32, #tpu.memory_space<hbm>>
        %dma_start3A_592 = tpu.memref_slice %arg7[%dma_start3A_582] : memref<8x!tpu.dma_semaphore, #tpu.memory_space<semaphore_mem>> -> memref<1x!tpu.dma_semaphore, #tpu.memory_space<semaphore_mem>>
        %dma_start3A_593 = tpu.memref_squeeze %dma_start3A_592 : memref<1x!tpu.dma_semaphore, #tpu.memory_space<semaphore_mem>> -> memref<!tpu.dma_semaphore, #tpu.memory_space<semaphore_mem>>
        tpu.enqueue_indirect_dma source(%dma_start3A_591 : memref<1000000x64xf32, #tpu.memory_space<hbm>>) target(%dma_start3A_585 : memref<128x64xf32, #tpu.memory_space<vmem>>) offsets(%dma_start3A_588 : memref<128xi32, #tpu.memory_space<vmem>>) semaphore(%dma_start3A_593 : memref<!tpu.dma_semaphore, #tpu.memory_space<semaphore_mem>>)
      } else {
      }
      %dma_wait3A_454 = arith.constant 5 : i32
      %dma_wait3A_455 = arith.constant 640 : i32
      %dma_wait3A_456 = arith.constant 0 : i32
      %dma_wait3A_457 = tpu.memref_slice %arg6[%dma_wait3A_455, %dma_wait3A_456] : memref<1024x64xf32, #tpu.memory_space<vmem>> -> memref<128x64xf32, #tpu.memory_space<vmem>>
      %dma_wait3A_458 = arith.constant 0 : i32
      %dma_wait3A_459 = tpu.memref_slice %arg5[%add3A_446, %dma_wait3A_458] : memref<200x128xi32, #tpu.memory_space<vmem>> -> memref<1x128xi32, #tpu.memory_space<vmem>>
      %dma_wait3A_460 = tpu.memref_squeeze %dma_wait3A_459 : memref<1x128xi32, #tpu.memory_space<vmem>> -> memref<128xi32, #tpu.memory_space<vmem>>
      %dma_wait3A_461 = arith.constant 0 : i32
      %dma_wait3A_462 = arith.constant 0 : i32
      %dma_wait3A_463 = tpu.memref_slice %arg3[%dma_wait3A_461, %dma_wait3A_462] : memref<1000000x64xf32, #tpu.memory_space<hbm>> -> memref<1000000x64xf32, #tpu.memory_space<hbm>>
      %dma_wait3A_464 = tpu.memref_slice %arg7[%dma_wait3A_454] : memref<8x!tpu.dma_semaphore, #tpu.memory_space<semaphore_mem>> -> memref<1x!tpu.dma_semaphore, #tpu.memory_space<semaphore_mem>>
      %dma_wait3A_465 = tpu.memref_squeeze %dma_wait3A_464 : memref<1x!tpu.dma_semaphore, #tpu.memory_space<semaphore_mem>> -> memref<!tpu.dma_semaphore, #tpu.memory_space<semaphore_mem>>
      tpu.wait_indirect_dma semaphore(%dma_wait3A_465 : memref<!tpu.dma_semaphore, #tpu.memory_space<semaphore_mem>>) src(%dma_wait3A_463 : memref<1000000x64xf32, #tpu.memory_space<hbm>>) dst(%dma_wait3A_457 : memref<128x64xf32, #tpu.memory_space<vmem>>)
      %scan3A_466 = arith.constant 0 : i32
      %scan3A_467 = arith.constant 0 : i32
      %scan3A_468 = arith.constant 128 : i32
      %scan3A_469 = arith.addi %scan3A_467, %scan3A_468 : i32
      %scan3A_470 = arith.constant 4 : i32
      scf.for %scan3A_578 = %scan3A_467 to %scan3A_469 step %scan3A_470  : i32 {
        %add3A_579 = arith.constant 640 : i32
        %add3A_580 = arith.addi %add3A_579, %scan3A_578 : i32
        %get3A = arith.index_cast %add3A_580 : i32 to index
        %get3A_581 = arith.constant 0 : index
        %get3A_582 = tpu.vector_load %arg6[%get3A, %get3A_581] {strides = array<i32>} : memref<1024x64xf32, #tpu.memory_space<vmem>>, vector<16xf32>,
        %mul3A_583 = arith.constant 8.000000e+00 : f32
        %mul3A_584 = vector.broadcast %mul3A_583 : f32 to vector<16xf32>
        %mul3A_585 = arith.mulf %get3A_582, %mul3A_584 : vector<16xf32>
        %swap3A = arith.index_cast %add3A_580 : i32 to index
        %swap3A_586 = arith.constant 0 : index
        %swap3A_587 = tpu.vector_load %arg6[%swap3A, %swap3A_586] {strides = array<i32>} : memref<1024x64xf32, #tpu.memory_space<vmem>>, vector<16xf32>,
        tpu.vector_store %arg6[%swap3A, %swap3A_586], %mul3A_585 {strides = array<i32>} : memref<1024x64xf32, #tpu.memory_space<vmem>>, vector<16xf32>,
        %get3A_588 = arith.index_cast %add3A_580 : i32 to index
        %get3A_589 = arith.constant 16 : index
        %get3A_590 = tpu.vector_load %arg6[%get3A_588, %get3A_589] {strides = array<i32>} : memref<1024x64xf32, #tpu.memory_space<vmem>>, vector<16xf32>,
        %mul3A_591 = arith.constant 8.000000e+00 : f32
        %mul3A_592 = vector.broadcast %mul3A_591 : f32 to vector<16xf32>
        %mul3A_593 = arith.mulf %get3A_590, %mul3A_592 : vector<16xf32>
        %swap3A_594 = arith.index_cast %add3A_580 : i32 to index
        %swap3A_595 = arith.constant 16 : index
        %swap3A_596 = tpu.vector_load %arg6[%swap3A_594, %swap3A_595] {strides = array<i32>} : memref<1024x64xf32, #tpu.memory_space<vmem>>, vector<16xf32>,
        tpu.vector_store %arg6[%swap3A_594, %swap3A_595], %mul3A_593 {strides = array<i32>} : memref<1024x64xf32, #tpu.memory_space<vmem>>, vector<16xf32>,
        %get3A_597 = arith.index_cast %add3A_580 : i32 to index
        %get3A_598 = arith.constant 32 : index
        %get3A_599 = tpu.vector_load %arg6[%get3A_597, %get3A_598] {strides = array<i32>} : memref<1024x64xf32, #tpu.memory_space<vmem>>, vector<16xf32>,
        %mul3A_600 = arith.constant 8.000000e+00 : f32
        %mul3A_601 = vector.broadcast %mul3A_600 : f32 to vector<16xf32>
        %mul3A_602 = arith.mulf %get3A_599, %mul3A_601 : vector<16xf32>
        %swap3A_603 = arith.index_cast %add3A_580 : i32 to index
        %swap3A_604 = arith.constant 32 : index
        %swap3A_605 = tpu.vector_load %arg6[%swap3A_603, %swap3A_604] {strides = array<i32>} : memref<1024x64xf32, #tpu.memory_space<vmem>>, vector<16xf32>,
        tpu.vector_store %arg6[%swap3A_603, %swap3A_604], %mul3A_602 {strides = array<i32>} : memref<1024x64xf32, #tpu.memory_space<vmem>>, vector<16xf32>,
        %get3A_606 = arith.index_cast %add3A_580 : i32 to index
        %get3A_607 = arith.constant 48 : index
        %get3A_608 = tpu.vector_load %arg6[%get3A_606, %get3A_607] {strides = array<i32>} : memref<1024x64xf32, #tpu.memory_space<vmem>>, vector<16xf32>,
        %mul3A_609 = arith.constant 8.000000e+00 : f32
        %mul3A_610 = vector.broadcast %mul3A_609 : f32 to vector<16xf32>
        %mul3A_611 = arith.mulf %get3A_608, %mul3A_610 : vector<16xf32>
        %swap3A_612 = arith.index_cast %add3A_580 : i32 to index
        %swap3A_613 = arith.constant 48 : index
        %swap3A_614 = tpu.vector_load %arg6[%swap3A_612, %swap3A_613] {strides = array<i32>} : memref<1024x64xf32, #tpu.memory_space<vmem>>, vector<16xf32>,
        tpu.vector_store %arg6[%swap3A_612, %swap3A_613], %mul3A_611 {strides = array<i32>} : memref<1024x64xf32, #tpu.memory_space<vmem>>, vector<16xf32>,
        %scan3A_615 = arith.constant 1 : i32
        %scan3A_616 = arith.addi %scan3A_578, %scan3A_615 : i32
        %add3A_617 = arith.constant 640 : i32
        %add3A_618 = arith.addi %add3A_617, %scan3A_616 : i32
        %get3A_619 = arith.index_cast %add3A_618 : i32 to index
        %get3A_620 = arith.constant 0 : index
        %get3A_621 = tpu.vector_load %arg6[%get3A_619, %get3A_620] {strides = array<i32>} : memref<1024x64xf32, #tpu.memory_space<vmem>>, vector<16xf32>,
        %mul3A_622 = arith.constant 8.000000e+00 : f32
        %mul3A_623 = vector.broadcast %mul3A_622 : f32 to vector<16xf32>
        %mul3A_624 = arith.mulf %get3A_621, %mul3A_623 : vector<16xf32>
        %swap3A_625 = arith.index_cast %add3A_618 : i32 to index
        %swap3A_626 = arith.constant 0 : index
        %swap3A_627 = tpu.vector_load %arg6[%swap3A_625, %swap3A_626] {strides = array<i32>} : memref<1024x64xf32, #tpu.memory_space<vmem>>, vector<16xf32>,
        tpu.vector_store %arg6[%swap3A_625, %swap3A_626], %mul3A_624 {strides = array<i32>} : memref<1024x64xf32, #tpu.memory_space<vmem>>, vector<16xf32>,
        %get3A_628 = arith.index_cast %add3A_618 : i32 to index
        %get3A_629 = arith.constant 16 : index
        %get3A_630 = tpu.vector_load %arg6[%get3A_628, %get3A_629] {strides = array<i32>} : memref<1024x64xf32, #tpu.memory_space<vmem>>, vector<16xf32>,
        %mul3A_631 = arith.constant 8.000000e+00 : f32
        %mul3A_632 = vector.broadcast %mul3A_631 : f32 to vector<16xf32>
        %mul3A_633 = arith.mulf %get3A_630, %mul3A_632 : vector<16xf32>
        %swap3A_634 = arith.index_cast %add3A_618 : i32 to index
        %swap3A_635 = arith.constant 16 : index
        %swap3A_636 = tpu.vector_load %arg6[%swap3A_634, %swap3A_635] {strides = array<i32>} : memref<1024x64xf32, #tpu.memory_space<vmem>>, vector<16xf32>,
        tpu.vector_store %arg6[%swap3A_634, %swap3A_635], %mul3A_633 {strides = array<i32>} : memref<1024x64xf32, #tpu.memory_space<vmem>>, vector<16xf32>,
        %get3A_637 = arith.index_cast %add3A_618 : i32 to index
        %get3A_638 = arith.constant 32 : index
        %get3A_639 = tpu.vector_load %arg6[%get3A_637, %get3A_638] {strides = array<i32>} : memref<1024x64xf32, #tpu.memory_space<vmem>>, vector<16xf32>,
        %mul3A_640 = arith.constant 8.000000e+00 : f32
        %mul3A_641 = vector.broadcast %mul3A_640 : f32 to vector<16xf32>
        %mul3A_642 = arith.mulf %get3A_639, %mul3A_641 : vector<16xf32>
        %swap3A_643 = arith.index_cast %add3A_618 : i32 to index
        %swap3A_644 = arith.constant 32 : index
        %swap3A_645 = tpu.vector_load %arg6[%swap3A_643, %swap3A_644] {strides = array<i32>} : memref<1024x64xf32, #tpu.memory_space<vmem>>, vector<16xf32>,
        tpu.vector_store %arg6[%swap3A_643, %swap3A_644], %mul3A_642 {strides = array<i32>} : memref<1024x64xf32, #tpu.memory_space<vmem>>, vector<16xf32>,
        %get3A_646 = arith.index_cast %add3A_618 : i32 to index
        %get3A_647 = arith.constant 48 : index
        %get3A_648 = tpu.vector_load %arg6[%get3A_646, %get3A_647] {strides = array<i32>} : memref<1024x64xf32, #tpu.memory_space<vmem>>, vector<16xf32>,
        %mul3A_649 = arith.constant 8.000000e+00 : f32
        %mul3A_650 = vector.broadcast %mul3A_649 : f32 to vector<16xf32>
        %mul3A_651 = arith.mulf %get3A_648, %mul3A_650 : vector<16xf32>
        %swap3A_652 = arith.index_cast %add3A_618 : i32 to index
        %swap3A_653 = arith.constant 48 : index
        %swap3A_654 = tpu.vector_load %arg6[%swap3A_652, %swap3A_653] {strides = array<i32>} : memref<1024x64xf32, #tpu.memory_space<vmem>>, vector<16xf32>,
        tpu.vector_store %arg6[%swap3A_652, %swap3A_653], %mul3A_651 {strides = array<i32>} : memref<1024x64xf32, #tpu.memory_space<vmem>>, vector<16xf32>,
        %scan3A_655 = arith.constant 2 : i32
        %scan3A_656 = arith.addi %scan3A_578, %scan3A_655 : i32
        %add3A_657 = arith.constant 640 : i32
        %add3A_658 = arith.addi %add3A_657, %scan3A_656 : i32
        %get3A_659 = arith.index_cast %add3A_658 : i32 to index
        %get3A_660 = arith.constant 0 : index
        %get3A_661 = tpu.vector_load %arg6[%get3A_659, %get3A_660] {strides = array<i32>} : memref<1024x64xf32, #tpu.memory_space<vmem>>, vector<16xf32>,
        %mul3A_662 = arith.constant 8.000000e+00 : f32
        %mul3A_663 = vector.broadcast %mul3A_662 : f32 to vector<16xf32>
        %mul3A_664 = arith.mulf %get3A_661, %mul3A_663 : vector<16xf32>
        %swap3A_665 = arith.index_cast %add3A_658 : i32 to index
        %swap3A_666 = arith.constant 0 : index
        %swap3A_667 = tpu.vector_load %arg6[%swap3A_665, %swap3A_666] {strides = array<i32>} : memref<1024x64xf32, #tpu.memory_space<vmem>>, vector<16xf32>,
        tpu.vector_store %arg6[%swap3A_665, %swap3A_666], %mul3A_664 {strides = array<i32>} : memref<1024x64xf32, #tpu.memory_space<vmem>>, vector<16xf32>,
        %get3A_668 = arith.index_cast %add3A_658 : i32 to index
        %get3A_669 = arith.constant 16 : index
        %get3A_670 = tpu.vector_load %arg6[%get3A_668, %get3A_669] {strides = array<i32>} : memref<1024x64xf32, #tpu.memory_space<vmem>>, vector<16xf32>,
        %mul3A_671 = arith.constant 8.000000e+00 : f32
        %mul3A_672 = vector.broadcast %mul3A_671 : f32 to vector<16xf32>
        %mul3A_673 = arith.mulf %get3A_670, %mul3A_672 : vector<16xf32>
        %swap3A_674 = arith.index_cast %add3A_658 : i32 to index
        %swap3A_675 = arith.constant 16 : index
        %swap3A_676 = tpu.vector_load %arg6[%swap3A_674, %swap3A_675] {strides = array<i32>} : memref<1024x64xf32, #tpu.memory_space<vmem>>, vector<16xf32>,
        tpu.vector_store %arg6[%swap3A_674, %swap3A_675], %mul3A_673 {strides = array<i32>} : memref<1024x64xf32, #tpu.memory_space<vmem>>, vector<16xf32>,
        %get3A_677 = arith.index_cast %add3A_658 : i32 to index
        %get3A_678 = arith.constant 32 : index
        %get3A_679 = tpu.vector_load %arg6[%get3A_677, %get3A_678] {strides = array<i32>} : memref<1024x64xf32, #tpu.memory_space<vmem>>, vector<16xf32>,
        %mul3A_680 = arith.constant 8.000000e+00 : f32
        %mul3A_681 = vector.broadcast %mul3A_680 : f32 to vector<16xf32>
        %mul3A_682 = arith.mulf %get3A_679, %mul3A_681 : vector<16xf32>
        %swap3A_683 = arith.index_cast %add3A_658 : i32 to index
        %swap3A_684 = arith.constant 32 : index
        %swap3A_685 = tpu.vector_load %arg6[%swap3A_683, %swap3A_684] {strides = array<i32>} : memref<1024x64xf32, #tpu.memory_space<vmem>>, vector<16xf32>,
        tpu.vector_store %arg6[%swap3A_683, %swap3A_684], %mul3A_682 {strides = array<i32>} : memref<1024x64xf32, #tpu.memory_space<vmem>>, vector<16xf32>,
        %get3A_686 = arith.index_cast %add3A_658 : i32 to index
        %get3A_687 = arith.constant 48 : index
        %get3A_688 = tpu.vector_load %arg6[%get3A_686, %get3A_687] {strides = array<i32>} : memref<1024x64xf32, #tpu.memory_space<vmem>>, vector<16xf32>,
        %mul3A_689 = arith.constant 8.000000e+00 : f32
        %mul3A_690 = vector.broadcast %mul3A_689 : f32 to vector<16xf32>
        %mul3A_691 = arith.mulf %get3A_688, %mul3A_690 : vector<16xf32>
        %swap3A_692 = arith.index_cast %add3A_658 : i32 to index
        %swap3A_693 = arith.constant 48 : index
        %swap3A_694 = tpu.vector_load %arg6[%swap3A_692, %swap3A_693] {strides = array<i32>} : memref<1024x64xf32, #tpu.memory_space<vmem>>, vector<16xf32>,
        tpu.vector_store %arg6[%swap3A_692, %swap3A_693], %mul3A_691 {strides = array<i32>} : memref<1024x64xf32, #tpu.memory_space<vmem>>, vector<16xf32>,
        %scan3A_695 = arith.constant 3 : i32
        %scan3A_696 = arith.addi %scan3A_578, %scan3A_695 : i32
        %add3A_697 = arith.constant 640 : i32
        %add3A_698 = arith.addi %add3A_697, %scan3A_696 : i32
        %get3A_699 = arith.index_cast %add3A_698 : i32 to index
        %get3A_700 = arith.constant 0 : index
        %get3A_701 = tpu.vector_load %arg6[%get3A_699, %get3A_700] {strides = array<i32>} : memref<1024x64xf32, #tpu.memory_space<vmem>>, vector<16xf32>,
        %mul3A_702 = arith.constant 8.000000e+00 : f32
        %mul3A_703 = vector.broadcast %mul3A_702 : f32 to vector<16xf32>
        %mul3A_704 = arith.mulf %get3A_701, %mul3A_703 : vector<16xf32>
        %swap3A_705 = arith.index_cast %add3A_698 : i32 to index
        %swap3A_706 = arith.constant 0 : index
        %swap3A_707 = tpu.vector_load %arg6[%swap3A_705, %swap3A_706] {strides = array<i32>} : memref<1024x64xf32, #tpu.memory_space<vmem>>, vector<16xf32>,
        tpu.vector_store %arg6[%swap3A_705, %swap3A_706], %mul3A_704 {strides = array<i32>} : memref<1024x64xf32, #tpu.memory_space<vmem>>, vector<16xf32>,
        %get3A_708 = arith.index_cast %add3A_698 : i32 to index
        %get3A_709 = arith.constant 16 : index
        %get3A_710 = tpu.vector_load %arg6[%get3A_708, %get3A_709] {strides = array<i32>} : memref<1024x64xf32, #tpu.memory_space<vmem>>, vector<16xf32>,
        %mul3A_711 = arith.constant 8.000000e+00 : f32
        %mul3A_712 = vector.broadcast %mul3A_711 : f32 to vector<16xf32>
        %mul3A_713 = arith.mulf %get3A_710, %mul3A_712 : vector<16xf32>
        %swap3A_714 = arith.index_cast %add3A_698 : i32 to index
        %swap3A_715 = arith.constant 16 : index
        %swap3A_716 = tpu.vector_load %arg6[%swap3A_714, %swap3A_715] {strides = array<i32>} : memref<1024x64xf32, #tpu.memory_space<vmem>>, vector<16xf32>,
        tpu.vector_store %arg6[%swap3A_714, %swap3A_715], %mul3A_713 {strides = array<i32>} : memref<1024x64xf32, #tpu.memory_space<vmem>>, vector<16xf32>,
        %get3A_717 = arith.index_cast %add3A_698 : i32 to index
        %get3A_718 = arith.constant 32 : index
        %get3A_719 = tpu.vector_load %arg6[%get3A_717, %get3A_718] {strides = array<i32>} : memref<1024x64xf32, #tpu.memory_space<vmem>>, vector<16xf32>,
        %mul3A_720 = arith.constant 8.000000e+00 : f32
        %mul3A_721 = vector.broadcast %mul3A_720 : f32 to vector<16xf32>
        %mul3A_722 = arith.mulf %get3A_719, %mul3A_721 : vector<16xf32>
        %swap3A_723 = arith.index_cast %add3A_698 : i32 to index
        %swap3A_724 = arith.constant 32 : index
        %swap3A_725 = tpu.vector_load %arg6[%swap3A_723, %swap3A_724] {strides = array<i32>} : memref<1024x64xf32, #tpu.memory_space<vmem>>, vector<16xf32>,
        tpu.vector_store %arg6[%swap3A_723, %swap3A_724], %mul3A_722 {strides = array<i32>} : memref<1024x64xf32, #tpu.memory_space<vmem>>, vector<16xf32>,
        %get3A_726 = arith.index_cast %add3A_698 : i32 to index
        %get3A_727 = arith.constant 48 : index
        %get3A_728 = tpu.vector_load %arg6[%get3A_726, %get3A_727] {strides = array<i32>} : memref<1024x64xf32, #tpu.memory_space<vmem>>, vector<16xf32>,
        %mul3A_729 = arith.constant 8.000000e+00 : f32
        %mul3A_730 = vector.broadcast %mul3A_729 : f32 to vector<16xf32>
        %mul3A_731 = arith.mulf %get3A_728, %mul3A_730 : vector<16xf32>
        %swap3A_732 = arith.index_cast %add3A_698 : i32 to index
        %swap3A_733 = arith.constant 48 : index
        %swap3A_734 = tpu.vector_load %arg6[%swap3A_732, %swap3A_733] {strides = array<i32>} : memref<1024x64xf32, #tpu.memory_space<vmem>>, vector<16xf32>,
        tpu.vector_store %arg6[%swap3A_732, %swap3A_733], %mul3A_731 {strides = array<i32>} : memref<1024x64xf32, #tpu.memory_space<vmem>>, vector<16xf32>,
      }
      %scan3A_471 = arith.constant 128 : i32
      %add3A_472 = arith.addi %mul3A_2, %add3A_446 : i32
      %mul3A_473 = arith.constant 128 : i32
      %mul3A_474 = arith.muli %add3A_472, %mul3A_473 : i32
      %dma_start3A_475 = arith.constant 5 : i32
      %dma_start3A_476 = arith.constant 640 : i32
      %dma_start3A_477 = arith.constant 0 : i32
      %dma_start3A_478 = tpu.memref_slice %arg6[%dma_start3A_476, %dma_start3A_477] : memref<1024x64xf32, #tpu.memory_space<vmem>> -> memref<128x64xf32, #tpu.memory_space<vmem>>
      %dma_start3A_479 = arith.constant 0 : i32
      %dma_start3A_480 = tpu.memref_slice %arg4[%mul3A_474, %dma_start3A_479] : memref<819200x128xf32, #tpu.memory_space<hbm>> -> memref<128x64xf32, #tpu.memory_space<hbm>>
      %dma_start3A_481 = tpu.memref_slice %arg8[%dma_start3A_475] : memref<8x!tpu.dma_semaphore, #tpu.memory_space<semaphore_mem>> -> memref<1x!tpu.dma_semaphore, #tpu.memory_space<semaphore_mem>>
      %dma_start3A_482 = tpu.memref_squeeze %dma_start3A_481 : memref<1x!tpu.dma_semaphore, #tpu.memory_space<semaphore_mem>> -> memref<!tpu.dma_semaphore, #tpu.memory_space<semaphore_mem>>
      %dma_start3A_483 = arith.constant 0 : i32
      %dma_start3A_484 = tpu.memref_slice %arg4[%mul3A_474, %dma_start3A_483] : memref<819200x128xf32, #tpu.memory_space<hbm>> -> memref<128x64xf32, #tpu.memory_space<hbm>>
      %dma_start3A_485 = arith.constant 640 : i32
      %dma_start3A_486 = arith.constant 0 : i32
      %dma_start3A_487 = tpu.memref_slice %arg6[%dma_start3A_485, %dma_start3A_486] : memref<1024x64xf32, #tpu.memory_space<vmem>> -> memref<128x64xf32, #tpu.memory_space<vmem>>
      tpu.enqueue_dma source(%dma_start3A_487 : memref<128x64xf32, #tpu.memory_space<vmem>>) target(%dma_start3A_484 : memref<128x64xf32, #tpu.memory_space<hbm>>) target_semaphore(%dma_start3A_482 : memref<!tpu.dma_semaphore, #tpu.memory_space<semaphore_mem>>)
      %mul3A_488 = arith.constant 8 : i32
      %mul3A_489 = arith.muli %scan3A_220, %mul3A_488 : i32
      %add3A_490 = arith.constant 6 : i32
      %add3A_491 = arith.addi %mul3A_489, %add3A_490 : i32
      %add3A_492 = arith.constant 6 : i32
      %add3A_493 = arith.addi %add3A_491, %add3A_492 : i32
      %lt3A_494 = arith.constant 200 : i32
      %lt3A_495 = arith.cmpi slt, %add3A_493, %lt3A_494 : i32
      %convert_element_type3A_496 = arith.extui %lt3A_495 : i1 to i32
      %cond3A_497 = arith.constant 0 : i32
      %cond3A_498 = arith.cmpi ne, %convert_element_type3A_496, %cond3A_497 : i32
      scf.if %cond3A_498 {
        %ge3A = arith.constant 8 : i32
        %ge3A_578 = arith.cmpi sge, %add3A_493, %ge3A : i32
        %convert_element_type3A_579 = arith.extui %ge3A_578 : i1 to i32
        %cond3A_580 = arith.constant 0 : i32
        %cond3A_581 = arith.cmpi ne, %convert_element_type3A_579, %cond3A_580 : i32
        scf.if %cond3A_581 {
          %sub3A = arith.constant 8 : i32
          %sub3A_594 = arith.subi %add3A_493, %sub3A : i32
          %add3A_595 = arith.addi %mul3A_2, %sub3A_594 : i32
          %mul3A_596 = arith.constant 128 : i32
          %mul3A_597 = arith.muli %add3A_595, %mul3A_596 : i32
          %dma_wait3A_598 = arith.constant 4 : i32
          %dma_wait3A_599 = arith.constant 512 : i32
          %dma_wait3A_600 = arith.constant 0 : i32
          %dma_wait3A_601 = tpu.memref_slice %arg6[%dma_wait3A_599, %dma_wait3A_600] : memref<1024x64xf32, #tpu.memory_space<vmem>> -> memref<128x64xf32, #tpu.memory_space<vmem>>
          %dma_wait3A_602 = arith.constant 0 : i32
          %dma_wait3A_603 = tpu.memref_slice %arg4[%mul3A_597, %dma_wait3A_602] : memref<819200x128xf32, #tpu.memory_space<hbm>> -> memref<128x64xf32, #tpu.memory_space<hbm>>
          %dma_wait3A_604 = tpu.memref_slice %arg8[%dma_wait3A_598] : memref<8x!tpu.dma_semaphore, #tpu.memory_space<semaphore_mem>> -> memref<1x!tpu.dma_semaphore, #tpu.memory_space<semaphore_mem>>
          %dma_wait3A_605 = tpu.memref_squeeze %dma_wait3A_604 : memref<1x!tpu.dma_semaphore, #tpu.memory_space<semaphore_mem>> -> memref<!tpu.dma_semaphore, #tpu.memory_space<semaphore_mem>>
          %dma_wait3A_606 = arith.constant 0 : i32
          %dma_wait3A_607 = tpu.memref_slice %arg4[%mul3A_597, %dma_wait3A_606] : memref<819200x128xf32, #tpu.memory_space<hbm>> -> memref<128x64xf32, #tpu.memory_space<hbm>>
          %dma_wait3A_608 = arith.constant 512 : i32
          %dma_wait3A_609 = arith.constant 0 : i32
          %dma_wait3A_610 = tpu.memref_slice %arg6[%dma_wait3A_608, %dma_wait3A_609] : memref<1024x64xf32, #tpu.memory_space<vmem>> -> memref<128x64xf32, #tpu.memory_space<vmem>>
          tpu.wait_dma2 semaphore(%dma_wait3A_605 : memref<!tpu.dma_semaphore, #tpu.memory_space<semaphore_mem>>) src(%dma_wait3A_610 : memref<128x64xf32, #tpu.memory_space<vmem>>) dst(%dma_wait3A_607 : memref<128x64xf32, #tpu.memory_space<hbm>>)
        } else {
        }
        %dma_start3A_582 = arith.constant 4 : i32
        %dma_start3A_583 = arith.constant 512 : i32
        %dma_start3A_584 = arith.constant 0 : i32
        %dma_start3A_585 = tpu.memref_slice %arg6[%dma_start3A_583, %dma_start3A_584] : memref<1024x64xf32, #tpu.memory_space<vmem>> -> memref<128x64xf32, #tpu.memory_space<vmem>>
        %dma_start3A_586 = arith.constant 0 : i32
        %dma_start3A_587 = tpu.memref_slice %arg5[%add3A_493, %dma_start3A_586] : memref<200x128xi32, #tpu.memory_space<vmem>> -> memref<1x128xi32, #tpu.memory_space<vmem>>
        %dma_start3A_588 = tpu.memref_squeeze %dma_start3A_587 : memref<1x128xi32, #tpu.memory_space<vmem>> -> memref<128xi32, #tpu.memory_space<vmem>>
        %dma_start3A_589 = arith.constant 0 : i32
        %dma_start3A_590 = arith.constant 0 : i32
        %dma_start3A_591 = tpu.memref_slice %arg3[%dma_start3A_589, %dma_start3A_590] : memref<1000000x64xf32, #tpu.memory_space<hbm>> -> memref<1000000x64xf32, #tpu.memory_space<hbm>>
        %dma_start3A_592 = tpu.memref_slice %arg7[%dma_start3A_582] : memref<8x!tpu.dma_semaphore, #tpu.memory_space<semaphore_mem>> -> memref<1x!tpu.dma_semaphore, #tpu.memory_space<semaphore_mem>>
        %dma_start3A_593 = tpu.memref_squeeze %dma_start3A_592 : memref<1x!tpu.dma_semaphore, #tpu.memory_space<semaphore_mem>> -> memref<!tpu.dma_semaphore, #tpu.memory_space<semaphore_mem>>
        tpu.enqueue_indirect_dma source(%dma_start3A_591 : memref<1000000x64xf32, #tpu.memory_space<hbm>>) target(%dma_start3A_585 : memref<128x64xf32, #tpu.memory_space<vmem>>) offsets(%dma_start3A_588 : memref<128xi32, #tpu.memory_space<vmem>>) semaphore(%dma_start3A_593 : memref<!tpu.dma_semaphore, #tpu.memory_space<semaphore_mem>>)
      } else {
      }
      %dma_wait3A_499 = arith.constant 6 : i32
      %dma_wait3A_500 = arith.constant 768 : i32
      %dma_wait3A_501 = arith.constant 0 : i32
      %dma_wait3A_502 = tpu.memref_slice %arg6[%dma_wait3A_500, %dma_wait3A_501] : memref<1024x64xf32, #tpu.memory_space<vmem>> -> memref<128x64xf32, #tpu.memory_space<vmem>>
      %dma_wait3A_503 = arith.constant 0 : i32
      %dma_wait3A_504 = tpu.memref_slice %arg5[%add3A_491, %dma_wait3A_503] : memref<200x128xi32, #tpu.memory_space<vmem>> -> memref<1x128xi32, #tpu.memory_space<vmem>>
      %dma_wait3A_505 = tpu.memref_squeeze %dma_wait3A_504 : memref<1x128xi32, #tpu.memory_space<vmem>> -> memref<128xi32, #tpu.memory_space<vmem>>
      %dma_wait3A_506 = arith.constant 0 : i32
      %dma_wait3A_507 = arith.constant 0 : i32
      %dma_wait3A_508 = tpu.memref_slice %arg3[%dma_wait3A_506, %dma_wait3A_507] : memref<1000000x64xf32, #tpu.memory_space<hbm>> -> memref<1000000x64xf32, #tpu.memory_space<hbm>>
      %dma_wait3A_509 = tpu.memref_slice %arg7[%dma_wait3A_499] : memref<8x!tpu.dma_semaphore, #tpu.memory_space<semaphore_mem>> -> memref<1x!tpu.dma_semaphore, #tpu.memory_space<semaphore_mem>>
      %dma_wait3A_510 = tpu.memref_squeeze %dma_wait3A_509 : memref<1x!tpu.dma_semaphore, #tpu.memory_space<semaphore_mem>> -> memref<!tpu.dma_semaphore, #tpu.memory_space<semaphore_mem>>
      tpu.wait_indirect_dma semaphore(%dma_wait3A_510 : memref<!tpu.dma_semaphore, #tpu.memory_space<semaphore_mem>>) src(%dma_wait3A_508 : memref<1000000x64xf32, #tpu.memory_space<hbm>>) dst(%dma_wait3A_502 : memref<128x64xf32, #tpu.memory_space<vmem>>)
      %scan3A_511 = arith.constant 0 : i32
      %scan3A_512 = arith.constant 0 : i32
      %scan3A_513 = arith.constant 128 : i32
      %scan3A_514 = arith.addi %scan3A_512, %scan3A_513 : i32
      %scan3A_515 = arith.constant 4 : i32
      scf.for %scan3A_578 = %scan3A_512 to %scan3A_514 step %scan3A_515  : i32 {
        %add3A_579 = arith.constant 768 : i32
        %add3A_580 = arith.addi %add3A_579, %scan3A_578 : i32
        %get3A = arith.index_cast %add3A_580 : i32 to index
        %get3A_581 = arith.constant 0 : index
        %get3A_582 = tpu.vector_load %arg6[%get3A, %get3A_581] {strides = array<i32>} : memref<1024x64xf32, #tpu.memory_space<vmem>>, vector<16xf32>,
        %mul3A_583 = arith.constant 8.000000e+00 : f32
        %mul3A_584 = vector.broadcast %mul3A_583 : f32 to vector<16xf32>
        %mul3A_585 = arith.mulf %get3A_582, %mul3A_584 : vector<16xf32>
        %swap3A = arith.index_cast %add3A_580 : i32 to index
        %swap3A_586 = arith.constant 0 : index
        %swap3A_587 = tpu.vector_load %arg6[%swap3A, %swap3A_586] {strides = array<i32>} : memref<1024x64xf32, #tpu.memory_space<vmem>>, vector<16xf32>,
        tpu.vector_store %arg6[%swap3A, %swap3A_586], %mul3A_585 {strides = array<i32>} : memref<1024x64xf32, #tpu.memory_space<vmem>>, vector<16xf32>,
        %get3A_588 = arith.index_cast %add3A_580 : i32 to index
        %get3A_589 = arith.constant 16 : index
        %get3A_590 = tpu.vector_load %arg6[%get3A_588, %get3A_589] {strides = array<i32>} : memref<1024x64xf32, #tpu.memory_space<vmem>>, vector<16xf32>,
        %mul3A_591 = arith.constant 8.000000e+00 : f32
        %mul3A_592 = vector.broadcast %mul3A_591 : f32 to vector<16xf32>
        %mul3A_593 = arith.mulf %get3A_590, %mul3A_592 : vector<16xf32>
        %swap3A_594 = arith.index_cast %add3A_580 : i32 to index
        %swap3A_595 = arith.constant 16 : index
        %swap3A_596 = tpu.vector_load %arg6[%swap3A_594, %swap3A_595] {strides = array<i32>} : memref<1024x64xf32, #tpu.memory_space<vmem>>, vector<16xf32>,
        tpu.vector_store %arg6[%swap3A_594, %swap3A_595], %mul3A_593 {strides = array<i32>} : memref<1024x64xf32, #tpu.memory_space<vmem>>, vector<16xf32>,
        %get3A_597 = arith.index_cast %add3A_580 : i32 to index
        %get3A_598 = arith.constant 32 : index
        %get3A_599 = tpu.vector_load %arg6[%get3A_597, %get3A_598] {strides = array<i32>} : memref<1024x64xf32, #tpu.memory_space<vmem>>, vector<16xf32>,
        %mul3A_600 = arith.constant 8.000000e+00 : f32
        %mul3A_601 = vector.broadcast %mul3A_600 : f32 to vector<16xf32>
        %mul3A_602 = arith.mulf %get3A_599, %mul3A_601 : vector<16xf32>
        %swap3A_603 = arith.index_cast %add3A_580 : i32 to index
        %swap3A_604 = arith.constant 32 : index
        %swap3A_605 = tpu.vector_load %arg6[%swap3A_603, %swap3A_604] {strides = array<i32>} : memref<1024x64xf32, #tpu.memory_space<vmem>>, vector<16xf32>,
        tpu.vector_store %arg6[%swap3A_603, %swap3A_604], %mul3A_602 {strides = array<i32>} : memref<1024x64xf32, #tpu.memory_space<vmem>>, vector<16xf32>,
        %get3A_606 = arith.index_cast %add3A_580 : i32 to index
        %get3A_607 = arith.constant 48 : index
        %get3A_608 = tpu.vector_load %arg6[%get3A_606, %get3A_607] {strides = array<i32>} : memref<1024x64xf32, #tpu.memory_space<vmem>>, vector<16xf32>,
        %mul3A_609 = arith.constant 8.000000e+00 : f32
        %mul3A_610 = vector.broadcast %mul3A_609 : f32 to vector<16xf32>
        %mul3A_611 = arith.mulf %get3A_608, %mul3A_610 : vector<16xf32>
        %swap3A_612 = arith.index_cast %add3A_580 : i32 to index
        %swap3A_613 = arith.constant 48 : index
        %swap3A_614 = tpu.vector_load %arg6[%swap3A_612, %swap3A_613] {strides = array<i32>} : memref<1024x64xf32, #tpu.memory_space<vmem>>, vector<16xf32>,
        tpu.vector_store %arg6[%swap3A_612, %swap3A_613], %mul3A_611 {strides = array<i32>} : memref<1024x64xf32, #tpu.memory_space<vmem>>, vector<16xf32>,
        %scan3A_615 = arith.constant 1 : i32
        %scan3A_616 = arith.addi %scan3A_578, %scan3A_615 : i32
        %add3A_617 = arith.constant 768 : i32
        %add3A_618 = arith.addi %add3A_617, %scan3A_616 : i32
        %get3A_619 = arith.index_cast %add3A_618 : i32 to index
        %get3A_620 = arith.constant 0 : index
        %get3A_621 = tpu.vector_load %arg6[%get3A_619, %get3A_620] {strides = array<i32>} : memref<1024x64xf32, #tpu.memory_space<vmem>>, vector<16xf32>,
        %mul3A_622 = arith.constant 8.000000e+00 : f32
        %mul3A_623 = vector.broadcast %mul3A_622 : f32 to vector<16xf32>
        %mul3A_624 = arith.mulf %get3A_621, %mul3A_623 : vector<16xf32>
        %swap3A_625 = arith.index_cast %add3A_618 : i32 to index
        %swap3A_626 = arith.constant 0 : index
        %swap3A_627 = tpu.vector_load %arg6[%swap3A_625, %swap3A_626] {strides = array<i32>} : memref<1024x64xf32, #tpu.memory_space<vmem>>, vector<16xf32>,
        tpu.vector_store %arg6[%swap3A_625, %swap3A_626], %mul3A_624 {strides = array<i32>} : memref<1024x64xf32, #tpu.memory_space<vmem>>, vector<16xf32>,
        %get3A_628 = arith.index_cast %add3A_618 : i32 to index
        %get3A_629 = arith.constant 16 : index
        %get3A_630 = tpu.vector_load %arg6[%get3A_628, %get3A_629] {strides = array<i32>} : memref<1024x64xf32, #tpu.memory_space<vmem>>, vector<16xf32>,
        %mul3A_631 = arith.constant 8.000000e+00 : f32
        %mul3A_632 = vector.broadcast %mul3A_631 : f32 to vector<16xf32>
        %mul3A_633 = arith.mulf %get3A_630, %mul3A_632 : vector<16xf32>
        %swap3A_634 = arith.index_cast %add3A_618 : i32 to index
        %swap3A_635 = arith.constant 16 : index
        %swap3A_636 = tpu.vector_load %arg6[%swap3A_634, %swap3A_635] {strides = array<i32>} : memref<1024x64xf32, #tpu.memory_space<vmem>>, vector<16xf32>,
        tpu.vector_store %arg6[%swap3A_634, %swap3A_635], %mul3A_633 {strides = array<i32>} : memref<1024x64xf32, #tpu.memory_space<vmem>>, vector<16xf32>,
        %get3A_637 = arith.index_cast %add3A_618 : i32 to index
        %get3A_638 = arith.constant 32 : index
        %get3A_639 = tpu.vector_load %arg6[%get3A_637, %get3A_638] {strides = array<i32>} : memref<1024x64xf32, #tpu.memory_space<vmem>>, vector<16xf32>,
        %mul3A_640 = arith.constant 8.000000e+00 : f32
        %mul3A_641 = vector.broadcast %mul3A_640 : f32 to vector<16xf32>
        %mul3A_642 = arith.mulf %get3A_639, %mul3A_641 : vector<16xf32>
        %swap3A_643 = arith.index_cast %add3A_618 : i32 to index
        %swap3A_644 = arith.constant 32 : index
        %swap3A_645 = tpu.vector_load %arg6[%swap3A_643, %swap3A_644] {strides = array<i32>} : memref<1024x64xf32, #tpu.memory_space<vmem>>, vector<16xf32>,
        tpu.vector_store %arg6[%swap3A_643, %swap3A_644], %mul3A_642 {strides = array<i32>} : memref<1024x64xf32, #tpu.memory_space<vmem>>, vector<16xf32>,
        %get3A_646 = arith.index_cast %add3A_618 : i32 to index
        %get3A_647 = arith.constant 48 : index
        %get3A_648 = tpu.vector_load %arg6[%get3A_646, %get3A_647] {strides = array<i32>} : memref<1024x64xf32, #tpu.memory_space<vmem>>, vector<16xf32>,
        %mul3A_649 = arith.constant 8.000000e+00 : f32
        %mul3A_650 = vector.broadcast %mul3A_649 : f32 to vector<16xf32>
        %mul3A_651 = arith.mulf %get3A_648, %mul3A_650 : vector<16xf32>
        %swap3A_652 = arith.index_cast %add3A_618 : i32 to index
        %swap3A_653 = arith.constant 48 : index
        %swap3A_654 = tpu.vector_load %arg6[%swap3A_652, %swap3A_653] {strides = array<i32>} : memref<1024x64xf32, #tpu.memory_space<vmem>>, vector<16xf32>,
        tpu.vector_store %arg6[%swap3A_652, %swap3A_653], %mul3A_651 {strides = array<i32>} : memref<1024x64xf32, #tpu.memory_space<vmem>>, vector<16xf32>,
        %scan3A_655 = arith.constant 2 : i32
        %scan3A_656 = arith.addi %scan3A_578, %scan3A_655 : i32
        %add3A_657 = arith.constant 768 : i32
        %add3A_658 = arith.addi %add3A_657, %scan3A_656 : i32
        %get3A_659 = arith.index_cast %add3A_658 : i32 to index
        %get3A_660 = arith.constant 0 : index
        %get3A_661 = tpu.vector_load %arg6[%get3A_659, %get3A_660] {strides = array<i32>} : memref<1024x64xf32, #tpu.memory_space<vmem>>, vector<16xf32>,
        %mul3A_662 = arith.constant 8.000000e+00 : f32
        %mul3A_663 = vector.broadcast %mul3A_662 : f32 to vector<16xf32>
        %mul3A_664 = arith.mulf %get3A_661, %mul3A_663 : vector<16xf32>
        %swap3A_665 = arith.index_cast %add3A_658 : i32 to index
        %swap3A_666 = arith.constant 0 : index
        %swap3A_667 = tpu.vector_load %arg6[%swap3A_665, %swap3A_666] {strides = array<i32>} : memref<1024x64xf32, #tpu.memory_space<vmem>>, vector<16xf32>,
        tpu.vector_store %arg6[%swap3A_665, %swap3A_666], %mul3A_664 {strides = array<i32>} : memref<1024x64xf32, #tpu.memory_space<vmem>>, vector<16xf32>,
        %get3A_668 = arith.index_cast %add3A_658 : i32 to index
        %get3A_669 = arith.constant 16 : index
        %get3A_670 = tpu.vector_load %arg6[%get3A_668, %get3A_669] {strides = array<i32>} : memref<1024x64xf32, #tpu.memory_space<vmem>>, vector<16xf32>,
        %mul3A_671 = arith.constant 8.000000e+00 : f32
        %mul3A_672 = vector.broadcast %mul3A_671 : f32 to vector<16xf32>
        %mul3A_673 = arith.mulf %get3A_670, %mul3A_672 : vector<16xf32>
        %swap3A_674 = arith.index_cast %add3A_658 : i32 to index
        %swap3A_675 = arith.constant 16 : index
        %swap3A_676 = tpu.vector_load %arg6[%swap3A_674, %swap3A_675] {strides = array<i32>} : memref<1024x64xf32, #tpu.memory_space<vmem>>, vector<16xf32>,
        tpu.vector_store %arg6[%swap3A_674, %swap3A_675], %mul3A_673 {strides = array<i32>} : memref<1024x64xf32, #tpu.memory_space<vmem>>, vector<16xf32>,
        %get3A_677 = arith.index_cast %add3A_658 : i32 to index
        %get3A_678 = arith.constant 32 : index
        %get3A_679 = tpu.vector_load %arg6[%get3A_677, %get3A_678] {strides = array<i32>} : memref<1024x64xf32, #tpu.memory_space<vmem>>, vector<16xf32>,
        %mul3A_680 = arith.constant 8.000000e+00 : f32
        %mul3A_681 = vector.broadcast %mul3A_680 : f32 to vector<16xf32>
        %mul3A_682 = arith.mulf %get3A_679, %mul3A_681 : vector<16xf32>
        %swap3A_683 = arith.index_cast %add3A_658 : i32 to index
        %swap3A_684 = arith.constant 32 : index
        %swap3A_685 = tpu.vector_load %arg6[%swap3A_683, %swap3A_684] {strides = array<i32>} : memref<1024x64xf32, #tpu.memory_space<vmem>>, vector<16xf32>,
        tpu.vector_store %arg6[%swap3A_683, %swap3A_684], %mul3A_682 {strides = array<i32>} : memref<1024x64xf32, #tpu.memory_space<vmem>>, vector<16xf32>,
        %get3A_686 = arith.index_cast %add3A_658 : i32 to index
        %get3A_687 = arith.constant 48 : index
        %get3A_688 = tpu.vector_load %arg6[%get3A_686, %get3A_687] {strides = array<i32>} : memref<1024x64xf32, #tpu.memory_space<vmem>>, vector<16xf32>,
        %mul3A_689 = arith.constant 8.000000e+00 : f32
        %mul3A_690 = vector.broadcast %mul3A_689 : f32 to vector<16xf32>
        %mul3A_691 = arith.mulf %get3A_688, %mul3A_690 : vector<16xf32>
        %swap3A_692 = arith.index_cast %add3A_658 : i32 to index
        %swap3A_693 = arith.constant 48 : index
        %swap3A_694 = tpu.vector_load %arg6[%swap3A_692, %swap3A_693] {strides = array<i32>} : memref<1024x64xf32, #tpu.memory_space<vmem>>, vector<16xf32>,
        tpu.vector_store %arg6[%swap3A_692, %swap3A_693], %mul3A_691 {strides = array<i32>} : memref<1024x64xf32, #tpu.memory_space<vmem>>, vector<16xf32>,
        %scan3A_695 = arith.constant 3 : i32
        %scan3A_696 = arith.addi %scan3A_578, %scan3A_695 : i32
        %add3A_697 = arith.constant 768 : i32
        %add3A_698 = arith.addi %add3A_697, %scan3A_696 : i32
        %get3A_699 = arith.index_cast %add3A_698 : i32 to index
        %get3A_700 = arith.constant 0 : index
        %get3A_701 = tpu.vector_load %arg6[%get3A_699, %get3A_700] {strides = array<i32>} : memref<1024x64xf32, #tpu.memory_space<vmem>>, vector<16xf32>,
        %mul3A_702 = arith.constant 8.000000e+00 : f32
        %mul3A_703 = vector.broadcast %mul3A_702 : f32 to vector<16xf32>
        %mul3A_704 = arith.mulf %get3A_701, %mul3A_703 : vector<16xf32>
        %swap3A_705 = arith.index_cast %add3A_698 : i32 to index
        %swap3A_706 = arith.constant 0 : index
        %swap3A_707 = tpu.vector_load %arg6[%swap3A_705, %swap3A_706] {strides = array<i32>} : memref<1024x64xf32, #tpu.memory_space<vmem>>, vector<16xf32>,
        tpu.vector_store %arg6[%swap3A_705, %swap3A_706], %mul3A_704 {strides = array<i32>} : memref<1024x64xf32, #tpu.memory_space<vmem>>, vector<16xf32>,
        %get3A_708 = arith.index_cast %add3A_698 : i32 to index
        %get3A_709 = arith.constant 16 : index
        %get3A_710 = tpu.vector_load %arg6[%get3A_708, %get3A_709] {strides = array<i32>} : memref<1024x64xf32, #tpu.memory_space<vmem>>, vector<16xf32>,
        %mul3A_711 = arith.constant 8.000000e+00 : f32
        %mul3A_712 = vector.broadcast %mul3A_711 : f32 to vector<16xf32>
        %mul3A_713 = arith.mulf %get3A_710, %mul3A_712 : vector<16xf32>
        %swap3A_714 = arith.index_cast %add3A_698 : i32 to index
        %swap3A_715 = arith.constant 16 : index
        %swap3A_716 = tpu.vector_load %arg6[%swap3A_714, %swap3A_715] {strides = array<i32>} : memref<1024x64xf32, #tpu.memory_space<vmem>>, vector<16xf32>,
        tpu.vector_store %arg6[%swap3A_714, %swap3A_715], %mul3A_713 {strides = array<i32>} : memref<1024x64xf32, #tpu.memory_space<vmem>>, vector<16xf32>,
        %get3A_717 = arith.index_cast %add3A_698 : i32 to index
        %get3A_718 = arith.constant 32 : index
        %get3A_719 = tpu.vector_load %arg6[%get3A_717, %get3A_718] {strides = array<i32>} : memref<1024x64xf32, #tpu.memory_space<vmem>>, vector<16xf32>,
        %mul3A_720 = arith.constant 8.000000e+00 : f32
        %mul3A_721 = vector.broadcast %mul3A_720 : f32 to vector<16xf32>
        %mul3A_722 = arith.mulf %get3A_719, %mul3A_721 : vector<16xf32>
        %swap3A_723 = arith.index_cast %add3A_698 : i32 to index
        %swap3A_724 = arith.constant 32 : index
        %swap3A_725 = tpu.vector_load %arg6[%swap3A_723, %swap3A_724] {strides = array<i32>} : memref<1024x64xf32, #tpu.memory_space<vmem>>, vector<16xf32>,
        tpu.vector_store %arg6[%swap3A_723, %swap3A_724], %mul3A_722 {strides = array<i32>} : memref<1024x64xf32, #tpu.memory_space<vmem>>, vector<16xf32>,
        %get3A_726 = arith.index_cast %add3A_698 : i32 to index
        %get3A_727 = arith.constant 48 : index
        %get3A_728 = tpu.vector_load %arg6[%get3A_726, %get3A_727] {strides = array<i32>} : memref<1024x64xf32, #tpu.memory_space<vmem>>, vector<16xf32>,
        %mul3A_729 = arith.constant 8.000000e+00 : f32
        %mul3A_730 = vector.broadcast %mul3A_729 : f32 to vector<16xf32>
        %mul3A_731 = arith.mulf %get3A_728, %mul3A_730 : vector<16xf32>
        %swap3A_732 = arith.index_cast %add3A_698 : i32 to index
        %swap3A_733 = arith.constant 48 : index
        %swap3A_734 = tpu.vector_load %arg6[%swap3A_732, %swap3A_733] {strides = array<i32>} : memref<1024x64xf32, #tpu.memory_space<vmem>>, vector<16xf32>,
        tpu.vector_store %arg6[%swap3A_732, %swap3A_733], %mul3A_731 {strides = array<i32>} : memref<1024x64xf32, #tpu.memory_space<vmem>>, vector<16xf32>,
      }
      %scan3A_516 = arith.constant 128 : i32
      %add3A_517 = arith.addi %mul3A_2, %add3A_491 : i32
      %mul3A_518 = arith.constant 128 : i32
      %mul3A_519 = arith.muli %add3A_517, %mul3A_518 : i32
      %dma_start3A_520 = arith.constant 6 : i32
      %dma_start3A_521 = arith.constant 768 : i32
      %dma_start3A_522 = arith.constant 0 : i32
      %dma_start3A_523 = tpu.memref_slice %arg6[%dma_start3A_521, %dma_start3A_522] : memref<1024x64xf32, #tpu.memory_space<vmem>> -> memref<128x64xf32, #tpu.memory_space<vmem>>
      %dma_start3A_524 = arith.constant 0 : i32
      %dma_start3A_525 = tpu.memref_slice %arg4[%mul3A_519, %dma_start3A_524] : memref<819200x128xf32, #tpu.memory_space<hbm>> -> memref<128x64xf32, #tpu.memory_space<hbm>>
      %dma_start3A_526 = tpu.memref_slice %arg8[%dma_start3A_520] : memref<8x!tpu.dma_semaphore, #tpu.memory_space<semaphore_mem>> -> memref<1x!tpu.dma_semaphore, #tpu.memory_space<semaphore_mem>>
      %dma_start3A_527 = tpu.memref_squeeze %dma_start3A_526 : memref<1x!tpu.dma_semaphore, #tpu.memory_space<semaphore_mem>> -> memref<!tpu.dma_semaphore, #tpu.memory_space<semaphore_mem>>
      %dma_start3A_528 = arith.constant 0 : i32
      %dma_start3A_529 = tpu.memref_slice %arg4[%mul3A_519, %dma_start3A_528] : memref<819200x128xf32, #tpu.memory_space<hbm>> -> memref<128x64xf32, #tpu.memory_space<hbm>>
      %dma_start3A_530 = arith.constant 768 : i32
      %dma_start3A_531 = arith.constant 0 : i32
      %dma_start3A_532 = tpu.memref_slice %arg6[%dma_start3A_530, %dma_start3A_531] : memref<1024x64xf32, #tpu.memory_space<vmem>> -> memref<128x64xf32, #tpu.memory_space<vmem>>
      tpu.enqueue_dma source(%dma_start3A_532 : memref<128x64xf32, #tpu.memory_space<vmem>>) target(%dma_start3A_529 : memref<128x64xf32, #tpu.memory_space<hbm>>) target_semaphore(%dma_start3A_527 : memref<!tpu.dma_semaphore, #tpu.memory_space<semaphore_mem>>)
      %mul3A_533 = arith.constant 8 : i32
      %mul3A_534 = arith.muli %scan3A_220, %mul3A_533 : i32
      %add3A_535 = arith.constant 7 : i32
      %add3A_536 = arith.addi %mul3A_534, %add3A_535 : i32
      %add3A_537 = arith.constant 6 : i32
      %add3A_538 = arith.addi %add3A_536, %add3A_537 : i32
      %lt3A_539 = arith.constant 200 : i32
      %lt3A_540 = arith.cmpi slt, %add3A_538, %lt3A_539 : i32
      %convert_element_type3A_541 = arith.extui %lt3A_540 : i1 to i32
      %cond3A_542 = arith.constant 0 : i32
      %cond3A_543 = arith.cmpi ne, %convert_element_type3A_541, %cond3A_542 : i32
      scf.if %cond3A_543 {
        %ge3A = arith.constant 8 : i32
        %ge3A_578 = arith.cmpi sge, %add3A_538, %ge3A : i32
        %convert_element_type3A_579 = arith.extui %ge3A_578 : i1 to i32
        %cond3A_580 = arith.constant 0 : i32
        %cond3A_581 = arith.cmpi ne, %convert_element_type3A_579, %cond3A_580 : i32
        scf.if %cond3A_581 {
          %sub3A = arith.constant 8 : i32
          %sub3A_594 = arith.subi %add3A_538, %sub3A : i32
          %add3A_595 = arith.addi %mul3A_2, %sub3A_594 : i32
          %mul3A_596 = arith.constant 128 : i32
          %mul3A_597 = arith.muli %add3A_595, %mul3A_596 : i32
          %dma_wait3A_598 = arith.constant 5 : i32
          %dma_wait3A_599 = arith.constant 640 : i32
          %dma_wait3A_600 = arith.constant 0 : i32
          %dma_wait3A_601 = tpu.memref_slice %arg6[%dma_wait3A_599, %dma_wait3A_600] : memref<1024x64xf32, #tpu.memory_space<vmem>> -> memref<128x64xf32, #tpu.memory_space<vmem>>
          %dma_wait3A_602 = arith.constant 0 : i32
          %dma_wait3A_603 = tpu.memref_slice %arg4[%mul3A_597, %dma_wait3A_602] : memref<819200x128xf32, #tpu.memory_space<hbm>> -> memref<128x64xf32, #tpu.memory_space<hbm>>
          %dma_wait3A_604 = tpu.memref_slice %arg8[%dma_wait3A_598] : memref<8x!tpu.dma_semaphore, #tpu.memory_space<semaphore_mem>> -> memref<1x!tpu.dma_semaphore, #tpu.memory_space<semaphore_mem>>
          %dma_wait3A_605 = tpu.memref_squeeze %dma_wait3A_604 : memref<1x!tpu.dma_semaphore, #tpu.memory_space<semaphore_mem>> -> memref<!tpu.dma_semaphore, #tpu.memory_space<semaphore_mem>>
          %dma_wait3A_606 = arith.constant 0 : i32
          %dma_wait3A_607 = tpu.memref_slice %arg4[%mul3A_597, %dma_wait3A_606] : memref<819200x128xf32, #tpu.memory_space<hbm>> -> memref<128x64xf32, #tpu.memory_space<hbm>>
          %dma_wait3A_608 = arith.constant 640 : i32
          %dma_wait3A_609 = arith.constant 0 : i32
          %dma_wait3A_610 = tpu.memref_slice %arg6[%dma_wait3A_608, %dma_wait3A_609] : memref<1024x64xf32, #tpu.memory_space<vmem>> -> memref<128x64xf32, #tpu.memory_space<vmem>>
          tpu.wait_dma2 semaphore(%dma_wait3A_605 : memref<!tpu.dma_semaphore, #tpu.memory_space<semaphore_mem>>) src(%dma_wait3A_610 : memref<128x64xf32, #tpu.memory_space<vmem>>) dst(%dma_wait3A_607 : memref<128x64xf32, #tpu.memory_space<hbm>>)
        } else {
        }
        %dma_start3A_582 = arith.constant 5 : i32
        %dma_start3A_583 = arith.constant 640 : i32
        %dma_start3A_584 = arith.constant 0 : i32
        %dma_start3A_585 = tpu.memref_slice %arg6[%dma_start3A_583, %dma_start3A_584] : memref<1024x64xf32, #tpu.memory_space<vmem>> -> memref<128x64xf32, #tpu.memory_space<vmem>>
        %dma_start3A_586 = arith.constant 0 : i32
        %dma_start3A_587 = tpu.memref_slice %arg5[%add3A_538, %dma_start3A_586] : memref<200x128xi32, #tpu.memory_space<vmem>> -> memref<1x128xi32, #tpu.memory_space<vmem>>
        %dma_start3A_588 = tpu.memref_squeeze %dma_start3A_587 : memref<1x128xi32, #tpu.memory_space<vmem>> -> memref<128xi32, #tpu.memory_space<vmem>>
        %dma_start3A_589 = arith.constant 0 : i32
        %dma_start3A_590 = arith.constant 0 : i32
        %dma_start3A_591 = tpu.memref_slice %arg3[%dma_start3A_589, %dma_start3A_590] : memref<1000000x64xf32, #tpu.memory_space<hbm>> -> memref<1000000x64xf32, #tpu.memory_space<hbm>>
        %dma_start3A_592 = tpu.memref_slice %arg7[%dma_start3A_582] : memref<8x!tpu.dma_semaphore, #tpu.memory_space<semaphore_mem>> -> memref<1x!tpu.dma_semaphore, #tpu.memory_space<semaphore_mem>>
        %dma_start3A_593 = tpu.memref_squeeze %dma_start3A_592 : memref<1x!tpu.dma_semaphore, #tpu.memory_space<semaphore_mem>> -> memref<!tpu.dma_semaphore, #tpu.memory_space<semaphore_mem>>
        tpu.enqueue_indirect_dma source(%dma_start3A_591 : memref<1000000x64xf32, #tpu.memory_space<hbm>>) target(%dma_start3A_585 : memref<128x64xf32, #tpu.memory_space<vmem>>) offsets(%dma_start3A_588 : memref<128xi32, #tpu.memory_space<vmem>>) semaphore(%dma_start3A_593 : memref<!tpu.dma_semaphore, #tpu.memory_space<semaphore_mem>>)
      } else {
      }
      %dma_wait3A_544 = arith.constant 7 : i32
      %dma_wait3A_545 = arith.constant 896 : i32
      %dma_wait3A_546 = arith.constant 0 : i32
      %dma_wait3A_547 = tpu.memref_slice %arg6[%dma_wait3A_545, %dma_wait3A_546] : memref<1024x64xf32, #tpu.memory_space<vmem>> -> memref<128x64xf32, #tpu.memory_space<vmem>>
      %dma_wait3A_548 = arith.constant 0 : i32
      %dma_wait3A_549 = tpu.memref_slice %arg5[%add3A_536, %dma_wait3A_548] : memref<200x128xi32, #tpu.memory_space<vmem>> -> memref<1x128xi32, #tpu.memory_space<vmem>>
      %dma_wait3A_550 = tpu.memref_squeeze %dma_wait3A_549 : memref<1x128xi32, #tpu.memory_space<vmem>> -> memref<128xi32, #tpu.memory_space<vmem>>
      %dma_wait3A_551 = arith.constant 0 : i32
      %dma_wait3A_552 = arith.constant 0 : i32
      %dma_wait3A_553 = tpu.memref_slice %arg3[%dma_wait3A_551, %dma_wait3A_552] : memref<1000000x64xf32, #tpu.memory_space<hbm>> -> memref<1000000x64xf32, #tpu.memory_space<hbm>>
      %dma_wait3A_554 = tpu.memref_slice %arg7[%dma_wait3A_544] : memref<8x!tpu.dma_semaphore, #tpu.memory_space<semaphore_mem>> -> memref<1x!tpu.dma_semaphore, #tpu.memory_space<semaphore_mem>>
      %dma_wait3A_555 = tpu.memref_squeeze %dma_wait3A_554 : memref<1x!tpu.dma_semaphore, #tpu.memory_space<semaphore_mem>> -> memref<!tpu.dma_semaphore, #tpu.memory_space<semaphore_mem>>
      tpu.wait_indirect_dma semaphore(%dma_wait3A_555 : memref<!tpu.dma_semaphore, #tpu.memory_space<semaphore_mem>>) src(%dma_wait3A_553 : memref<1000000x64xf32, #tpu.memory_space<hbm>>) dst(%dma_wait3A_547 : memref<128x64xf32, #tpu.memory_space<vmem>>)
      %scan3A_556 = arith.constant 0 : i32
      %scan3A_557 = arith.constant 0 : i32
      %scan3A_558 = arith.constant 128 : i32
      %scan3A_559 = arith.addi %scan3A_557, %scan3A_558 : i32
      %scan3A_560 = arith.constant 4 : i32
      scf.for %scan3A_578 = %scan3A_557 to %scan3A_559 step %scan3A_560  : i32 {
        %add3A_579 = arith.constant 896 : i32
        %add3A_580 = arith.addi %add3A_579, %scan3A_578 : i32
        %get3A = arith.index_cast %add3A_580 : i32 to index
        %get3A_581 = arith.constant 0 : index
        %get3A_582 = tpu.vector_load %arg6[%get3A, %get3A_581] {strides = array<i32>} : memref<1024x64xf32, #tpu.memory_space<vmem>>, vector<16xf32>,
        %mul3A_583 = arith.constant 8.000000e+00 : f32
        %mul3A_584 = vector.broadcast %mul3A_583 : f32 to vector<16xf32>
        %mul3A_585 = arith.mulf %get3A_582, %mul3A_584 : vector<16xf32>
        %swap3A = arith.index_cast %add3A_580 : i32 to index
        %swap3A_586 = arith.constant 0 : index
        %swap3A_587 = tpu.vector_load %arg6[%swap3A, %swap3A_586] {strides = array<i32>} : memref<1024x64xf32, #tpu.memory_space<vmem>>, vector<16xf32>,
        tpu.vector_store %arg6[%swap3A, %swap3A_586], %mul3A_585 {strides = array<i32>} : memref<1024x64xf32, #tpu.memory_space<vmem>>, vector<16xf32>,
        %get3A_588 = arith.index_cast %add3A_580 : i32 to index
        %get3A_589 = arith.constant 16 : index
        %get3A_590 = tpu.vector_load %arg6[%get3A_588, %get3A_589] {strides = array<i32>} : memref<1024x64xf32, #tpu.memory_space<vmem>>, vector<16xf32>,
        %mul3A_591 = arith.constant 8.000000e+00 : f32
        %mul3A_592 = vector.broadcast %mul3A_591 : f32 to vector<16xf32>
        %mul3A_593 = arith.mulf %get3A_590, %mul3A_592 : vector<16xf32>
        %swap3A_594 = arith.index_cast %add3A_580 : i32 to index
        %swap3A_595 = arith.constant 16 : index
        %swap3A_596 = tpu.vector_load %arg6[%swap3A_594, %swap3A_595] {strides = array<i32>} : memref<1024x64xf32, #tpu.memory_space<vmem>>, vector<16xf32>,
        tpu.vector_store %arg6[%swap3A_594, %swap3A_595], %mul3A_593 {strides = array<i32>} : memref<1024x64xf32, #tpu.memory_space<vmem>>, vector<16xf32>,
        %get3A_597 = arith.index_cast %add3A_580 : i32 to index
        %get3A_598 = arith.constant 32 : index
        %get3A_599 = tpu.vector_load %arg6[%get3A_597, %get3A_598] {strides = array<i32>} : memref<1024x64xf32, #tpu.memory_space<vmem>>, vector<16xf32>,
        %mul3A_600 = arith.constant 8.000000e+00 : f32
        %mul3A_601 = vector.broadcast %mul3A_600 : f32 to vector<16xf32>
        %mul3A_602 = arith.mulf %get3A_599, %mul3A_601 : vector<16xf32>
        %swap3A_603 = arith.index_cast %add3A_580 : i32 to index
        %swap3A_604 = arith.constant 32 : index
        %swap3A_605 = tpu.vector_load %arg6[%swap3A_603, %swap3A_604] {strides = array<i32>} : memref<1024x64xf32, #tpu.memory_space<vmem>>, vector<16xf32>,
        tpu.vector_store %arg6[%swap3A_603, %swap3A_604], %mul3A_602 {strides = array<i32>} : memref<1024x64xf32, #tpu.memory_space<vmem>>, vector<16xf32>,
        %get3A_606 = arith.index_cast %add3A_580 : i32 to index
        %get3A_607 = arith.constant 48 : index
        %get3A_608 = tpu.vector_load %arg6[%get3A_606, %get3A_607] {strides = array<i32>} : memref<1024x64xf32, #tpu.memory_space<vmem>>, vector<16xf32>,
        %mul3A_609 = arith.constant 8.000000e+00 : f32
        %mul3A_610 = vector.broadcast %mul3A_609 : f32 to vector<16xf32>
        %mul3A_611 = arith.mulf %get3A_608, %mul3A_610 : vector<16xf32>
        %swap3A_612 = arith.index_cast %add3A_580 : i32 to index
        %swap3A_613 = arith.constant 48 : index
        %swap3A_614 = tpu.vector_load %arg6[%swap3A_612, %swap3A_613] {strides = array<i32>} : memref<1024x64xf32, #tpu.memory_space<vmem>>, vector<16xf32>,
        tpu.vector_store %arg6[%swap3A_612, %swap3A_613], %mul3A_611 {strides = array<i32>} : memref<1024x64xf32, #tpu.memory_space<vmem>>, vector<16xf32>,
        %scan3A_615 = arith.constant 1 : i32
        %scan3A_616 = arith.addi %scan3A_578, %scan3A_615 : i32
        %add3A_617 = arith.constant 896 : i32
        %add3A_618 = arith.addi %add3A_617, %scan3A_616 : i32
        %get3A_619 = arith.index_cast %add3A_618 : i32 to index
        %get3A_620 = arith.constant 0 : index
        %get3A_621 = tpu.vector_load %arg6[%get3A_619, %get3A_620] {strides = array<i32>} : memref<1024x64xf32, #tpu.memory_space<vmem>>, vector<16xf32>,
        %mul3A_622 = arith.constant 8.000000e+00 : f32
        %mul3A_623 = vector.broadcast %mul3A_622 : f32 to vector<16xf32>
        %mul3A_624 = arith.mulf %get3A_621, %mul3A_623 : vector<16xf32>
        %swap3A_625 = arith.index_cast %add3A_618 : i32 to index
        %swap3A_626 = arith.constant 0 : index
        %swap3A_627 = tpu.vector_load %arg6[%swap3A_625, %swap3A_626] {strides = array<i32>} : memref<1024x64xf32, #tpu.memory_space<vmem>>, vector<16xf32>,
        tpu.vector_store %arg6[%swap3A_625, %swap3A_626], %mul3A_624 {strides = array<i32>} : memref<1024x64xf32, #tpu.memory_space<vmem>>, vector<16xf32>,
        %get3A_628 = arith.index_cast %add3A_618 : i32 to index
        %get3A_629 = arith.constant 16 : index
        %get3A_630 = tpu.vector_load %arg6[%get3A_628, %get3A_629] {strides = array<i32>} : memref<1024x64xf32, #tpu.memory_space<vmem>>, vector<16xf32>,
        %mul3A_631 = arith.constant 8.000000e+00 : f32
        %mul3A_632 = vector.broadcast %mul3A_631 : f32 to vector<16xf32>
        %mul3A_633 = arith.mulf %get3A_630, %mul3A_632 : vector<16xf32>
        %swap3A_634 = arith.index_cast %add3A_618 : i32 to index
        %swap3A_635 = arith.constant 16 : index
        %swap3A_636 = tpu.vector_load %arg6[%swap3A_634, %swap3A_635] {strides = array<i32>} : memref<1024x64xf32, #tpu.memory_space<vmem>>, vector<16xf32>,
        tpu.vector_store %arg6[%swap3A_634, %swap3A_635], %mul3A_633 {strides = array<i32>} : memref<1024x64xf32, #tpu.memory_space<vmem>>, vector<16xf32>,
        %get3A_637 = arith.index_cast %add3A_618 : i32 to index
        %get3A_638 = arith.constant 32 : index
        %get3A_639 = tpu.vector_load %arg6[%get3A_637, %get3A_638] {strides = array<i32>} : memref<1024x64xf32, #tpu.memory_space<vmem>>, vector<16xf32>,
        %mul3A_640 = arith.constant 8.000000e+00 : f32
        %mul3A_641 = vector.broadcast %mul3A_640 : f32 to vector<16xf32>
        %mul3A_642 = arith.mulf %get3A_639, %mul3A_641 : vector<16xf32>
        %swap3A_643 = arith.index_cast %add3A_618 : i32 to index
        %swap3A_644 = arith.constant 32 : index
        %swap3A_645 = tpu.vector_load %arg6[%swap3A_643, %swap3A_644] {strides = array<i32>} : memref<1024x64xf32, #tpu.memory_space<vmem>>, vector<16xf32>,
        tpu.vector_store %arg6[%swap3A_643, %swap3A_644], %mul3A_642 {strides = array<i32>} : memref<1024x64xf32, #tpu.memory_space<vmem>>, vector<16xf32>,
        %get3A_646 = arith.index_cast %add3A_618 : i32 to index
        %get3A_647 = arith.constant 48 : index
        %get3A_648 = tpu.vector_load %arg6[%get3A_646, %get3A_647] {strides = array<i32>} : memref<1024x64xf32, #tpu.memory_space<vmem>>, vector<16xf32>,
        %mul3A_649 = arith.constant 8.000000e+00 : f32
        %mul3A_650 = vector.broadcast %mul3A_649 : f32 to vector<16xf32>
        %mul3A_651 = arith.mulf %get3A_648, %mul3A_650 : vector<16xf32>
        %swap3A_652 = arith.index_cast %add3A_618 : i32 to index
        %swap3A_653 = arith.constant 48 : index
        %swap3A_654 = tpu.vector_load %arg6[%swap3A_652, %swap3A_653] {strides = array<i32>} : memref<1024x64xf32, #tpu.memory_space<vmem>>, vector<16xf32>,
        tpu.vector_store %arg6[%swap3A_652, %swap3A_653], %mul3A_651 {strides = array<i32>} : memref<1024x64xf32, #tpu.memory_space<vmem>>, vector<16xf32>,
        %scan3A_655 = arith.constant 2 : i32
        %scan3A_656 = arith.addi %scan3A_578, %scan3A_655 : i32
        %add3A_657 = arith.constant 896 : i32
        %add3A_658 = arith.addi %add3A_657, %scan3A_656 : i32
        %get3A_659 = arith.index_cast %add3A_658 : i32 to index
        %get3A_660 = arith.constant 0 : index
        %get3A_661 = tpu.vector_load %arg6[%get3A_659, %get3A_660] {strides = array<i32>} : memref<1024x64xf32, #tpu.memory_space<vmem>>, vector<16xf32>,
        %mul3A_662 = arith.constant 8.000000e+00 : f32
        %mul3A_663 = vector.broadcast %mul3A_662 : f32 to vector<16xf32>
        %mul3A_664 = arith.mulf %get3A_661, %mul3A_663 : vector<16xf32>
        %swap3A_665 = arith.index_cast %add3A_658 : i32 to index
        %swap3A_666 = arith.constant 0 : index
        %swap3A_667 = tpu.vector_load %arg6[%swap3A_665, %swap3A_666] {strides = array<i32>} : memref<1024x64xf32, #tpu.memory_space<vmem>>, vector<16xf32>,
        tpu.vector_store %arg6[%swap3A_665, %swap3A_666], %mul3A_664 {strides = array<i32>} : memref<1024x64xf32, #tpu.memory_space<vmem>>, vector<16xf32>,
        %get3A_668 = arith.index_cast %add3A_658 : i32 to index
        %get3A_669 = arith.constant 16 : index
        %get3A_670 = tpu.vector_load %arg6[%get3A_668, %get3A_669] {strides = array<i32>} : memref<1024x64xf32, #tpu.memory_space<vmem>>, vector<16xf32>,
        %mul3A_671 = arith.constant 8.000000e+00 : f32
        %mul3A_672 = vector.broadcast %mul3A_671 : f32 to vector<16xf32>
        %mul3A_673 = arith.mulf %get3A_670, %mul3A_672 : vector<16xf32>
        %swap3A_674 = arith.index_cast %add3A_658 : i32 to index
        %swap3A_675 = arith.constant 16 : index
        %swap3A_676 = tpu.vector_load %arg6[%swap3A_674, %swap3A_675] {strides = array<i32>} : memref<1024x64xf32, #tpu.memory_space<vmem>>, vector<16xf32>,
        tpu.vector_store %arg6[%swap3A_674, %swap3A_675], %mul3A_673 {strides = array<i32>} : memref<1024x64xf32, #tpu.memory_space<vmem>>, vector<16xf32>,
        %get3A_677 = arith.index_cast %add3A_658 : i32 to index
        %get3A_678 = arith.constant 32 : index
        %get3A_679 = tpu.vector_load %arg6[%get3A_677, %get3A_678] {strides = array<i32>} : memref<1024x64xf32, #tpu.memory_space<vmem>>, vector<16xf32>,
        %mul3A_680 = arith.constant 8.000000e+00 : f32
        %mul3A_681 = vector.broadcast %mul3A_680 : f32 to vector<16xf32>
        %mul3A_682 = arith.mulf %get3A_679, %mul3A_681 : vector<16xf32>
        %swap3A_683 = arith.index_cast %add3A_658 : i32 to index
        %swap3A_684 = arith.constant 32 : index
        %swap3A_685 = tpu.vector_load %arg6[%swap3A_683, %swap3A_684] {strides = array<i32>} : memref<1024x64xf32, #tpu.memory_space<vmem>>, vector<16xf32>,
        tpu.vector_store %arg6[%swap3A_683, %swap3A_684], %mul3A_682 {strides = array<i32>} : memref<1024x64xf32, #tpu.memory_space<vmem>>, vector<16xf32>,
        %get3A_686 = arith.index_cast %add3A_658 : i32 to index
        %get3A_687 = arith.constant 48 : index
        %get3A_688 = tpu.vector_load %arg6[%get3A_686, %get3A_687] {strides = array<i32>} : memref<1024x64xf32, #tpu.memory_space<vmem>>, vector<16xf32>,
        %mul3A_689 = arith.constant 8.000000e+00 : f32
        %mul3A_690 = vector.broadcast %mul3A_689 : f32 to vector<16xf32>
        %mul3A_691 = arith.mulf %get3A_688, %mul3A_690 : vector<16xf32>
        %swap3A_692 = arith.index_cast %add3A_658 : i32 to index
        %swap3A_693 = arith.constant 48 : index
        %swap3A_694 = tpu.vector_load %arg6[%swap3A_692, %swap3A_693] {strides = array<i32>} : memref<1024x64xf32, #tpu.memory_space<vmem>>, vector<16xf32>,
        tpu.vector_store %arg6[%swap3A_692, %swap3A_693], %mul3A_691 {strides = array<i32>} : memref<1024x64xf32, #tpu.memory_space<vmem>>, vector<16xf32>,
        %scan3A_695 = arith.constant 3 : i32
        %scan3A_696 = arith.addi %scan3A_578, %scan3A_695 : i32
        %add3A_697 = arith.constant 896 : i32
        %add3A_698 = arith.addi %add3A_697, %scan3A_696 : i32
        %get3A_699 = arith.index_cast %add3A_698 : i32 to index
        %get3A_700 = arith.constant 0 : index
        %get3A_701 = tpu.vector_load %arg6[%get3A_699, %get3A_700] {strides = array<i32>} : memref<1024x64xf32, #tpu.memory_space<vmem>>, vector<16xf32>,
        %mul3A_702 = arith.constant 8.000000e+00 : f32
        %mul3A_703 = vector.broadcast %mul3A_702 : f32 to vector<16xf32>
        %mul3A_704 = arith.mulf %get3A_701, %mul3A_703 : vector<16xf32>
        %swap3A_705 = arith.index_cast %add3A_698 : i32 to index
        %swap3A_706 = arith.constant 0 : index
        %swap3A_707 = tpu.vector_load %arg6[%swap3A_705, %swap3A_706] {strides = array<i32>} : memref<1024x64xf32, #tpu.memory_space<vmem>>, vector<16xf32>,
        tpu.vector_store %arg6[%swap3A_705, %swap3A_706], %mul3A_704 {strides = array<i32>} : memref<1024x64xf32, #tpu.memory_space<vmem>>, vector<16xf32>,
        %get3A_708 = arith.index_cast %add3A_698 : i32 to index
        %get3A_709 = arith.constant 16 : index
        %get3A_710 = tpu.vector_load %arg6[%get3A_708, %get3A_709] {strides = array<i32>} : memref<1024x64xf32, #tpu.memory_space<vmem>>, vector<16xf32>,
        %mul3A_711 = arith.constant 8.000000e+00 : f32
        %mul3A_712 = vector.broadcast %mul3A_711 : f32 to vector<16xf32>
        %mul3A_713 = arith.mulf %get3A_710, %mul3A_712 : vector<16xf32>
        %swap3A_714 = arith.index_cast %add3A_698 : i32 to index
        %swap3A_715 = arith.constant 16 : index
        %swap3A_716 = tpu.vector_load %arg6[%swap3A_714, %swap3A_715] {strides = array<i32>} : memref<1024x64xf32, #tpu.memory_space<vmem>>, vector<16xf32>,
        tpu.vector_store %arg6[%swap3A_714, %swap3A_715], %mul3A_713 {strides = array<i32>} : memref<1024x64xf32, #tpu.memory_space<vmem>>, vector<16xf32>,
        %get3A_717 = arith.index_cast %add3A_698 : i32 to index
        %get3A_718 = arith.constant 32 : index
        %get3A_719 = tpu.vector_load %arg6[%get3A_717, %get3A_718] {strides = array<i32>} : memref<1024x64xf32, #tpu.memory_space<vmem>>, vector<16xf32>,
        %mul3A_720 = arith.constant 8.000000e+00 : f32
        %mul3A_721 = vector.broadcast %mul3A_720 : f32 to vector<16xf32>
        %mul3A_722 = arith.mulf %get3A_719, %mul3A_721 : vector<16xf32>
        %swap3A_723 = arith.index_cast %add3A_698 : i32 to index
        %swap3A_724 = arith.constant 32 : index
        %swap3A_725 = tpu.vector_load %arg6[%swap3A_723, %swap3A_724] {strides = array<i32>} : memref<1024x64xf32, #tpu.memory_space<vmem>>, vector<16xf32>,
        tpu.vector_store %arg6[%swap3A_723, %swap3A_724], %mul3A_722 {strides = array<i32>} : memref<1024x64xf32, #tpu.memory_space<vmem>>, vector<16xf32>,
        %get3A_726 = arith.index_cast %add3A_698 : i32 to index
        %get3A_727 = arith.constant 48 : index
        %get3A_728 = tpu.vector_load %arg6[%get3A_726, %get3A_727] {strides = array<i32>} : memref<1024x64xf32, #tpu.memory_space<vmem>>, vector<16xf32>,
        %mul3A_729 = arith.constant 8.000000e+00 : f32
        %mul3A_730 = vector.broadcast %mul3A_729 : f32 to vector<16xf32>
        %mul3A_731 = arith.mulf %get3A_728, %mul3A_730 : vector<16xf32>
        %swap3A_732 = arith.index_cast %add3A_698 : i32 to index
        %swap3A_733 = arith.constant 48 : index
        %swap3A_734 = tpu.vector_load %arg6[%swap3A_732, %swap3A_733] {strides = array<i32>} : memref<1024x64xf32, #tpu.memory_space<vmem>>, vector<16xf32>,
        tpu.vector_store %arg6[%swap3A_732, %swap3A_733], %mul3A_731 {strides = array<i32>} : memref<1024x64xf32, #tpu.memory_space<vmem>>, vector<16xf32>,
      }
      %scan3A_561 = arith.constant 128 : i32
      %add3A_562 = arith.addi %mul3A_2, %add3A_536 : i32
      %mul3A_563 = arith.constant 128 : i32
      %mul3A_564 = arith.muli %add3A_562, %mul3A_563 : i32
      %dma_start3A_565 = arith.constant 7 : i32
      %dma_start3A_566 = arith.constant 896 : i32
      %dma_start3A_567 = arith.constant 0 : i32
      %dma_start3A_568 = tpu.memref_slice %arg6[%dma_start3A_566, %dma_start3A_567] : memref<1024x64xf32, #tpu.memory_space<vmem>> -> memref<128x64xf32, #tpu.memory_space<vmem>>
      %dma_start3A_569 = arith.constant 0 : i32
      %dma_start3A_570 = tpu.memref_slice %arg4[%mul3A_564, %dma_start3A_569] : memref<819200x128xf32, #tpu.memory_space<hbm>> -> memref<128x64xf32, #tpu.memory_space<hbm>>
      %dma_start3A_571 = tpu.memref_slice %arg8[%dma_start3A_565] : memref<8x!tpu.dma_semaphore, #tpu.memory_space<semaphore_mem>> -> memref<1x!tpu.dma_semaphore, #tpu.memory_space<semaphore_mem>>
      %dma_start3A_572 = tpu.memref_squeeze %dma_start3A_571 : memref<1x!tpu.dma_semaphore, #tpu.memory_space<semaphore_mem>> -> memref<!tpu.dma_semaphore, #tpu.memory_space<semaphore_mem>>
      %dma_start3A_573 = arith.constant 0 : i32
      %dma_start3A_574 = tpu.memref_slice %arg4[%mul3A_564, %dma_start3A_573] : memref<819200x128xf32, #tpu.memory_space<hbm>> -> memref<128x64xf32, #tpu.memory_space<hbm>>
      %dma_start3A_575 = arith.constant 896 : i32
      %dma_start3A_576 = arith.constant 0 : i32
      %dma_start3A_577 = tpu.memref_slice %arg6[%dma_start3A_575, %dma_start3A_576] : memref<1024x64xf32, #tpu.memory_space<vmem>> -> memref<128x64xf32, #tpu.memory_space<vmem>>
      tpu.enqueue_dma source(%dma_start3A_577 : memref<128x64xf32, #tpu.memory_space<vmem>>) target(%dma_start3A_574 : memref<128x64xf32, #tpu.memory_space<hbm>>) target_semaphore(%dma_start3A_572 : memref<!tpu.dma_semaphore, #tpu.memory_space<semaphore_mem>>)
    }
    %scan3A_84 = arith.constant 25 : i32
    %add3A_85 = arith.constant 192 : i32
    %add3A_86 = arith.addi %mul3A_2, %add3A_85 : i32
    %mul3A_87 = arith.constant 128 : i32
    %mul3A_88 = arith.muli %add3A_86, %mul3A_87 : i32
    %dma_wait3A = arith.constant 0 : i32
    %dma_wait3A_89 = arith.constant 0 : i32
    %dma_wait3A_90 = arith.constant 0 : i32
    %dma_wait3A_91 = tpu.memref_slice %arg6[%dma_wait3A_89, %dma_wait3A_90] : memref<1024x64xf32, #tpu.memory_space<vmem>> -> memref<128x64xf32, #tpu.memory_space<vmem>>
    %dma_wait3A_92 = arith.constant 0 : i32
    %dma_wait3A_93 = tpu.memref_slice %arg4[%mul3A_88, %dma_wait3A_92] : memref<819200x128xf32, #tpu.memory_space<hbm>> -> memref<128x64xf32, #tpu.memory_space<hbm>>
    %dma_wait3A_94 = tpu.memref_slice %arg8[%dma_wait3A] : memref<8x!tpu.dma_semaphore, #tpu.memory_space<semaphore_mem>> -> memref<1x!tpu.dma_semaphore, #tpu.memory_space<semaphore_mem>>
    %dma_wait3A_95 = tpu.memref_squeeze %dma_wait3A_94 : memref<1x!tpu.dma_semaphore, #tpu.memory_space<semaphore_mem>> -> memref<!tpu.dma_semaphore, #tpu.memory_space<semaphore_mem>>
    %dma_wait3A_96 = arith.constant 0 : i32
    %dma_wait3A_97 = tpu.memref_slice %arg4[%mul3A_88, %dma_wait3A_96] : memref<819200x128xf32, #tpu.memory_space<hbm>> -> memref<128x64xf32, #tpu.memory_space<hbm>>
    %dma_wait3A_98 = arith.constant 0 : i32
    %dma_wait3A_99 = arith.constant 0 : i32
    %dma_wait3A_100 = tpu.memref_slice %arg6[%dma_wait3A_98, %dma_wait3A_99] : memref<1024x64xf32, #tpu.memory_space<vmem>> -> memref<128x64xf32, #tpu.memory_space<vmem>>
    tpu.wait_dma2 semaphore(%dma_wait3A_95 : memref<!tpu.dma_semaphore, #tpu.memory_space<semaphore_mem>>) src(%dma_wait3A_100 : memref<128x64xf32, #tpu.memory_space<vmem>>) dst(%dma_wait3A_97 : memref<128x64xf32, #tpu.memory_space<hbm>>)
    %add3A_101 = arith.constant 193 : i32
    %add3A_102 = arith.addi %mul3A_2, %add3A_101 : i32
    %mul3A_103 = arith.constant 128 : i32
    %mul3A_104 = arith.muli %add3A_102, %mul3A_103 : i32
    %dma_wait3A_105 = arith.constant 1 : i32
    %dma_wait3A_106 = arith.constant 128 : i32
    %dma_wait3A_107 = arith.constant 0 : i32
    %dma_wait3A_108 = tpu.memref_slice %arg6[%dma_wait3A_106, %dma_wait3A_107] : memref<1024x64xf32, #tpu.memory_space<vmem>> -> memref<128x64xf32, #tpu.memory_space<vmem>>
    %dma_wait3A_109 = arith.constant 0 : i32
    %dma_wait3A_110 = tpu.memref_slice %arg4[%mul3A_104, %dma_wait3A_109] : memref<819200x128xf32, #tpu.memory_space<hbm>> -> memref<128x64xf32, #tpu.memory_space<hbm>>
    %dma_wait3A_111 = tpu.memref_slice %arg8[%dma_wait3A_105] : memref<8x!tpu.dma_semaphore, #tpu.memory_space<semaphore_mem>> -> memref<1x!tpu.dma_semaphore, #tpu.memory_space<semaphore_mem>>
    %dma_wait3A_112 = tpu.memref_squeeze %dma_wait3A_111 : memref<1x!tpu.dma_semaphore, #tpu.memory_space<semaphore_mem>> -> memref<!tpu.dma_semaphore, #tpu.memory_space<semaphore_mem>>
    %dma_wait3A_113 = arith.constant 0 : i32
    %dma_wait3A_114 = tpu.memref_slice %arg4[%mul3A_104, %dma_wait3A_113] : memref<819200x128xf32, #tpu.memory_space<hbm>> -> memref<128x64xf32, #tpu.memory_space<hbm>>
    %dma_wait3A_115 = arith.constant 128 : i32
    %dma_wait3A_116 = arith.constant 0 : i32
    %dma_wait3A_117 = tpu.memref_slice %arg6[%dma_wait3A_115, %dma_wait3A_116] : memref<1024x64xf32, #tpu.memory_space<vmem>> -> memref<128x64xf32, #tpu.memory_space<vmem>>
    tpu.wait_dma2 semaphore(%dma_wait3A_112 : memref<!tpu.dma_semaphore, #tpu.memory_space<semaphore_mem>>) src(%dma_wait3A_117 : memref<128x64xf32, #tpu.memory_space<vmem>>) dst(%dma_wait3A_114 : memref<128x64xf32, #tpu.memory_space<hbm>>)
    %add3A_118 = arith.constant 194 : i32
    %add3A_119 = arith.addi %mul3A_2, %add3A_118 : i32
    %mul3A_120 = arith.constant 128 : i32
    %mul3A_121 = arith.muli %add3A_119, %mul3A_120 : i32
    %dma_wait3A_122 = arith.constant 2 : i32
    %dma_wait3A_123 = arith.constant 256 : i32
    %dma_wait3A_124 = arith.constant 0 : i32
    %dma_wait3A_125 = tpu.memref_slice %arg6[%dma_wait3A_123, %dma_wait3A_124] : memref<1024x64xf32, #tpu.memory_space<vmem>> -> memref<128x64xf32, #tpu.memory_space<vmem>>
    %dma_wait3A_126 = arith.constant 0 : i32
    %dma_wait3A_127 = tpu.memref_slice %arg4[%mul3A_121, %dma_wait3A_126] : memref<819200x128xf32, #tpu.memory_space<hbm>> -> memref<128x64xf32, #tpu.memory_space<hbm>>
    %dma_wait3A_128 = tpu.memref_slice %arg8[%dma_wait3A_122] : memref<8x!tpu.dma_semaphore, #tpu.memory_space<semaphore_mem>> -> memref<1x!tpu.dma_semaphore, #tpu.memory_space<semaphore_mem>>
    %dma_wait3A_129 = tpu.memref_squeeze %dma_wait3A_128 : memref<1x!tpu.dma_semaphore, #tpu.memory_space<semaphore_mem>> -> memref<!tpu.dma_semaphore, #tpu.memory_space<semaphore_mem>>
    %dma_wait3A_130 = arith.constant 0 : i32
    %dma_wait3A_131 = tpu.memref_slice %arg4[%mul3A_121, %dma_wait3A_130] : memref<819200x128xf32, #tpu.memory_space<hbm>> -> memref<128x64xf32, #tpu.memory_space<hbm>>
    %dma_wait3A_132 = arith.constant 256 : i32
    %dma_wait3A_133 = arith.constant 0 : i32
    %dma_wait3A_134 = tpu.memref_slice %arg6[%dma_wait3A_132, %dma_wait3A_133] : memref<1024x64xf32, #tpu.memory_space<vmem>> -> memref<128x64xf32, #tpu.memory_space<vmem>>
    tpu.wait_dma2 semaphore(%dma_wait3A_129 : memref<!tpu.dma_semaphore, #tpu.memory_space<semaphore_mem>>) src(%dma_wait3A_134 : memref<128x64xf32, #tpu.memory_space<vmem>>) dst(%dma_wait3A_131 : memref<128x64xf32, #tpu.memory_space<hbm>>)
    %add3A_135 = arith.constant 195 : i32
    %add3A_136 = arith.addi %mul3A_2, %add3A_135 : i32
    %mul3A_137 = arith.constant 128 : i32
    %mul3A_138 = arith.muli %add3A_136, %mul3A_137 : i32
    %dma_wait3A_139 = arith.constant 3 : i32
    %dma_wait3A_140 = arith.constant 384 : i32
    %dma_wait3A_141 = arith.constant 0 : i32
    %dma_wait3A_142 = tpu.memref_slice %arg6[%dma_wait3A_140, %dma_wait3A_141] : memref<1024x64xf32, #tpu.memory_space<vmem>> -> memref<128x64xf32, #tpu.memory_space<vmem>>
    %dma_wait3A_143 = arith.constant 0 : i32
    %dma_wait3A_144 = tpu.memref_slice %arg4[%mul3A_138, %dma_wait3A_143] : memref<819200x128xf32, #tpu.memory_space<hbm>> -> memref<128x64xf32, #tpu.memory_space<hbm>>
    %dma_wait3A_145 = tpu.memref_slice %arg8[%dma_wait3A_139] : memref<8x!tpu.dma_semaphore, #tpu.memory_space<semaphore_mem>> -> memref<1x!tpu.dma_semaphore, #tpu.memory_space<semaphore_mem>>
    %dma_wait3A_146 = tpu.memref_squeeze %dma_wait3A_145 : memref<1x!tpu.dma_semaphore, #tpu.memory_space<semaphore_mem>> -> memref<!tpu.dma_semaphore, #tpu.memory_space<semaphore_mem>>
    %dma_wait3A_147 = arith.constant 0 : i32
    %dma_wait3A_148 = tpu.memref_slice %arg4[%mul3A_138, %dma_wait3A_147] : memref<819200x128xf32, #tpu.memory_space<hbm>> -> memref<128x64xf32, #tpu.memory_space<hbm>>
    %dma_wait3A_149 = arith.constant 384 : i32
    %dma_wait3A_150 = arith.constant 0 : i32
    %dma_wait3A_151 = tpu.memref_slice %arg6[%dma_wait3A_149, %dma_wait3A_150] : memref<1024x64xf32, #tpu.memory_space<vmem>> -> memref<128x64xf32, #tpu.memory_space<vmem>>
    tpu.wait_dma2 semaphore(%dma_wait3A_146 : memref<!tpu.dma_semaphore, #tpu.memory_space<semaphore_mem>>) src(%dma_wait3A_151 : memref<128x64xf32, #tpu.memory_space<vmem>>) dst(%dma_wait3A_148 : memref<128x64xf32, #tpu.memory_space<hbm>>)
    %add3A_152 = arith.constant 196 : i32
    %add3A_153 = arith.addi %mul3A_2, %add3A_152 : i32
    %mul3A_154 = arith.constant 128 : i32
    %mul3A_155 = arith.muli %add3A_153, %mul3A_154 : i32
    %dma_wait3A_156 = arith.constant 4 : i32
    %dma_wait3A_157 = arith.constant 512 : i32
    %dma_wait3A_158 = arith.constant 0 : i32
    %dma_wait3A_159 = tpu.memref_slice %arg6[%dma_wait3A_157, %dma_wait3A_158] : memref<1024x64xf32, #tpu.memory_space<vmem>> -> memref<128x64xf32, #tpu.memory_space<vmem>>
    %dma_wait3A_160 = arith.constant 0 : i32
    %dma_wait3A_161 = tpu.memref_slice %arg4[%mul3A_155, %dma_wait3A_160] : memref<819200x128xf32, #tpu.memory_space<hbm>> -> memref<128x64xf32, #tpu.memory_space<hbm>>
    %dma_wait3A_162 = tpu.memref_slice %arg8[%dma_wait3A_156] : memref<8x!tpu.dma_semaphore, #tpu.memory_space<semaphore_mem>> -> memref<1x!tpu.dma_semaphore, #tpu.memory_space<semaphore_mem>>
    %dma_wait3A_163 = tpu.memref_squeeze %dma_wait3A_162 : memref<1x!tpu.dma_semaphore, #tpu.memory_space<semaphore_mem>> -> memref<!tpu.dma_semaphore, #tpu.memory_space<semaphore_mem>>
    %dma_wait3A_164 = arith.constant 0 : i32
    %dma_wait3A_165 = tpu.memref_slice %arg4[%mul3A_155, %dma_wait3A_164] : memref<819200x128xf32, #tpu.memory_space<hbm>> -> memref<128x64xf32, #tpu.memory_space<hbm>>
    %dma_wait3A_166 = arith.constant 512 : i32
    %dma_wait3A_167 = arith.constant 0 : i32
    %dma_wait3A_168 = tpu.memref_slice %arg6[%dma_wait3A_166, %dma_wait3A_167] : memref<1024x64xf32, #tpu.memory_space<vmem>> -> memref<128x64xf32, #tpu.memory_space<vmem>>
    tpu.wait_dma2 semaphore(%dma_wait3A_163 : memref<!tpu.dma_semaphore, #tpu.memory_space<semaphore_mem>>) src(%dma_wait3A_168 : memref<128x64xf32, #tpu.memory_space<vmem>>) dst(%dma_wait3A_165 : memref<128x64xf32, #tpu.memory_space<hbm>>)
    %add3A_169 = arith.constant 197 : i32
    %add3A_170 = arith.addi %mul3A_2, %add3A_169 : i32
    %mul3A_171 = arith.constant 128 : i32
    %mul3A_172 = arith.muli %add3A_170, %mul3A_171 : i32
    %dma_wait3A_173 = arith.constant 5 : i32
    %dma_wait3A_174 = arith.constant 640 : i32
    %dma_wait3A_175 = arith.constant 0 : i32
    %dma_wait3A_176 = tpu.memref_slice %arg6[%dma_wait3A_174, %dma_wait3A_175] : memref<1024x64xf32, #tpu.memory_space<vmem>> -> memref<128x64xf32, #tpu.memory_space<vmem>>
    %dma_wait3A_177 = arith.constant 0 : i32
    %dma_wait3A_178 = tpu.memref_slice %arg4[%mul3A_172, %dma_wait3A_177] : memref<819200x128xf32, #tpu.memory_space<hbm>> -> memref<128x64xf32, #tpu.memory_space<hbm>>
    %dma_wait3A_179 = tpu.memref_slice %arg8[%dma_wait3A_173] : memref<8x!tpu.dma_semaphore, #tpu.memory_space<semaphore_mem>> -> memref<1x!tpu.dma_semaphore, #tpu.memory_space<semaphore_mem>>
    %dma_wait3A_180 = tpu.memref_squeeze %dma_wait3A_179 : memref<1x!tpu.dma_semaphore, #tpu.memory_space<semaphore_mem>> -> memref<!tpu.dma_semaphore, #tpu.memory_space<semaphore_mem>>
    %dma_wait3A_181 = arith.constant 0 : i32
    %dma_wait3A_182 = tpu.memref_slice %arg4[%mul3A_172, %dma_wait3A_181] : memref<819200x128xf32, #tpu.memory_space<hbm>> -> memref<128x64xf32, #tpu.memory_space<hbm>>
    %dma_wait3A_183 = arith.constant 640 : i32
    %dma_wait3A_184 = arith.constant 0 : i32
    %dma_wait3A_185 = tpu.memref_slice %arg6[%dma_wait3A_183, %dma_wait3A_184] : memref<1024x64xf32, #tpu.memory_space<vmem>> -> memref<128x64xf32, #tpu.memory_space<vmem>>
    tpu.wait_dma2 semaphore(%dma_wait3A_180 : memref<!tpu.dma_semaphore, #tpu.memory_space<semaphore_mem>>) src(%dma_wait3A_185 : memref<128x64xf32, #tpu.memory_space<vmem>>) dst(%dma_wait3A_182 : memref<128x64xf32, #tpu.memory_space<hbm>>)
    %add3A_186 = arith.constant 198 : i32
    %add3A_187 = arith.addi %mul3A_2, %add3A_186 : i32
    %mul3A_188 = arith.constant 128 : i32
    %mul3A_189 = arith.muli %add3A_187, %mul3A_188 : i32
    %dma_wait3A_190 = arith.constant 6 : i32
    %dma_wait3A_191 = arith.constant 768 : i32
    %dma_wait3A_192 = arith.constant 0 : i32
    %dma_wait3A_193 = tpu.memref_slice %arg6[%dma_wait3A_191, %dma_wait3A_192] : memref<1024x64xf32, #tpu.memory_space<vmem>> -> memref<128x64xf32, #tpu.memory_space<vmem>>
    %dma_wait3A_194 = arith.constant 0 : i32
    %dma_wait3A_195 = tpu.memref_slice %arg4[%mul3A_189, %dma_wait3A_194] : memref<819200x128xf32, #tpu.memory_space<hbm>> -> memref<128x64xf32, #tpu.memory_space<hbm>>
    %dma_wait3A_196 = tpu.memref_slice %arg8[%dma_wait3A_190] : memref<8x!tpu.dma_semaphore, #tpu.memory_space<semaphore_mem>> -> memref<1x!tpu.dma_semaphore, #tpu.memory_space<semaphore_mem>>
    %dma_wait3A_197 = tpu.memref_squeeze %dma_wait3A_196 : memref<1x!tpu.dma_semaphore, #tpu.memory_space<semaphore_mem>> -> memref<!tpu.dma_semaphore, #tpu.memory_space<semaphore_mem>>
    %dma_wait3A_198 = arith.constant 0 : i32
    %dma_wait3A_199 = tpu.memref_slice %arg4[%mul3A_189, %dma_wait3A_198] : memref<819200x128xf32, #tpu.memory_space<hbm>> -> memref<128x64xf32, #tpu.memory_space<hbm>>
    %dma_wait3A_200 = arith.constant 768 : i32
    %dma_wait3A_201 = arith.constant 0 : i32
    %dma_wait3A_202 = tpu.memref_slice %arg6[%dma_wait3A_200, %dma_wait3A_201] : memref<1024x64xf32, #tpu.memory_space<vmem>> -> memref<128x64xf32, #tpu.memory_space<vmem>>
    tpu.wait_dma2 semaphore(%dma_wait3A_197 : memref<!tpu.dma_semaphore, #tpu.memory_space<semaphore_mem>>) src(%dma_wait3A_202 : memref<128x64xf32, #tpu.memory_space<vmem>>) dst(%dma_wait3A_199 : memref<128x64xf32, #tpu.memory_space<hbm>>)
    %add3A_203 = arith.constant 199 : i32
    %add3A_204 = arith.addi %mul3A_2, %add3A_203 : i32
    %mul3A_205 = arith.constant 128 : i32
    %mul3A_206 = arith.muli %add3A_204, %mul3A_205 : i32
    %dma_wait3A_207 = arith.constant 7 : i32
    %dma_wait3A_208 = arith.constant 896 : i32
    %dma_wait3A_209 = arith.constant 0 : i32
    %dma_wait3A_210 = tpu.memref_slice %arg6[%dma_wait3A_208, %dma_wait3A_209] : memref<1024x64xf32, #tpu.memory_space<vmem>> -> memref<128x64xf32, #tpu.memory_space<vmem>>
    %dma_wait3A_211 = arith.constant 0 : i32
    %dma_wait3A_212 = tpu.memref_slice %arg4[%mul3A_206, %dma_wait3A_211] : memref<819200x128xf32, #tpu.memory_space<hbm>> -> memref<128x64xf32, #tpu.memory_space<hbm>>
    %dma_wait3A_213 = tpu.memref_slice %arg8[%dma_wait3A_207] : memref<8x!tpu.dma_semaphore, #tpu.memory_space<semaphore_mem>> -> memref<1x!tpu.dma_semaphore, #tpu.memory_space<semaphore_mem>>
    %dma_wait3A_214 = tpu.memref_squeeze %dma_wait3A_213 : memref<1x!tpu.dma_semaphore, #tpu.memory_space<semaphore_mem>> -> memref<!tpu.dma_semaphore, #tpu.memory_space<semaphore_mem>>
    %dma_wait3A_215 = arith.constant 0 : i32
    %dma_wait3A_216 = tpu.memref_slice %arg4[%mul3A_206, %dma_wait3A_215] : memref<819200x128xf32, #tpu.memory_space<hbm>> -> memref<128x64xf32, #tpu.memory_space<hbm>>
    %dma_wait3A_217 = arith.constant 896 : i32
    %dma_wait3A_218 = arith.constant 0 : i32
    %dma_wait3A_219 = tpu.memref_slice %arg6[%dma_wait3A_217, %dma_wait3A_218] : memref<1024x64xf32, #tpu.memory_space<vmem>> -> memref<128x64xf32, #tpu.memory_space<vmem>>
    tpu.wait_dma2 semaphore(%dma_wait3A_214 : memref<!tpu.dma_semaphore, #tpu.memory_space<semaphore_mem>>) src(%dma_wait3A_219 : memref<128x64xf32, #tpu.memory_space<vmem>>) dst(%dma_wait3A_216 : memref<128x64xf32, #tpu.memory_space<hbm>>)
    return
  }
}

</mosaic_0001>

<sc_bundles>
// kernel: _emb_call.3.cloned.1.call-start
scs
__scs_entry_jumppad:
0x0: {  	(pc) =	sbr.rel $0x88, $3  }
0x1: {  	(tag) =	ssettag $0x0;
	lr =	simm.s32 $0x1  }
0x2: {  	[smem:$0x3F9F] =	sst lr;
	_ =	strace $0xD0000000  }
0x3: {  	_ = 	snop  }
0x4: {  	_ = 	snop  }
0x5: {  	_ = 	snop  }
0x6: {  	_ = 	snop  }
0x7: {  	_ = 	snop  }
__scs_overlays_trampoline_lowered:
0x8: {  	[smem:$0x3FAE] =	sst s0  }
0x9: {  	[smem:$0x3FAF] =	sst s1  }
0xa: {  	[smem:$0x3FB0] =	sst s2  }
0xb: {  	[smem:$0x3FB1] =	sst s3  }
0xc: {  	[smem:$0x3FB2] =	sst s4  }
0xd: {  	[smem:$0x3FB3] =	sst s5  }
0xe: {  	[smem:$0x3FB4] =	sst s6  }
0xf: {  	[smem:$0x3FB5] =	sst s7  }
0x10: {  	[smem:$0x3FB6] =	sst s8  }
0x11: {  	[smem:$0x3FB7] =	sst s9;
	s0 =	simm.s32 @!p0 $0x0  }
0x12: {  	s1 =	sld [smem:$0x3F9D];
	s0 =	simm.s32 @p0 $0x1  }
0x13: {  	[smem:$0x3FB8] =	sst s0;
	s0 =	simm.s32 @!p1 $0x0  }
0x14: {  	s2 =	sld [smem:$0x3F9C];
	s0 =	simm.s32 @p1 $0x1  }
0x15: {  	[smem:$0x3FB9] =	sst s0;
	s0 =	simm.s32 @!p2 $0x0  }
0x16: {  	s3 =	sld [smem:$0x3FDB];
	s0 =	simm.s32 @p2 $0x1  }
0x17: {  	s4 =	simm.s32 $0x1BF5;
	[smem:$0x3FBB] =	sst s0  }
0x18: {  	s0 =	sld [smem:$0x3F9E];
	_ =	swait.ge [sflag:s4], $0x0  }
0x19: {  	s7 =	sld [smem:$0x3F9F]  }
0x1a: {  	s8 =	sadd.s32 $0xFFFFE003, lr  }
0x1b: {  	s9 =	sadd.s32 $0xFFFFFEF7, lr;
	s5 =	simm.s32 $0xFFFFFFFF;
	p2 =	slt.u32 s8, $0xFFFFF086  }
0x1c: {  	p1 =	slt.u32 s9, $0xF7A;
	s5 =	simm.s32 @!p2 $0x0  }
0x1d: {  	s5 =	simm.s32 @p1 $0x1;
	p0 =	seq.s32 s7, s2  }
0x1e: {  	s7 =	smul.u32 @!p0 $0xF7A, s2;
	p2 =	seq.s32 @!p0 s5, $0x0  }
0x1f: {  	s9 =	smul.u32 $0xF7A, s1;
	s8 =	simm.s32 @!p0 $0x1BF5;
	p2 =	por !p2, p0  }
0x20: {  	[sflag:s8] =	ssyncset.s32 @!p0 $0xFFFFF086;
	s6 =	sadd.s32 @!p0 s3, s7;
	s7 =	simm.s32 @!p0 $0x108  }
0x21: {  	s3 =	sadd.s32 s3, s9;
	s6 =	sadd.s32 @!p0 $0x88, s6;
	s7 =	simm.s32 @p2 $0x1082  }
0x22: {  	[simem:s7], [sflag:s8] =	dma.local @!p0 [hbm:s6], $0xF7A  }
0x23: {  	s9 =	sor.u32 $0xD0000000, s2;
	s6 =	simm.s32 $0x108;
	_ =	swait.ge @!p0 [sflag:s8], $0x0  }
0x24: {  	s3 =	sadd.s32 $0x88, s3;
	s6 =	simm.s32 @!p1 $0x1082;
	[sflag:s4] =	ssyncset.s32 $0xFFFFF086  }
0x25: {  	[simem:s6], [sflag:s4] =	dma.local [hbm:s3], $0xF7A  }
0x26: {  	[smem:$0x3F9F] =	sst s1;
	(tag) =	ssettag s2;
	_ =	strace s9  }
0x27: {  	s1 =	sld [smem:$0x3FAF]  }
0x28: {  	s2 =	sld [smem:$0x3FB0]  }
0x29: {  	s4 =	sld [smem:$0x3FB2]  }
0x2a: {  	p0 =	seq.s32 s5, $0x0;
	s5 =	sld [smem:$0x3FB3]  }
0x2b: {  	s6 =	sld [smem:$0x3FB4]  }
0x2c: {  	s7 =	sld [smem:$0x3FB5]  }
0x2d: {  	s3 =	simm.s32 $0x108;
	s8 =	sld [smem:$0x3FB6]  }
0x2e: {  	s3 =	simm.s32 @!p0 $0x1082;
	s9 =	sld [smem:$0x3FB7]  }
0x2f: {  	lr =	sadd.s32 s0, s3;
	s0 =	sld [smem:$0x3FAE]  }
0x30: {  	s3 =	sld [smem:$0x3FB1]  }
0x31: {  	[smem:$0x3FBA] =	sst s10  }
0x32: {  	s10 =	sld [smem:$0x3FB8];
	_ =	sdelay $0x3  }
0x33: {  	p0 =	seq.s32 s10, $0x1;
	s10 =	sld [smem:$0x3FBA];
	_ =	sdelay $0x3  }
0x34: {  	[smem:$0x3FBA] =	sst s10  }
0x35: {  	s10 =	sld [smem:$0x3FB9];
	_ =	sdelay $0x3  }
0x36: {  	p1 =	seq.s32 s10, $0x1;
	s10 =	sld [smem:$0x3FBA];
	_ =	sdelay $0x3  }
0x37: {  	[smem:$0x3FBA] =	sst s10  }
0x38: {  	s10 =	sld [smem:$0x3FBB]  }
0x39: {  	_ = 	snop;
	(pc) =	sbr.ind lr, $3  }
0x3a: {  	_ = 	snop  }
0x3b: {  	_ = 	snop  }
0x3c: {  	p2 =	seq.s32 s10, $0x1;
	s10 =	sld [smem:$0x3FBA]  }
0x3d: {  	_ =	shalt  }
0x3e: {  	_ =	shalt  }
0x3f: {  	_ =	shalt  }
0x40: {  	_ =	shalt  }
0x41: {  	_ =	shalt  }
0x42: {  	_ =	shalt  }
0x43: {  	_ =	shalt  }
0x44: {  	_ =	shalt  }
0x45: {  	_ =	shalt  }
0x46: {  	_ =	shalt  }
0x47: {  	_ =	shalt  }
0x48: {  	_ =	shalt  }
0x49: {  	_ =	shalt  }
0x4a: {  	_ =	shalt  }
0x4b: {  	_ =	shalt  }
0x4c: {  	_ =	shalt  }
0x4d: {  	_ =	shalt  }
0x4e: {  	_ =	shalt  }
0x4f: {  	_ =	shalt  }
0x50: {  	_ =	shalt  }
0x51: {  	_ =	shalt  }
0x52: {  	_ =	shalt  }
0x53: {  	_ =	shalt  }
0x54: {  	_ =	shalt  }
0x55: {  	_ =	shalt  }
0x56: {  	_ =	shalt  }
0x57: {  	_ =	shalt  }
0x58: {  	_ =	shalt  }
0x59: {  	_ =	shalt  }
0x5a: {  	_ =	shalt  }
0x5b: {  	_ =	shalt  }
0x5c: {  	_ =	shalt  }
0x5d: {  	_ =	shalt  }
0x5e: {  	_ =	shalt  }
0x5f: {  	_ =	shalt  }
0x60: {  	_ =	shalt  }
0x61: {  	_ =	shalt  }
0x62: {  	_ =	shalt  }
0x63: {  	_ =	shalt  }
0x64: {  	_ =	shalt  }
0x65: {  	_ =	shalt  }
0x66: {  	_ =	shalt  }
0x67: {  	_ =	shalt  }
0x68: {  	_ =	shalt  }
0x69: {  	_ =	shalt  }
0x6a: {  	_ =	shalt  }
0x6b: {  	_ =	shalt  }
0x6c: {  	_ =	shalt  }
0x6d: {  	_ =	shalt  }
0x6e: {  	_ =	shalt  }
0x6f: {  	_ =	shalt  }
0x70: {  	_ =	shalt  }
0x71: {  	_ =	shalt  }
0x72: {  	_ =	shalt  }
0x73: {  	_ =	shalt  }
0x74: {  	_ =	shalt  }
0x75: {  	_ =	shalt  }
0x76: {  	_ =	shalt  }
0x77: {  	_ =	shalt  }
0x78: {  	_ =	shalt  }
0x79: {  	_ =	shalt  }
0x7a: {  	_ =	shalt  }
0x7b: {  	_ =	shalt  }
0x7c: {  	_ =	shalt  }
0x7d: {  	_ =	shalt  }
0x7e: {  	_ =	shalt  }
0x7f: {  	_ =	shalt  }
0x80: {  	_ =	shalt  }
0x81: {  	_ =	shalt  }
0x82: {  	_ =	shalt  }
0x83: {  	_ =	shalt  }
0x84: {  	_ =	shalt  }
0x85: {  	_ =	shalt  }
0x86: {  	_ =	shalt  }
0x87: {  	_ =	shalt  }
.Lfunc_end0:
.L_simem_size_0:
called_computation_lowered:
.L_overlay_start_0:
0x88: {  	s2 =	sld [smem:$0x3FD9]  }
0x89: {  	s3 =	sld [smem:$0x3FFE];
	_ =	sdelay $0x1  }
0x8a: {  	s1 =	srdreg.scid  }
0x8b: {  	s0 =	sand.u32 $0x1, s1  }
0x8c: {  	s17 =	sshll.u32 s0, $0xA;
	s2 =	sadd.s32 s3, s2  }
0x8d: {  	s2 =	sadd.s32 s2, s17  }
0x8e: {  	[smem:$0x3FC6] =	sst s2  }
0x8f: {  	_ = 	snop  }
0x90: {  	s2 =	sld [smem:$0x3FC9]  }
0x91: {  	s18 =	sld [smem:$0x3FD0];
	(tm) =	ssettm $0x1  }
0x92: {  	s4 =	sld [smem:$0x3FFB];
	_ =	sdelay $0x3  }
0x93: {  	_ =	strace s4  }
0x94: {  	s4 =	sld [smem:$0x3FFC];
	_ =	sdelay $0x3  }
0x95: {  	_ =	strace s4  }
0x96: {  	s4 =	sld [smem:$0x3FFD];
	_ =	sdelay $0x3  }
0x97: {  	_ =	strace s4  }
0x98: {  	_ =	strace $0x8FFFFFFF  }
0x99: {  	s19 =	sld [smem:$0x3FDB];
	_ =	sdelay $0x1  }
0x9a: {  	s5 =	simm.s32 $_scs_section_size  }
0x9b: {  	s6 =	simm.s32 $_size__tile_overlayer_lowered;
	s7 =	simm.s32 $_tile_overlayer_lowered  }
0x9c: {  	s22 =	simm.s32 $0x1BFF;
	s21 =	sshll.u32 s7, $0x1;
	s4 =	sadd.s32 s5, s19  }
0x9d: {  	s8 =	simm.s32 $0x0;
	s20 =	sshll.u32 s6, $0x1;
	s6 =	sadd.s32 s21, s4  }
0x9e: {  	[timem:s8], [sflag:s22] =	dma.local [hbm:s6], s20  }
0x9f: {  	_ =	swait.ge [sflag:s22], s20  }
0xa0: {  	s5 =	ssub.s32 $0x0, s20;
	[sflag:s22] =	ssyncset.done $0x0  }
0xa1: {  	[sflag:s22] =	ssyncadd.s32 s5;
	_ =	sdelay $0x1  }
0xa2: {  	s23 =	simm.s32 $0x1B8B  }
0xa3: {  	_ =	swait.ge [sflag:s23], $0x1  }
0xa4: {  	[sflag:s23] =	ssyncset.done $0x0  }
0xa5: {  	s25 =	simm.s32 $0x1B8E;
	s24 =	sld [smem:$0x3FFE];
	[sflag:s23] =	ssyncadd.s32 $0xFFFFFFFF  }
0xa6: {  	s26 =	simm.s32 $execute0_lowered;
	[smem:$0x3FD2] =	sst s25  }
0xa7: {  	s6 =	sshll.u32 s26, $0x1;
	_ =	strace $0x80000046;
	[dreg:$0x1] =	wrdreg $0xFFFFFFFF  }
0xa8: {  	s28 =	simm.s32 $_size_execute0_lowered;
	s4 =	sadd.s32 s4, s6;
	[dreg:$0x0] =	wrdreg $0x0  }
0xa9: {  	s6 =	sshll.u32 s28, $0x1;
	[dreg:$0x2] =	wrdreg s4  }
0xaa: {  	[dreg:$0x3] =	wrdreg s6  }
0xab: {  	[dreg:$0x4] =	wrdreg $0xC0  }
0xac: {  	_ =	task [dreg:s8], $0x5FFFF  }
0xad: {  	[dreg:$0x1] =	wrdreg $0xFFFFFFFF  }
0xae: {  	[dreg:$0x0] =	wrdreg $0x60  }
0xaf: {  	[dreg:$0x2] =	wrdreg s2  }
0xb0: {  	[dreg:$0x3] =	wrdreg s24  }
0xb1: {  	[dreg:$0x4] =	wrdreg s18  }
0xb2: {  	[dreg:$0x5] =	wrdreg $0x9  }
0xb3: {  	_ =	task.clear_ibuf [dreg:s8], $0x6FFFF;
	_ =	strace $0x90000046  }
0xb4: {  	s29 =	simm.s32 $0x9;
	_ =	strace $0x80000048  }
0xb5: {  	_ =	swait.ge [sflag:s29], $0x1  }
0xb6: {  	[sflag:s29] =	ssyncadd.s32 $0xFFFFFFFF  }
0xb7: {  	_ =	strace $0x90000048  }
0xb8: {  	_ =	sfence  }
0xb9: {  	s30 =	sld [smem:$0x0];
	_ =	sdelay $0x2  }
0xba: {  	s31 =	sshll.u32 s1, $0xD;
	s1 =	sshrl.u32 s1, $0x2  }
0xbb: {  	s3 =	sand.u32 $0x4000, s31;
	s1 =	sadd.s32 s1, s30  }
0xbc: {  	s0 =	sor.u32 s3, s0;
	s1 =	sshll.u32 s1, $0x11  }
0xbd: {  	s0 =	sor.u32 s1, s0  }
0xbe: {  	s0 =	sadd.s32 $0x8F2B, s0  }
0xbf: {  	[sflag:s0] =	ssyncadd.remote.s32 $0x1  }
0xc0: {  	_ =	sfence.sel $0xFFFF  }
0xc1: {  	[dreg:$0x0] =	wrdreg $0xFFFFFFFF;
	(pc) =	sbr.abs _section_cstart, $3  }
0xc2: {  	[dreg:$0x1] =	wrdreg $0xFFFFFFFF  }
0xc3: {  	_ =	task.clear_ibuf [dreg:s8], $0x2FFFF;
	_ =	strace $0x9FFFFFFF  }
0xc4: {  	(tm) =	ssettm $0x7FFFFFFF  }
0xc5: {  	_ =	shalt  }
tec
execute0_lowered:
.L_overlay_start_1:
0x0: {  	(tag) =	ssettag $0x1  }
0x1: {  	s0 =	rddreg [dreg:$0x0]  }
0x2: {  	s1 =	rddreg [dreg:$0x1];
	s3 =	srdreg.scid  }
0x3: {  	s4 =	stileid.u32;
	s2 =	rddreg [dreg:$0x2];
	s6 =	simm.s32 $0x0  }
0x4: {  	s14 =	simm.s32 $0x80;
	s20 =	simm.s32 $0xC400;
	s22 =	simm.s32 $0xE400  }
0x5: {  	s28 =	simm.s32 $0x40;
	s29 =	simm.s32 $0x14400;
	s30 =	simm.s32 $0x2  }
0x6: {  	s31 =	simm.s32 $0x3;
	s17 =	simm.s32 $0x6;
	s19 =	simm.s32 $0x7  }
0x7: {  	s21 =	simm.s32 $0x8;
	s3 =	sand.u32 $0x1, s3;
	s4 =	sshll.u32 s4, $0x1  }
0x8: {  	s12 =	simm.s32 $0x0;
	[smem:$0x7FF] =	sst s6;
	s5 =	sor.u32 s3, s4  }
0x9: {  	s3 =	ssub.s32 $0x2, s3;
	_ =	strace $0x80000047;
	s4 =	smul.u32 $0xC8, s5  }
0xa: {  	s24 =	sshrl.u32 s3, $0x1;
	s7 =	smul.u32 $0xC80, s5;
	s5 =	sadd.s32 $0xF42800, s1  }
0xb: {  	s1 =	simm.s32 $0x4;
	s25 =	ssub.s32 s3, s24;
	s24 =	simm.s32 $0x10400  }
0xc: {  	s0 =	sadd.s32 s0, s7;
	s7 =	sor.u32 $0x1, s4;
	s8 =	sor.u32 $0x2, s4  }
0xd: {  	s9 =	sor.u32 $0x3, s4;
	s10 =	sor.u32 $0x4, s4;
	s11 =	sor.u32 $0x5, s4  }
0xe: {  	s26 =	smax.u32 s25, $0x1;
	s25 =	simm.s32 $0x12400;
	[dreg:$0x4] =	wrdreg s0  }
0xf: {  	[dreg:$0x5] =	wrdreg s26;
	s26 =	simm.s32 $0x1;
	s0 =	simm.s32 $0x5  }
.LBB2_1:
0x10: {  	[dreg:$0x6] =	wrdreg s12  }
0x11: {  	s3 =	simm.s32 $0x0;
	s6 =	rddreg [dreg:$0x4];
	s18 =	simm.s32 $0x11  }
0x12: {  	[tilespmem:s3], [sflag:$0x11] =	stream.linear.gather [hbm4b:s6+s3], $0x6400, $0x38;
	[tilespmem:$0x16400] =	vst v63  }
0x13: {  	_ =	swait.ge [sflag:s18], $0x6400  }
0x14: {  	[sflag:s18] =	ssyncset.done $0x0  }
0x15: {  	s23 =	simm.s32 $0x6400;
	[sflag:s18] =	ssyncadd.s32 $0xFFFF9C00  }
0x16: {  	[tilespmem:s23], [sflag:$0x1] =	stream.indirect.gather [hbm4b:s5+s14], $0x40, s3, s14, $0xb8;
	[tilespmem:$0x16400] =	vst v63  }
0x17: {  	s12 =	simm.s32 $0x8400  }
0x18: {  	[tilespmem:s12], [sflag:$0x2] =	stream.indirect.gather [hbm4b:s5+s14], $0x40, s14, s14, $0xb8;
	[tilespmem:$0x16400] =	vst v63  }
0x19: {  	s13 =	simm.s32 $0x100;
	s15 =	simm.s32 $0xA400  }
0x1a: {  	[tilespmem:s15], [sflag:$0x3] =	stream.indirect.gather [hbm4b:s5+s14], $0x40, s13, s14, $0xb8;
	[tilespmem:$0x16400] =	vst v63  }
0x1b: {  	s16 =	simm.s32 $0x180  }
0x1c: {  	[tilespmem:s20], [sflag:$0x4] =	stream.indirect.gather [hbm4b:s5+s14], $0x40, s16, s14, $0xb8;
	[tilespmem:$0x16400] =	vst v63  }
0x1d: {  	s18 =	simm.s32 $0x200  }
0x1e: {  	[tilespmem:s22], [sflag:$0x5] =	stream.indirect.gather [hbm4b:s5+s14], $0x40, s18, s14, $0xb8;
	[tilespmem:$0x16400] =	vst v63  }
0x1f: {  	s23 =	simm.s32 $0x280;
	s13 =	simm.s32 $0x0  }
0x20: {  	[tilespmem:s24], [sflag:$0x6] =	stream.indirect.gather [hbm4b:s5+s14], $0x40, s23, s14, $0xb8;
	[tilespmem:$0x16400] =	vst v63  }
.LBB2_2:
0x21: {  	p0 =	seq.s32 s13, $0x0  }
0x22: {  	s6 =	sshll.u32 s13, $0x3;
	s12 =	simm.s32 @!p0 $0xF  }
0x23: {  	s3 =	sor.u32 $0x6, s6;
	_ =	swait.ge @!p0 [sflag:s12], $0x2000  }
0x24: {  	s15 =	sshll.u32 s3, $0x7;
	[sflag:s12] =	ssyncset.done @!p0 $0x0  }
0x25: {  	s23 =	sand.u32 $0x3FFFFF80, s15;
	[sflag:s12] =	ssyncadd.s32 @!p0 $0xFFFFE000  }
0x26: {  	[tilespmem:s25], [sflag:$0x7] =	stream.indirect.gather [hbm4b:s5+s14], $0x40, s23, s14, $0xb8;
	[tilespmem:$0x16400] =	vst v63  }
0x27: {  	_ =	swait.ge [sflag:s26], $0x2000  }
0x28: {  	[sflag:s26] =	ssyncset.done $0x0  }
0x29: {  	s12 =	simm.s32 $0x6480;
	[sflag:s26] =	ssyncadd.s32 $0xFFFFE000  }
0x2a: {  	v0 =	vld [tilespmem:s12+$0xFFFFFF80]  }
0x2b: {  	v1 =	vld [tilespmem:s12+$0xFFFFFF90]  }
0x2c: {  	v2 =	vld [tilespmem:s12+$0xFFFFFFA0]  }
0x2d: {  	v3 =	vld [tilespmem:s12+$0xFFFFFFB0]  }
0x2e: {  	v4 =	vld [tilespmem:s12+$0xFFFFFFC0]  }
0x2f: {  	v5 =	vld [tilespmem:s12+$0xFFFFFFD0];
	v0 =	vmul.f32 $8.000000000e+00, v0  }
0x30: {  	v6 =	vld [tilespmem:s12+$0xFFFFFFE0];
	v1 =	vmul.f32 $8.000000000e+00, v1  }
0x31: {  	[tilespmem:s12+$0xFFFFFF80] =	vst v0;
	v0 =	vmul.f32 $8.000000000e+00, v2;
	v2 =	vld [tilespmem:s12+$0x0]  }
0x32: {  	[tilespmem:s12+$0xFFFFFF90] =	vst v1;
	v1 =	vmul.f32 $8.000000000e+00, v3;
	v3 =	vld [tilespmem:s12+$0x10]  }
0x33: {  	[tilespmem:s12+$0xFFFFFFA0] =	vst v0;
	v0 =	vmul.f32 $8.000000000e+00, v4;
	v4 =	vld [tilespmem:s12+$0x20]  }
0x34: {  	v7 =	vld [tilespmem:s12+$0x30];
	[tilespmem:s12+$0xFFFFFFB0] =	vst v1;
	v1 =	vmul.f32 $8.000000000e+00, v5  }
0x35: {  	v5 =	vmul.f32 $8.000000000e+00, v6;
	[tilespmem:s12+$0xFFFFFFC0] =	vst v0;
	v0 =	vld [tilespmem:s12+$0x40]  }
0x36: {  	[tilespmem:s12+$0xFFFFFFD0] =	vst v1;
	v1 =	vld [tilespmem:s12+$0x50];
	v2 =	vmul.f32 $8.000000000e+00, v2  }
0x37: {  	[tilespmem:s12+$0xFFFFFFE0] =	vst v5;
	v6 =	vmul.f32 $8.000000000e+00, v3;
	v3 =	vld [tilespmem:s12+$0x60]  }
0x38: {  	[tilespmem:s12+$0x0] =	vst v2;
	v5 =	vmul.f32 $8.000000000e+00, v4;
	v4 =	vld [tilespmem:s12+$0x70]  }
0x39: {  	s16 =	simm.s32 $0x6580;
	s15 =	simm.s32 $0x0;
	v2 =	vld [tilespmem:s12+$0xFFFFFFF0];
	[tilespmem:s12+$0x10] =	vst v6;
	v6 =	vmul.f32 $8.000000000e+00, v7  }
.LBB2_3:
0x3a: {  	v7 =	vld [tilespmem:s16+$0xFFFFFF80];
	[tilespmem:s12+$0x20] =	vst v5;
	v0 =	vmul.f32 $8.000000000e+00, v0  }
0x3b: {  	v5 =	vld [tilespmem:s16+$0xFFFFFF90];
	[tilespmem:s12+$0x30] =	vst v6;
	v1 =	vmul.f32 $8.000000000e+00, v1  }
0x3c: {  	v6 =	vld [tilespmem:s16+$0xFFFFFFA0];
	[tilespmem:s12+$0x40] =	vst v0;
	v0 =	vmul.f32 $8.000000000e+00, v3  }
0x3d: {  	v3 =	vld [tilespmem:s16+$0xFFFFFFB0];
	[tilespmem:s12+$0x50] =	vst v1;
	v1 =	vmul.f32 $8.000000000e+00, v4  }
0x3e: {  	v4 =	vld [tilespmem:s16+$0xFFFFFFC0];
	v2 =	vmul.f32 $8.000000000e+00, v2;
	[tilespmem:s12+$0x60] =	vst v0  }
0x3f: {  	v0 =	vmul.f32 $8.000000000e+00, v7;
	v7 =	vld [tilespmem:s16+$0xFFFFFFD0];
	[tilespmem:s12+$0x70] =	vst v1  }
0x40: {  	v1 =	vmul.f32 $8.000000000e+00, v5;
	v5 =	vld [tilespmem:s16+$0xFFFFFFE0];
	[tilespmem:s12+$0xFFFFFFF0] =	vst v2;
	s12 =	smov.u32 s16  }
0x41: {  	[tilespmem:s16+$0xFFFFFF80] =	vst v0;
	v0 =	vmul.f32 $8.000000000e+00, v6;
	v2 =	vld [tilespmem:s16+$0x0]  }
0x42: {  	[tilespmem:s16+$0xFFFFFF90] =	vst v1;
	v1 =	vmul.f32 $8.000000000e+00, v3;
	v3 =	vld [tilespmem:s16+$0x10]  }
0x43: {  	s15 =	sadd.s32 $0x4, s15;
	[tilespmem:s16+$0xFFFFFFA0] =	vst v0;
	v0 =	vmul.f32 $8.000000000e+00, v4;
	v4 =	vld [tilespmem:s16+$0x20]  }
0x44: {  	p1 =	slt.u32 s15, $0x7C;
	[tilespmem:s16+$0xFFFFFFB0] =	vst v1;
	v1 =	vmul.f32 $8.000000000e+00, v7;
	v6 =	vld [tilespmem:s16+$0x30]  }
.Ltmp0:
0x45: {  	[tilespmem:s16+$0xFFFFFFC0] =	vst v0;
	v5 =	vmul.f32 $8.000000000e+00, v5;
	v0 =	vld [tilespmem:s16+$0x40];
	(pc) =	sbr.rel @p1 .LBB2_3-.Ltmp0, $4  }
0x46: {  	[tilespmem:s16+$0xFFFFFFD0] =	vst v1;
	v2 =	vmul.f32 $8.000000000e+00, v2;
	v1 =	vld [tilespmem:s16+$0x50]  }
0x47: {  	[tilespmem:s16+$0xFFFFFFE0] =	vst v5;
	v7 =	vmul.f32 $8.000000000e+00, v3;
	v3 =	vld [tilespmem:s16+$0x60]  }
0x48: {  	[tilespmem:s16+$0x0] =	vst v2;
	v5 =	vmul.f32 $8.000000000e+00, v4;
	v4 =	vld [tilespmem:s16+$0x70]  }
0x49: {  	s16 =	sadd.s32 $0x100, s16;
	v2 =	vld [tilespmem:s12+$0xFFFFFFF0];
	[tilespmem:s12+$0x10] =	vst v7;
	v6 =	vmul.f32 $8.000000000e+00, v6  }
0x4a: {  	[tilespmem:s12+$0x20] =	vst v5;
	v0 =	vmul.f32 $8.000000000e+00, v0  }
0x4b: {  	[tilespmem:s12+$0x30] =	vst v6;
	v1 =	vmul.f32 $8.000000000e+00, v1  }
0x4c: {  	[tilespmem:s12+$0x40] =	vst v0;
	v0 =	vmul.f32 $8.000000000e+00, v3  }
0x4d: {  	[tilespmem:s12+$0x50] =	vst v1;
	v1 =	vmul.f32 $8.000000000e+00, v4  }
0x4e: {  	s15 =	sadd.s32 s4, s6;
	v2 =	vmul.f32 $8.000000000e+00, v2;
	[tilespmem:s12+$0x60] =	vst v0  }
0x4f: {  	s15 =	sshll.u32 s15, $0xB;
	[tilespmem:s12+$0x70] =	vst v1  }
0x50: {  	s23 =	simm.s32 $0x6400;
	s18 =	sadd.s32 s2, s15;
	[tilespmem:s12+$0xFFFFFFF0] =	vst v2;
	s12 =	simm.s32 @!p0 $0x10  }
0x51: {  	[hbm4b:s18+s28] =	stream.strided.scatter [tilespmem:s23], [sflag:$0x9], $0x2000, s14, s28, $0x38;
	[tilespmem:$0x16400] =	vst v63  }
0x52: {  	s23 =	sor.u32 $0x7, s6;
	_ =	swait.ge @!p0 [sflag:s12], $0x2000  }
0x53: {  	s16 =	sshll.u32 s23, $0x7;
	[sflag:s12] =	ssyncset.done @!p0 $0x0  }
0x54: {  	s18 =	sand.u32 $0x3FFFFF80, s16;
	[sflag:s12] =	ssyncadd.s32 @!p0 $0xFFFFE000  }
0x55: {  	[tilespmem:s29], [sflag:$0x8] =	stream.indirect.gather [hbm4b:s5+s14], $0x40, s18, s14, $0xb8;
	[tilespmem:$0x16400] =	vst v63  }
0x56: {  	_ =	swait.ge [sflag:s30], $0x2000  }
0x57: {  	[sflag:s30] =	ssyncset.done $0x0  }
0x58: {  	s12 =	simm.s32 $0x84F0;
	[sflag:s30] =	ssyncadd.s32 $0xFFFFE000  }
0x59: {  	v0 =	vld [tilespmem:s12+$0xFFFFFF10]  }
0x5a: {  	v1 =	vld [tilespmem:s12+$0xFFFFFF20]  }
0x5b: {  	v2 =	vld [tilespmem:s12+$0xFFFFFF30]  }
0x5c: {  	v3 =	vld [tilespmem:s12+$0xFFFFFF40]  }
0x5d: {  	v4 =	vld [tilespmem:s12+$0xFFFFFF50]  }
0x5e: {  	v5 =	vld [tilespmem:s12+$0xFFFFFF60];
	v0 =	vmul.f32 $8.000000000e+00, v0  }
0x5f: {  	v6 =	vld [tilespmem:s12+$0xFFFFFF70];
	v1 =	vmul.f32 $8.000000000e+00, v1  }
0x60: {  	[tilespmem:s12+$0xFFFFFF10] =	vst v0;
	v0 =	vmul.f32 $8.000000000e+00, v2;
	v2 =	vld [tilespmem:s12+$0xFFFFFF80]  }
0x61: {  	[tilespmem:s12+$0xFFFFFF20] =	vst v1;
	v1 =	vmul.f32 $8.000000000e+00, v3;
	v3 =	vld [tilespmem:s12+$0xFFFFFF90]  }
0x62: {  	[tilespmem:s12+$0xFFFFFF30] =	vst v0;
	v0 =	vmul.f32 $8.000000000e+00, v4;
	v4 =	vld [tilespmem:s12+$0xFFFFFFA0]  }
0x63: {  	v7 =	vld [tilespmem:s12+$0xFFFFFFB0];
	[tilespmem:s12+$0xFFFFFF40] =	vst v1;
	v1 =	vmul.f32 $8.000000000e+00, v5  }
0x64: {  	v5 =	vmul.f32 $8.000000000e+00, v6;
	[tilespmem:s12+$0xFFFFFF50] =	vst v0;
	v0 =	vld [tilespmem:s12+$0xFFFFFFC0]  }
0x65: {  	[tilespmem:s12+$0xFFFFFF60] =	vst v1;
	v1 =	vld [tilespmem:s12+$0xFFFFFFD0];
	v6 =	vmul.f32 $8.000000000e+00, v2  }
0x66: {  	[tilespmem:s12+$0xFFFFFF70] =	vst v5;
	v8 =	vmul.f32 $8.000000000e+00, v3;
	v2 =	vld [tilespmem:s12+$0xFFFFFFE0]  }
0x67: {  	v3 =	vld [tilespmem:s12+$0x0];
	[tilespmem:s12+$0xFFFFFF80] =	vst v6;
	v5 =	vmul.f32 $8.000000000e+00, v4  }
0x68: {  	s15 =	simm.s32 $0x0;
	s16 =	simm.s32 $0x85F0;
	[tilespmem:s12+$0xFFFFFF90] =	vst v8;
	v6 =	vmul.f32 $8.000000000e+00, v7;
	v4 =	vld [tilespmem:s12+$0xFFFFFFF0]  }
.LBB2_5:
0x69: {  	v7 =	vld [tilespmem:s16+$0xFFFFFF10];
	[tilespmem:s12+$0xFFFFFFA0] =	vst v5;
	v0 =	vmul.f32 $8.000000000e+00, v0  }
0x6a: {  	v5 =	vld [tilespmem:s16+$0xFFFFFF20];
	[tilespmem:s12+$0xFFFFFFB0] =	vst v6;
	v1 =	vmul.f32 $8.000000000e+00, v1  }
0x6b: {  	v6 =	vld [tilespmem:s16+$0xFFFFFF30];
	[tilespmem:s12+$0xFFFFFFC0] =	vst v0;
	v0 =	vmul.f32 $8.000000000e+00, v2  }
0x6c: {  	v2 =	vld [tilespmem:s16+$0xFFFFFF40];
	[tilespmem:s12+$0xFFFFFFD0] =	vst v1;
	v1 =	vmul.f32 $8.000000000e+00, v3  }
0x6d: {  	v3 =	vld [tilespmem:s16+$0xFFFFFF50];
	[tilespmem:s12+$0xFFFFFFE0] =	vst v0;
	v0 =	vmul.f32 $8.000000000e+00, v4  }
0x6e: {  	v4 =	vmul.f32 $8.000000000e+00, v7;
	v7 =	vld [tilespmem:s16+$0xFFFFFF60];
	[tilespmem:s12+$0x0] =	vst v1  }
0x6f: {  	v1 =	vmul.f32 $8.000000000e+00, v5;
	v5 =	vld [tilespmem:s16+$0xFFFFFF70];
	[tilespmem:s12+$0xFFFFFFF0] =	vst v0;
	s12 =	smov.u32 s16  }
0x70: {  	[tilespmem:s16+$0xFFFFFF10] =	vst v4;
	v0 =	vmul.f32 $8.000000000e+00, v6;
	v4 =	vld [tilespmem:s16+$0xFFFFFF80]  }
0x71: {  	[tilespmem:s16+$0xFFFFFF20] =	vst v1;
	v1 =	vmul.f32 $8.000000000e+00, v2;
	v2 =	vld [tilespmem:s16+$0xFFFFFF90]  }
0x72: {  	s15 =	sadd.s32 $0x4, s15;
	[tilespmem:s16+$0xFFFFFF30] =	vst v0;
	v0 =	vmul.f32 $8.000000000e+00, v3;
	v3 =	vld [tilespmem:s16+$0xFFFFFFA0]  }
0x73: {  	p0 =	slt.u32 s15, $0x7C;
	[tilespmem:s16+$0xFFFFFF40] =	vst v1;
	v1 =	vmul.f32 $8.000000000e+00, v7;
	v6 =	vld [tilespmem:s16+$0xFFFFFFB0]  }
.Ltmp1:
0x74: {  	[tilespmem:s16+$0xFFFFFF50] =	vst v0;
	v5 =	vmul.f32 $8.000000000e+00, v5;
	v0 =	vld [tilespmem:s16+$0xFFFFFFC0];
	(pc) =	sbr.rel @p0 .LBB2_5-.Ltmp1, $4  }
0x75: {  	[tilespmem:s16+$0xFFFFFF60] =	vst v1;
	v4 =	vmul.f32 $8.000000000e+00, v4;
	v1 =	vld [tilespmem:s16+$0xFFFFFFD0]  }
0x76: {  	[tilespmem:s16+$0xFFFFFF70] =	vst v5;
	v7 =	vmul.f32 $8.000000000e+00, v2;
	v2 =	vld [tilespmem:s16+$0xFFFFFFE0]  }
0x77: {  	[tilespmem:s16+$0xFFFFFF80] =	vst v4;
	v5 =	vmul.f32 $8.000000000e+00, v3;
	v3 =	vld [tilespmem:s16+$0x0]  }
0x78: {  	s16 =	sadd.s32 $0x100, s16;
	[tilespmem:s12+$0xFFFFFF90] =	vst v7;
	v6 =	vmul.f32 $8.000000000e+00, v6;
	v4 =	vld [tilespmem:s12+$0xFFFFFFF0]  }
0x79: {  	[tilespmem:s12+$0xFFFFFFA0] =	vst v5;
	v0 =	vmul.f32 $8.000000000e+00, v0  }
0x7a: {  	[tilespmem:s12+$0xFFFFFFB0] =	vst v6;
	v1 =	vmul.f32 $8.000000000e+00, v1  }
0x7b: {  	[tilespmem:s12+$0xFFFFFFC0] =	vst v0;
	v0 =	vmul.f32 $8.000000000e+00, v2  }
0x7c: {  	s15 =	sadd.s32 s6, s7;
	[tilespmem:s12+$0xFFFFFFD0] =	vst v1;
	v1 =	vmul.f32 $8.000000000e+00, v3  }
0x7d: {  	s15 =	sshll.u32 s15, $0xB;
	[tilespmem:s12+$0xFFFFFFE0] =	vst v0;
	v0 =	vmul.f32 $8.000000000e+00, v4  }
0x7e: {  	p0 =	seq.s32 s13, $0x18;
	s15 =	sand.u32 $0x1FFFC800, s15;
	[tilespmem:s12+$0x0] =	vst v1  }
0x7f: {  	s18 =	simm.s32 $0x8400;
	s16 =	sadd.s32 s2, s15;
	[tilespmem:s12+$0xFFFFFFF0] =	vst v0;
	s12 =	simm.s32 @!p0 $0x9  }
0x80: {  	[hbm4b:s16+s28] =	stream.strided.scatter [tilespmem:s18], [sflag:$0xA], $0x2000, s14, s28, $0x38;
	[tilespmem:$0x16400] =	vst v63  }
0x81: {  	_ =	swait.ge @!p0 [sflag:s12], $0x2000  }
0x82: {  	s15 =	sshll.u32 @!p0 s13, $0xA;
	[sflag:s12] =	ssyncset.done @!p0 $0x0  }
0x83: {  	[sflag:s12] =	ssyncadd.s32 @!p0 $0xFFFFE000;
	s12 =	sand.u32 @!p0 $0x3FFFFC00, s15  }
0x84: {  	s16 =	simm.s32 @!p0 $0x80;
	s18 =	simm.s32 @!p0 $0x6400;
	s15 =	sadd.s32 @!p0 $0x400, s12  }
0x85: {  	[tilespmem:s18], [sflag:$0x1] =	stream.indirect.gather @!p0 [hbm4b:s5+s16], $0x40, s15, s16, $0xb8;
	[tilespmem:$0x16400] =	vst v63  }
0x86: {  	_ =	swait.ge [sflag:s31], $0x2000  }
0x87: {  	[sflag:s31] =	ssyncset.done $0x0  }
0x88: {  	s15 =	simm.s32 $0xA400;
	[sflag:s31] =	ssyncadd.s32 $0xFFFFE000  }
0x89: {  	v1 =	vld [tilespmem:s15+$0xA0]  }
0x8a: {  	v2 =	vld [tilespmem:s15+$0x40]  }
0x8b: {  	v3 =	vld [tilespmem:s15+$0xE0]  }
0x8c: {  	v4 =	vld [tilespmem:s15+$0xD0]  }
0x8d: {  	v5 =	vld [tilespmem:s15+$0x20]  }
0x8e: {  	v0 =	vld [tilespmem:s15+$0x90]  }
0x8f: {  	v8 =	vld [tilespmem:s15+$0xC0]  }
0x90: {  	v7 =	vld [tilespmem:s15+$0x10]  }
0x91: {  	v9 =	vld [tilespmem:s15+$0x0];
	v1 =	vmul.f32 $8.000000000e+00, v1  }
0x92: {  	v11 =	vld [tilespmem:s15+$0x50];
	v4 =	vmul.f32 $8.000000000e+00, v4  }
0x93: {  	v10 =	vld [tilespmem:s15+$0xB0];
	v12 =	vmul.f32 $8.000000000e+00, v5;
	[tilespmem:s15+$0xA0] =	vst v1  }
0x94: {  	v6 =	vld [tilespmem:s15+$0xF0];
	v13 =	vmul.f32 $8.000000000e+00, v8;
	[tilespmem:s15+$0xD0] =	vst v4  }
0x95: {  	v1 =	vmul.f32 $8.000000000e+00, v2;
	v2 =	vmul.f32 $8.000000000e+00, v3;
	v3 =	vld [tilespmem:s15+$0x80];
	[tilespmem:s15+$0x20] =	vst v12  }
0x96: {  	v4 =	vld [tilespmem:s15+$0x70];
	[tilespmem:s15+$0xC0] =	vst v13  }
0x97: {  	v8 =	vmul.f32 $8.000000000e+00, v9;
	v5 =	vld [tilespmem:s15+$0x60];
	v9 =	vmul.f32 $8.000000000e+00, v11;
	[tilespmem:s15+$0x40] =	vst v1  }
0x98: {  	s16 =	simm.s32 $0x0;
	s18 =	simm.s32 $0xA500;
	[tilespmem:s15+$0xE0] =	vst v2;
	v1 =	vmul.f32 $8.000000000e+00, v7;
	v7 =	vld [tilespmem:s15+$0x30];
	v2 =	vmul.f32 $8.000000000e+00, v10  }
.LBB2_7:
0x99: {  	v10 =	vld [tilespmem:s18+$0xA0];
	s16 =	sadd.s32 $0x4, s16;
	[tilespmem:s15+$0x0] =	vst v8;
	v0 =	vmul.f32 $8.000000000e+00, v0;
	v6 =	vmul.f32 $8.000000000e+00, v6  }
0x9a: {  	v8 =	vld [tilespmem:s18+$0x40];
	p1 =	slt.u32 s16, $0x7C;
	[tilespmem:s15+$0x50] =	vst v9;
	v3 =	vmul.f32 $8.000000000e+00, v3  }
0x9b: {  	v9 =	vld [tilespmem:s18+$0xE0];
	v4 =	vmul.f32 $8.000000000e+00, v4;
	[tilespmem:s15+$0xF0] =	vst v6  }
0x9c: {  	v11 =	vld [tilespmem:s18+$0x20];
	v5 =	vmul.f32 $8.000000000e+00, v5;
	[tilespmem:s15+$0x80] =	vst v3  }
0x9d: {  	v3 =	vld [tilespmem:s18+$0xD0];
	v6 =	vmul.f32 $8.000000000e+00, v7;
	[tilespmem:s15+$0x90] =	vst v0  }
0x9e: {  	v0 =	vld [tilespmem:s18+$0x90];
	v7 =	vmul.f32 $8.000000000e+00, v10;
	[tilespmem:s15+$0x10] =	vst v1  }
0x9f: {  	v1 =	vld [tilespmem:s18+$0x10];
	[tilespmem:s15+$0x30] =	vst v6  }
0xa0: {  	v10 =	vld [tilespmem:s18+$0xC0];
	v9 =	vmul.f32 $8.000000000e+00, v9;
	[tilespmem:s15+$0xB0] =	vst v2  }
0xa1: {  	v2 =	vld [tilespmem:s18+$0x0];
	[tilespmem:s15+$0x70] =	vst v4  }
0xa2: {  	v12 =	vld [tilespmem:s18+$0xB0];
	v3 =	vmul.f32 $8.000000000e+00, v3;
	[tilespmem:s15+$0x60] =	vst v5;
	s15 =	smov.u32 s18  }
0xa3: {  	v13 =	vld [tilespmem:s18+$0x50];
	[tilespmem:s18+$0xA0] =	vst v7  }
.Ltmp2:
0xa4: {  	v4 =	vmul.f32 $8.000000000e+00, v8;
	[tilespmem:s18+$0xD0] =	vst v3;
	v6 =	vld [tilespmem:s18+$0xF0];
	(pc) =	sbr.rel @p1 .LBB2_7-.Ltmp2, $4  }
0xa5: {  	v3 =	vld [tilespmem:s18+$0x80];
	v7 =	vmul.f32 $8.000000000e+00, v10;
	[tilespmem:s18+$0xE0] =	vst v9  }
0xa6: {  	v9 =	vmul.f32 $8.000000000e+00, v11;
	[tilespmem:s18+$0x40] =	vst v4;
	v4 =	vld [tilespmem:s18+$0x70]  }
0xa7: {  	v1 =	vmul.f32 $8.000000000e+00, v1;
	v8 =	vmul.f32 $8.000000000e+00, v2;
	v5 =	vld [tilespmem:s18+$0x60];
	[tilespmem:s18+$0xC0] =	vst v7  }
0xa8: {  	v2 =	vmul.f32 $8.000000000e+00, v12;
	s18 =	sadd.s32 $0x100, s18;
	[tilespmem:s15+$0x20] =	vst v9;
	v7 =	vld [tilespmem:s15+$0x30];
	v9 =	vmul.f32 $8.000000000e+00, v13  }
0xa9: {  	[tilespmem:s15+$0x0] =	vst v8  }
0xaa: {  	[tilespmem:s15+$0x10] =	vst v1  }
0xab: {  	v6 =	vmul.f32 $8.000000000e+00, v6;
	[tilespmem:s15+$0x50] =	vst v9  }
0xac: {  	v0 =	vmul.f32 $8.000000000e+00, v0;
	[tilespmem:s15+$0xB0] =	vst v2  }
0xad: {  	v3 =	vmul.f32 $8.000000000e+00, v3;
	[tilespmem:s15+$0xF0] =	vst v6  }
0xae: {  	[tilespmem:s15+$0x90] =	vst v0;
	v0 =	vmul.f32 $8.000000000e+00, v4  }
0xaf: {  	s16 =	sadd.s32 s6, s8;
	[tilespmem:s15+$0x80] =	vst v3;
	v1 =	vmul.f32 $8.000000000e+00, v5  }
0xb0: {  	s16 =	sshll.u32 s16, $0xB;
	v3 =	vmul.f32 $8.000000000e+00, v7;
	[tilespmem:s15+$0x70] =	vst v0  }
0xb1: {  	s16 =	sand.u32 $0x1FFFD000, s16;
	[tilespmem:s15+$0x60] =	vst v1  }
0xb2: {  	s18 =	simm.s32 $0xA400;
	s16 =	sadd.s32 s2, s16;
	[tilespmem:s15+$0x30] =	vst v3;
	s15 =	simm.s32 @!p0 $0xA  }
0xb3: {  	[hbm4b:s16+s28] =	stream.strided.scatter [tilespmem:s18], [sflag:$0xB], $0x2000, s14, s28, $0x38;
	[tilespmem:$0x16400] =	vst v63  }
0xb4: {  	_ =	swait.ge @!p0 [sflag:s15], $0x2000  }
0xb5: {  	s16 =	simm.s32 @!p0 $0x80;
	[sflag:s15] =	ssyncset.done @!p0 $0x0  }
0xb6: {  	s18 =	simm.s32 @!p0 $0x8400;
	[sflag:s15] =	ssyncadd.s32 @!p0 $0xFFFFE000;
	s15 =	sadd.s32 @!p0 $0x480, s12  }
0xb7: {  	[tilespmem:s18], [sflag:$0x2] =	stream.indirect.gather @!p0 [hbm4b:s5+s16], $0x40, s15, s16, $0xb8;
	[tilespmem:$0x16400] =	vst v63  }
0xb8: {  	_ =	swait.ge [sflag:s1], $0x2000  }
0xb9: {  	[sflag:s1] =	ssyncset.done $0x0  }
0xba: {  	s15 =	simm.s32 $0xC400;
	[sflag:s1] =	ssyncadd.s32 $0xFFFFE000  }
0xbb: {  	v1 =	vld [tilespmem:s15+$0xA0]  }
0xbc: {  	v2 =	vld [tilespmem:s15+$0x40]  }
0xbd: {  	v3 =	vld [tilespmem:s15+$0xE0]  }
0xbe: {  	v4 =	vld [tilespmem:s15+$0xD0]  }
0xbf: {  	v5 =	vld [tilespmem:s15+$0x20]  }
0xc0: {  	v0 =	vld [tilespmem:s15+$0x90]  }
0xc1: {  	v8 =	vld [tilespmem:s15+$0xC0]  }
0xc2: {  	v7 =	vld [tilespmem:s15+$0x10]  }
0xc3: {  	v9 =	vld [tilespmem:s15+$0x0];
	v1 =	vmul.f32 $8.000000000e+00, v1  }
0xc4: {  	v11 =	vld [tilespmem:s15+$0x50];
	v4 =	vmul.f32 $8.000000000e+00, v4  }
0xc5: {  	v10 =	vld [tilespmem:s15+$0xB0];
	v12 =	vmul.f32 $8.000000000e+00, v5;
	[tilespmem:s15+$0xA0] =	vst v1  }
0xc6: {  	v6 =	vld [tilespmem:s15+$0xF0];
	v13 =	vmul.f32 $8.000000000e+00, v8;
	[tilespmem:s15+$0xD0] =	vst v4  }
0xc7: {  	v1 =	vmul.f32 $8.000000000e+00, v2;
	v2 =	vmul.f32 $8.000000000e+00, v3;
	v3 =	vld [tilespmem:s15+$0x80];
	[tilespmem:s15+$0x20] =	vst v12  }
0xc8: {  	v4 =	vld [tilespmem:s15+$0x70];
	[tilespmem:s15+$0xC0] =	vst v13  }
0xc9: {  	v8 =	vmul.f32 $8.000000000e+00, v9;
	v5 =	vld [tilespmem:s15+$0x60];
	v9 =	vmul.f32 $8.000000000e+00, v11;
	[tilespmem:s15+$0x40] =	vst v1  }
0xca: {  	s16 =	simm.s32 $0x0;
	s18 =	simm.s32 $0xC500;
	[tilespmem:s15+$0xE0] =	vst v2;
	v1 =	vmul.f32 $8.000000000e+00, v7;
	v7 =	vld [tilespmem:s15+$0x30];
	v2 =	vmul.f32 $8.000000000e+00, v10  }
.LBB2_9:
0xcb: {  	v10 =	vld [tilespmem:s18+$0xA0];
	s16 =	sadd.s32 $0x4, s16;
	[tilespmem:s15+$0x0] =	vst v8;
	v0 =	vmul.f32 $8.000000000e+00, v0;
	v6 =	vmul.f32 $8.000000000e+00, v6  }
0xcc: {  	v8 =	vld [tilespmem:s18+$0x40];
	p1 =	slt.u32 s16, $0x7C;
	[tilespmem:s15+$0x50] =	vst v9;
	v3 =	vmul.f32 $8.000000000e+00, v3  }
0xcd: {  	v9 =	vld [tilespmem:s18+$0xE0];
	v4 =	vmul.f32 $8.000000000e+00, v4;
	[tilespmem:s15+$0xF0] =	vst v6  }
0xce: {  	v11 =	vld [tilespmem:s18+$0x20];
	v5 =	vmul.f32 $8.000000000e+00, v5;
	[tilespmem:s15+$0x80] =	vst v3  }
0xcf: {  	v3 =	vld [tilespmem:s18+$0xD0];
	v6 =	vmul.f32 $8.000000000e+00, v7;
	[tilespmem:s15+$0x90] =	vst v0  }
0xd0: {  	v0 =	vld [tilespmem:s18+$0x90];
	v7 =	vmul.f32 $8.000000000e+00, v10;
	[tilespmem:s15+$0x10] =	vst v1  }
0xd1: {  	v1 =	vld [tilespmem:s18+$0x10];
	[tilespmem:s15+$0x30] =	vst v6  }
0xd2: {  	v10 =	vld [tilespmem:s18+$0xC0];
	v9 =	vmul.f32 $8.000000000e+00, v9;
	[tilespmem:s15+$0xB0] =	vst v2  }
0xd3: {  	v2 =	vld [tilespmem:s18+$0x0];
	[tilespmem:s15+$0x70] =	vst v4  }
0xd4: {  	v12 =	vld [tilespmem:s18+$0xB0];
	v3 =	vmul.f32 $8.000000000e+00, v3;
	[tilespmem:s15+$0x60] =	vst v5;
	s15 =	smov.u32 s18  }
0xd5: {  	v13 =	vld [tilespmem:s18+$0x50];
	[tilespmem:s18+$0xA0] =	vst v7  }
.Ltmp3:
0xd6: {  	v4 =	vmul.f32 $8.000000000e+00, v8;
	[tilespmem:s18+$0xD0] =	vst v3;
	v6 =	vld [tilespmem:s18+$0xF0];
	(pc) =	sbr.rel @p1 .LBB2_9-.Ltmp3, $4  }
0xd7: {  	v3 =	vld [tilespmem:s18+$0x80];
	v7 =	vmul.f32 $8.000000000e+00, v10;
	[tilespmem:s18+$0xE0] =	vst v9  }
0xd8: {  	v9 =	vmul.f32 $8.000000000e+00, v11;
	[tilespmem:s18+$0x40] =	vst v4;
	v4 =	vld [tilespmem:s18+$0x70]  }
0xd9: {  	v1 =	vmul.f32 $8.000000000e+00, v1;
	v8 =	vmul.f32 $8.000000000e+00, v2;
	v5 =	vld [tilespmem:s18+$0x60];
	[tilespmem:s18+$0xC0] =	vst v7  }
0xda: {  	v2 =	vmul.f32 $8.000000000e+00, v12;
	s18 =	sadd.s32 $0x100, s18;
	[tilespmem:s15+$0x20] =	vst v9;
	v7 =	vld [tilespmem:s15+$0x30];
	v9 =	vmul.f32 $8.000000000e+00, v13  }
0xdb: {  	[tilespmem:s15+$0x0] =	vst v8  }
0xdc: {  	[tilespmem:s15+$0x10] =	vst v1  }
0xdd: {  	v6 =	vmul.f32 $8.000000000e+00, v6;
	[tilespmem:s15+$0x50] =	vst v9  }
0xde: {  	v0 =	vmul.f32 $8.000000000e+00, v0;
	[tilespmem:s15+$0xB0] =	vst v2  }
0xdf: {  	v3 =	vmul.f32 $8.000000000e+00, v3;
	[tilespmem:s15+$0xF0] =	vst v6  }
0xe0: {  	[tilespmem:s15+$0x90] =	vst v0;
	v0 =	vmul.f32 $8.000000000e+00, v4  }
0xe1: {  	s16 =	sadd.s32 s6, s9;
	[tilespmem:s15+$0x80] =	vst v3;
	v1 =	vmul.f32 $8.000000000e+00, v5  }
0xe2: {  	s16 =	sshll.u32 s16, $0xB;
	v3 =	vmul.f32 $8.000000000e+00, v7;
	[tilespmem:s15+$0x70] =	vst v0  }
0xe3: {  	s16 =	sand.u32 $0x1FFFD800, s16;
	[tilespmem:s15+$0x60] =	vst v1  }
0xe4: {  	s18 =	sadd.s32 s2, s16;
	[tilespmem:s15+$0x30] =	vst v3;
	s15 =	simm.s32 @!p0 $0xB  }
0xe5: {  	[hbm4b:s18+s28] =	stream.strided.scatter [tilespmem:s20], [sflag:$0xC], $0x2000, s14, s28, $0x38;
	[tilespmem:$0x16400] =	vst v63  }
0xe6: {  	_ =	swait.ge @!p0 [sflag:s15], $0x2000  }
0xe7: {  	s16 =	simm.s32 @!p0 $0x80;
	[sflag:s15] =	ssyncset.done @!p0 $0x0  }
0xe8: {  	s18 =	simm.s32 @!p0 $0xA400;
	[sflag:s15] =	ssyncadd.s32 @!p0 $0xFFFFE000;
	s15 =	sadd.s32 @!p0 $0x500, s12  }
0xe9: {  	[tilespmem:s18], [sflag:$0x3] =	stream.indirect.gather @!p0 [hbm4b:s5+s16], $0x40, s15, s16, $0xb8;
	[tilespmem:$0x16400] =	vst v63  }
0xea: {  	_ =	swait.ge [sflag:s0], $0x2000  }
0xeb: {  	[sflag:s0] =	ssyncset.done $0x0  }
0xec: {  	s15 =	simm.s32 $0xE400;
	[sflag:s0] =	ssyncadd.s32 $0xFFFFE000  }
0xed: {  	v1 =	vld [tilespmem:s15+$0xA0]  }
0xee: {  	v2 =	vld [tilespmem:s15+$0x40]  }
0xef: {  	v3 =	vld [tilespmem:s15+$0xE0]  }
0xf0: {  	v4 =	vld [tilespmem:s15+$0xD0]  }
0xf1: {  	v5 =	vld [tilespmem:s15+$0x20]  }
0xf2: {  	v0 =	vld [tilespmem:s15+$0x90]  }
0xf3: {  	v8 =	vld [tilespmem:s15+$0xC0]  }
0xf4: {  	v7 =	vld [tilespmem:s15+$0x10]  }
0xf5: {  	v9 =	vld [tilespmem:s15+$0x0];
	v1 =	vmul.f32 $8.000000000e+00, v1  }
0xf6: {  	v11 =	vld [tilespmem:s15+$0x50];
	v4 =	vmul.f32 $8.000000000e+00, v4  }
0xf7: {  	v10 =	vld [tilespmem:s15+$0xB0];
	v12 =	vmul.f32 $8.000000000e+00, v5;
	[tilespmem:s15+$0xA0] =	vst v1  }
0xf8: {  	v6 =	vld [tilespmem:s15+$0xF0];
	v13 =	vmul.f32 $8.000000000e+00, v8;
	[tilespmem:s15+$0xD0] =	vst v4  }
0xf9: {  	v1 =	vmul.f32 $8.000000000e+00, v2;
	v2 =	vmul.f32 $8.000000000e+00, v3;
	v3 =	vld [tilespmem:s15+$0x80];
	[tilespmem:s15+$0x20] =	vst v12  }
0xfa: {  	v4 =	vld [tilespmem:s15+$0x70];
	[tilespmem:s15+$0xC0] =	vst v13  }
0xfb: {  	v8 =	vmul.f32 $8.000000000e+00, v9;
	v5 =	vld [tilespmem:s15+$0x60];
	v9 =	vmul.f32 $8.000000000e+00, v11;
	[tilespmem:s15+$0x40] =	vst v1  }
0xfc: {  	s16 =	simm.s32 $0x0;
	s18 =	simm.s32 $0xE500;
	[tilespmem:s15+$0xE0] =	vst v2;
	v1 =	vmul.f32 $8.000000000e+00, v7;
	v7 =	vld [tilespmem:s15+$0x30];
	v2 =	vmul.f32 $8.000000000e+00, v10  }
.LBB2_11:
0xfd: {  	v10 =	vld [tilespmem:s18+$0xA0];
	s16 =	sadd.s32 $0x4, s16;
	[tilespmem:s15+$0x0] =	vst v8;
	v0 =	vmul.f32 $8.000000000e+00, v0;
	v6 =	vmul.f32 $8.000000000e+00, v6  }
0xfe: {  	v8 =	vld [tilespmem:s18+$0x40];
	p1 =	slt.u32 s16, $0x7C;
	[tilespmem:s15+$0x50] =	vst v9;
	v3 =	vmul.f32 $8.000000000e+00, v3  }
0xff: {  	v9 =	vld [tilespmem:s18+$0xE0];
	v4 =	vmul.f32 $8.000000000e+00, v4;
	[tilespmem:s15+$0xF0] =	vst v6  }
0x100: {  	v11 =	vld [tilespmem:s18+$0x20];
	v5 =	vmul.f32 $8.000000000e+00, v5;
	[tilespmem:s15+$0x80] =	vst v3  }
0x101: {  	v3 =	vld [tilespmem:s18+$0xD0];
	v6 =	vmul.f32 $8.000000000e+00, v7;
	[tilespmem:s15+$0x90] =	vst v0  }
0x102: {  	v0 =	vld [tilespmem:s18+$0x90];
	v7 =	vmul.f32 $8.000000000e+00, v10;
	[tilespmem:s15+$0x10] =	vst v1  }
0x103: {  	v1 =	vld [tilespmem:s18+$0x10];
	[tilespmem:s15+$0x30] =	vst v6  }
0x104: {  	v10 =	vld [tilespmem:s18+$0xC0];
	v9 =	vmul.f32 $8.000000000e+00, v9;
	[tilespmem:s15+$0xB0] =	vst v2  }
0x105: {  	v2 =	vld [tilespmem:s18+$0x0];
	[tilespmem:s15+$0x70] =	vst v4  }
0x106: {  	v12 =	vld [tilespmem:s18+$0xB0];
	v3 =	vmul.f32 $8.000000000e+00, v3;
	[tilespmem:s15+$0x60] =	vst v5;
	s15 =	smov.u32 s18  }
0x107: {  	v13 =	vld [tilespmem:s18+$0x50];
	[tilespmem:s18+$0xA0] =	vst v7  }
.Ltmp4:
0x108: {  	v4 =	vmul.f32 $8.000000000e+00, v8;
	[tilespmem:s18+$0xD0] =	vst v3;
	v6 =	vld [tilespmem:s18+$0xF0];
	(pc) =	sbr.rel @p1 .LBB2_11-.Ltmp4, $4  }
0x109: {  	v3 =	vld [tilespmem:s18+$0x80];
	v7 =	vmul.f32 $8.000000000e+00, v10;
	[tilespmem:s18+$0xE0] =	vst v9  }
0x10a: {  	v9 =	vmul.f32 $8.000000000e+00, v11;
	[tilespmem:s18+$0x40] =	vst v4;
	v4 =	vld [tilespmem:s18+$0x70]  }
0x10b: {  	v1 =	vmul.f32 $8.000000000e+00, v1;
	v8 =	vmul.f32 $8.000000000e+00, v2;
	v5 =	vld [tilespmem:s18+$0x60];
	[tilespmem:s18+$0xC0] =	vst v7  }
0x10c: {  	v2 =	vmul.f32 $8.000000000e+00, v12;
	s18 =	sadd.s32 $0x100, s18;
	[tilespmem:s15+$0x20] =	vst v9;
	v7 =	vld [tilespmem:s15+$0x30];
	v9 =	vmul.f32 $8.000000000e+00, v13  }
0x10d: {  	[tilespmem:s15+$0x0] =	vst v8  }
0x10e: {  	[tilespmem:s15+$0x10] =	vst v1  }
0x10f: {  	v6 =	vmul.f32 $8.000000000e+00, v6;
	[tilespmem:s15+$0x50] =	vst v9  }
0x110: {  	v0 =	vmul.f32 $8.000000000e+00, v0;
	[tilespmem:s15+$0xB0] =	vst v2  }
0x111: {  	v3 =	vmul.f32 $8.000000000e+00, v3;
	[tilespmem:s15+$0xF0] =	vst v6  }
0x112: {  	[tilespmem:s15+$0x90] =	vst v0;
	v0 =	vmul.f32 $8.000000000e+00, v4  }
0x113: {  	s16 =	sadd.s32 s6, s10;
	[tilespmem:s15+$0x80] =	vst v3;
	v1 =	vmul.f32 $8.000000000e+00, v5  }
0x114: {  	s16 =	sshll.u32 s16, $0xB;
	v3 =	vmul.f32 $8.000000000e+00, v7;
	[tilespmem:s15+$0x70] =	vst v0  }
0x115: {  	s16 =	sand.u32 $0x1FFFE000, s16;
	[tilespmem:s15+$0x60] =	vst v1  }
0x116: {  	s18 =	sadd.s32 s2, s16;
	[tilespmem:s15+$0x30] =	vst v3;
	s15 =	simm.s32 @!p0 $0xC  }
0x117: {  	[hbm4b:s18+s28] =	stream.strided.scatter [tilespmem:s22], [sflag:$0xD], $0x2000, s14, s28, $0x38;
	[tilespmem:$0x16400] =	vst v63  }
0x118: {  	_ =	swait.ge @!p0 [sflag:s15], $0x2000  }
0x119: {  	s16 =	simm.s32 @!p0 $0x80;
	[sflag:s15] =	ssyncset.done @!p0 $0x0  }
0x11a: {  	s18 =	simm.s32 @!p0 $0xC400;
	[sflag:s15] =	ssyncadd.s32 @!p0 $0xFFFFE000;
	s15 =	sadd.s32 @!p0 $0x580, s12  }
0x11b: {  	[tilespmem:s18], [sflag:$0x4] =	stream.indirect.gather @!p0 [hbm4b:s5+s16], $0x40, s15, s16, $0xb8;
	[tilespmem:$0x16400] =	vst v63  }
0x11c: {  	_ =	swait.ge [sflag:s17], $0x2000  }
0x11d: {  	[sflag:s17] =	ssyncset.done $0x0  }
0x11e: {  	s15 =	simm.s32 $0x10400;
	[sflag:s17] =	ssyncadd.s32 $0xFFFFE000  }
0x11f: {  	v1 =	vld [tilespmem:s15+$0xA0]  }
0x120: {  	v2 =	vld [tilespmem:s15+$0x40]  }
0x121: {  	v3 =	vld [tilespmem:s15+$0xE0]  }
0x122: {  	v4 =	vld [tilespmem:s15+$0xD0]  }
0x123: {  	v5 =	vld [tilespmem:s15+$0x20]  }
0x124: {  	v0 =	vld [tilespmem:s15+$0x90]  }
0x125: {  	v8 =	vld [tilespmem:s15+$0xC0]  }
0x126: {  	v7 =	vld [tilespmem:s15+$0x10]  }
0x127: {  	v9 =	vld [tilespmem:s15+$0x0];
	v1 =	vmul.f32 $8.000000000e+00, v1  }
0x128: {  	v11 =	vld [tilespmem:s15+$0x50];
	v4 =	vmul.f32 $8.000000000e+00, v4  }
0x129: {  	v10 =	vld [tilespmem:s15+$0xB0];
	v12 =	vmul.f32 $8.000000000e+00, v5;
	[tilespmem:s15+$0xA0] =	vst v1  }
0x12a: {  	v6 =	vld [tilespmem:s15+$0xF0];
	v13 =	vmul.f32 $8.000000000e+00, v8;
	[tilespmem:s15+$0xD0] =	vst v4  }
0x12b: {  	v1 =	vmul.f32 $8.000000000e+00, v2;
	v2 =	vmul.f32 $8.000000000e+00, v3;
	v3 =	vld [tilespmem:s15+$0x80];
	[tilespmem:s15+$0x20] =	vst v12  }
0x12c: {  	v4 =	vld [tilespmem:s15+$0x70];
	[tilespmem:s15+$0xC0] =	vst v13  }
0x12d: {  	v8 =	vmul.f32 $8.000000000e+00, v9;
	v5 =	vld [tilespmem:s15+$0x60];
	v9 =	vmul.f32 $8.000000000e+00, v11;
	[tilespmem:s15+$0x40] =	vst v1  }
0x12e: {  	s16 =	simm.s32 $0x0;
	s18 =	simm.s32 $0x10500;
	[tilespmem:s15+$0xE0] =	vst v2;
	v1 =	vmul.f32 $8.000000000e+00, v7;
	v7 =	vld [tilespmem:s15+$0x30];
	v2 =	vmul.f32 $8.000000000e+00, v10  }
.LBB2_13:
0x12f: {  	v10 =	vld [tilespmem:s18+$0xA0];
	s16 =	sadd.s32 $0x4, s16;
	[tilespmem:s15+$0x0] =	vst v8;
	v0 =	vmul.f32 $8.000000000e+00, v0;
	v6 =	vmul.f32 $8.000000000e+00, v6  }
0x130: {  	v8 =	vld [tilespmem:s18+$0x40];
	p1 =	slt.u32 s16, $0x7C;
	[tilespmem:s15+$0x50] =	vst v9;
	v3 =	vmul.f32 $8.000000000e+00, v3  }
0x131: {  	v9 =	vld [tilespmem:s18+$0xE0];
	v4 =	vmul.f32 $8.000000000e+00, v4;
	[tilespmem:s15+$0xF0] =	vst v6  }
0x132: {  	v11 =	vld [tilespmem:s18+$0x20];
	v5 =	vmul.f32 $8.000000000e+00, v5;
	[tilespmem:s15+$0x80] =	vst v3  }
0x133: {  	v3 =	vld [tilespmem:s18+$0xD0];
	v6 =	vmul.f32 $8.000000000e+00, v7;
	[tilespmem:s15+$0x90] =	vst v0  }
0x134: {  	v0 =	vld [tilespmem:s18+$0x90];
	v7 =	vmul.f32 $8.000000000e+00, v10;
	[tilespmem:s15+$0x10] =	vst v1  }
0x135: {  	v1 =	vld [tilespmem:s18+$0x10];
	[tilespmem:s15+$0x30] =	vst v6  }
0x136: {  	v10 =	vld [tilespmem:s18+$0xC0];
	v9 =	vmul.f32 $8.000000000e+00, v9;
	[tilespmem:s15+$0xB0] =	vst v2  }
0x137: {  	v2 =	vld [tilespmem:s18+$0x0];
	[tilespmem:s15+$0x70] =	vst v4  }
0x138: {  	v12 =	vld [tilespmem:s18+$0xB0];
	v3 =	vmul.f32 $8.000000000e+00, v3;
	[tilespmem:s15+$0x60] =	vst v5;
	s15 =	smov.u32 s18  }
0x139: {  	v13 =	vld [tilespmem:s18+$0x50];
	[tilespmem:s18+$0xA0] =	vst v7  }
.Ltmp5:
0x13a: {  	v4 =	vmul.f32 $8.000000000e+00, v8;
	[tilespmem:s18+$0xD0] =	vst v3;
	v6 =	vld [tilespmem:s18+$0xF0];
	(pc) =	sbr.rel @p1 .LBB2_13-.Ltmp5, $4  }
0x13b: {  	v3 =	vld [tilespmem:s18+$0x80];
	v7 =	vmul.f32 $8.000000000e+00, v10;
	[tilespmem:s18+$0xE0] =	vst v9  }
0x13c: {  	v9 =	vmul.f32 $8.000000000e+00, v11;
	[tilespmem:s18+$0x40] =	vst v4;
	v4 =	vld [tilespmem:s18+$0x70]  }
0x13d: {  	v1 =	vmul.f32 $8.000000000e+00, v1;
	v8 =	vmul.f32 $8.000000000e+00, v2;
	v5 =	vld [tilespmem:s18+$0x60];
	[tilespmem:s18+$0xC0] =	vst v7  }
0x13e: {  	v2 =	vmul.f32 $8.000000000e+00, v12;
	s18 =	sadd.s32 $0x100, s18;
	[tilespmem:s15+$0x20] =	vst v9;
	v7 =	vld [tilespmem:s15+$0x30];
	v9 =	vmul.f32 $8.000000000e+00, v13  }
0x13f: {  	[tilespmem:s15+$0x0] =	vst v8  }
0x140: {  	[tilespmem:s15+$0x10] =	vst v1  }
0x141: {  	v6 =	vmul.f32 $8.000000000e+00, v6;
	[tilespmem:s15+$0x50] =	vst v9  }
0x142: {  	v0 =	vmul.f32 $8.000000000e+00, v0;
	[tilespmem:s15+$0xB0] =	vst v2  }
0x143: {  	v3 =	vmul.f32 $8.000000000e+00, v3;
	[tilespmem:s15+$0xF0] =	vst v6  }
0x144: {  	[tilespmem:s15+$0x90] =	vst v0;
	v0 =	vmul.f32 $8.000000000e+00, v4  }
0x145: {  	s6 =	sadd.s32 s6, s11;
	[tilespmem:s15+$0x80] =	vst v3;
	v1 =	vmul.f32 $8.000000000e+00, v5  }
0x146: {  	s6 =	sshll.u32 s6, $0xB;
	v3 =	vmul.f32 $8.000000000e+00, v7;
	[tilespmem:s15+$0x70] =	vst v0  }
0x147: {  	s6 =	sand.u32 $0x1FFFE800, s6;
	[tilespmem:s15+$0x60] =	vst v1  }
0x148: {  	s6 =	sadd.s32 s2, s6;
	[tilespmem:s15+$0x30] =	vst v3  }
0x149: {  	[hbm4b:s6+s28] =	stream.strided.scatter [tilespmem:s24], [sflag:$0xE], $0x2000, s14, s28, $0x38;
	[tilespmem:$0x16400] =	vst v63  }
0x14a: {  	s6 =	simm.s32 @!p0 $0xD  }
0x14b: {  	_ =	swait.ge @!p0 [sflag:s6], $0x2000  }
0x14c: {  	s16 =	simm.s32 @!p0 $0xE400;
	[sflag:s6] =	ssyncset.done @!p0 $0x0  }
0x14d: {  	s15 =	simm.s32 @!p0 $0x80;
	[sflag:s6] =	ssyncadd.s32 @!p0 $0xFFFFE000;
	s6 =	sadd.s32 @!p0 $0x600, s12  }
0x14e: {  	[tilespmem:s16], [sflag:$0x5] =	stream.indirect.gather @!p0 [hbm4b:s5+s15], $0x40, s6, s15, $0xb8;
	[tilespmem:$0x16400] =	vst v63  }
0x14f: {  	_ =	swait.ge [sflag:s19], $0x2000  }
0x150: {  	[sflag:s19] =	ssyncset.done $0x0  }
0x151: {  	s6 =	simm.s32 $0x12400;
	[sflag:s19] =	ssyncadd.s32 $0xFFFFE000  }
0x152: {  	v1 =	vld [tilespmem:s6+$0xA0]  }
0x153: {  	v2 =	vld [tilespmem:s6+$0x40]  }
0x154: {  	v3 =	vld [tilespmem:s6+$0xE0]  }
0x155: {  	v4 =	vld [tilespmem:s6+$0xD0]  }
0x156: {  	v5 =	vld [tilespmem:s6+$0x20]  }
0x157: {  	v0 =	vld [tilespmem:s6+$0x90]  }
0x158: {  	v8 =	vld [tilespmem:s6+$0xC0]  }
0x159: {  	v7 =	vld [tilespmem:s6+$0x10]  }
0x15a: {  	v9 =	vld [tilespmem:s6+$0x0];
	v1 =	vmul.f32 $8.000000000e+00, v1  }
0x15b: {  	v11 =	vld [tilespmem:s6+$0x50];
	v4 =	vmul.f32 $8.000000000e+00, v4  }
0x15c: {  	v10 =	vld [tilespmem:s6+$0xB0];
	v12 =	vmul.f32 $8.000000000e+00, v5;
	[tilespmem:s6+$0xA0] =	vst v1  }
0x15d: {  	v6 =	vld [tilespmem:s6+$0xF0];
	v13 =	vmul.f32 $8.000000000e+00, v8;
	[tilespmem:s6+$0xD0] =	vst v4  }
0x15e: {  	v1 =	vmul.f32 $8.000000000e+00, v2;
	v2 =	vmul.f32 $8.000000000e+00, v3;
	v3 =	vld [tilespmem:s6+$0x80];
	[tilespmem:s6+$0x20] =	vst v12  }
0x15f: {  	v4 =	vld [tilespmem:s6+$0x70];
	[tilespmem:s6+$0xC0] =	vst v13  }
0x160: {  	v8 =	vmul.f32 $8.000000000e+00, v9;
	v5 =	vld [tilespmem:s6+$0x60];
	v9 =	vmul.f32 $8.000000000e+00, v11;
	[tilespmem:s6+$0x40] =	vst v1  }
0x161: {  	s15 =	simm.s32 $0x0;
	s16 =	simm.s32 $0x12500;
	[tilespmem:s6+$0xE0] =	vst v2;
	v1 =	vmul.f32 $8.000000000e+00, v7;
	v7 =	vld [tilespmem:s6+$0x30];
	v2 =	vmul.f32 $8.000000000e+00, v10  }
.LBB2_15:
0x162: {  	v10 =	vld [tilespmem:s16+$0xA0];
	s15 =	sadd.s32 $0x4, s15;
	[tilespmem:s6+$0x0] =	vst v8;
	v0 =	vmul.f32 $8.000000000e+00, v0;
	v6 =	vmul.f32 $8.000000000e+00, v6  }
0x163: {  	v8 =	vld [tilespmem:s16+$0x40];
	p1 =	slt.u32 s15, $0x7C;
	[tilespmem:s6+$0x50] =	vst v9;
	v3 =	vmul.f32 $8.000000000e+00, v3  }
0x164: {  	v9 =	vld [tilespmem:s16+$0xE0];
	v4 =	vmul.f32 $8.000000000e+00, v4;
	[tilespmem:s6+$0xF0] =	vst v6  }
0x165: {  	v11 =	vld [tilespmem:s16+$0x20];
	v5 =	vmul.f32 $8.000000000e+00, v5;
	[tilespmem:s6+$0x80] =	vst v3  }
0x166: {  	v3 =	vld [tilespmem:s16+$0xD0];
	v6 =	vmul.f32 $8.000000000e+00, v7;
	[tilespmem:s6+$0x90] =	vst v0  }
0x167: {  	v0 =	vld [tilespmem:s16+$0x90];
	v7 =	vmul.f32 $8.000000000e+00, v10;
	[tilespmem:s6+$0x10] =	vst v1  }
0x168: {  	v1 =	vld [tilespmem:s16+$0x10];
	[tilespmem:s6+$0x30] =	vst v6  }
0x169: {  	v10 =	vld [tilespmem:s16+$0xC0];
	v9 =	vmul.f32 $8.000000000e+00, v9;
	[tilespmem:s6+$0xB0] =	vst v2  }
0x16a: {  	v2 =	vld [tilespmem:s16+$0x0];
	[tilespmem:s6+$0x70] =	vst v4  }
0x16b: {  	v12 =	vld [tilespmem:s16+$0xB0];
	v3 =	vmul.f32 $8.000000000e+00, v3;
	[tilespmem:s6+$0x60] =	vst v5;
	s6 =	smov.u32 s16  }
0x16c: {  	v13 =	vld [tilespmem:s16+$0x50];
	[tilespmem:s16+$0xA0] =	vst v7  }
.Ltmp6:
0x16d: {  	v4 =	vmul.f32 $8.000000000e+00, v8;
	[tilespmem:s16+$0xD0] =	vst v3;
	v6 =	vld [tilespmem:s16+$0xF0];
	(pc) =	sbr.rel @p1 .LBB2_15-.Ltmp6, $4  }
0x16e: {  	v3 =	vld [tilespmem:s16+$0x80];
	v7 =	vmul.f32 $8.000000000e+00, v10;
	[tilespmem:s16+$0xE0] =	vst v9  }
0x16f: {  	v9 =	vmul.f32 $8.000000000e+00, v11;
	[tilespmem:s16+$0x40] =	vst v4;
	v4 =	vld [tilespmem:s16+$0x70]  }
0x170: {  	v1 =	vmul.f32 $8.000000000e+00, v1;
	v8 =	vmul.f32 $8.000000000e+00, v2;
	v5 =	vld [tilespmem:s16+$0x60];
	[tilespmem:s16+$0xC0] =	vst v7  }
0x171: {  	v2 =	vmul.f32 $8.000000000e+00, v12;
	s16 =	sadd.s32 $0x100, s16;
	[tilespmem:s6+$0x20] =	vst v9;
	v7 =	vld [tilespmem:s6+$0x30];
	v9 =	vmul.f32 $8.000000000e+00, v13  }
0x172: {  	[tilespmem:s6+$0x0] =	vst v8  }
0x173: {  	[tilespmem:s6+$0x10] =	vst v1  }
0x174: {  	v6 =	vmul.f32 $8.000000000e+00, v6;
	[tilespmem:s6+$0x50] =	vst v9  }
0x175: {  	v0 =	vmul.f32 $8.000000000e+00, v0;
	[tilespmem:s6+$0xB0] =	vst v2  }
0x176: {  	v3 =	vmul.f32 $8.000000000e+00, v3;
	[tilespmem:s6+$0xF0] =	vst v6  }
0x177: {  	[tilespmem:s6+$0x90] =	vst v0;
	v0 =	vmul.f32 $8.000000000e+00, v4  }
0x178: {  	s3 =	sadd.s32 s4, s3;
	[tilespmem:s6+$0x80] =	vst v3;
	v1 =	vmul.f32 $8.000000000e+00, v5  }
0x179: {  	s3 =	sshll.u32 s3, $0xB;
	v3 =	vmul.f32 $8.000000000e+00, v7;
	[tilespmem:s6+$0x70] =	vst v0  }
0x17a: {  	s3 =	sand.u32 $0x1FFFF000, s3;
	[tilespmem:s6+$0x60] =	vst v1  }
0x17b: {  	s3 =	sadd.s32 s2, s3;
	[tilespmem:s6+$0x30] =	vst v3  }
0x17c: {  	[hbm4b:s3+s28] =	stream.strided.scatter [tilespmem:s25], [sflag:$0xF], $0x2000, s14, s28, $0x38;
	[tilespmem:$0x16400] =	vst v63  }
0x17d: {  	s3 =	simm.s32 @!p0 $0xE  }
0x17e: {  	_ =	swait.ge @!p0 [sflag:s3], $0x2000  }
0x17f: {  	s6 =	simm.s32 @!p0 $0x80;
	[sflag:s3] =	ssyncset.done @!p0 $0x0  }
0x180: {  	[sflag:s3] =	ssyncadd.s32 @!p0 $0xFFFFE000;
	s3 =	sadd.s32 @!p0 $0x680, s12;
	s12 =	simm.s32 @!p0 $0x10400  }
0x181: {  	[tilespmem:s12], [sflag:$0x6] =	stream.indirect.gather @!p0 [hbm4b:s5+s6], $0x40, s3, s6, $0xb8;
	[tilespmem:$0x16400] =	vst v63  }
0x182: {  	_ =	swait.ge [sflag:s21], $0x2000  }
0x183: {  	[sflag:s21] =	ssyncset.done $0x0  }
0x184: {  	s3 =	simm.s32 $0x14400;
	[sflag:s21] =	ssyncadd.s32 $0xFFFFE000  }
0x185: {  	v1 =	vld [tilespmem:s3+$0xA0]  }
0x186: {  	v2 =	vld [tilespmem:s3+$0x40]  }
0x187: {  	v3 =	vld [tilespmem:s3+$0xE0]  }
0x188: {  	v4 =	vld [tilespmem:s3+$0xD0]  }
0x189: {  	v5 =	vld [tilespmem:s3+$0x20]  }
0x18a: {  	v0 =	vld [tilespmem:s3+$0x90]  }
0x18b: {  	v8 =	vld [tilespmem:s3+$0xC0]  }
0x18c: {  	v7 =	vld [tilespmem:s3+$0x10]  }
0x18d: {  	v9 =	vld [tilespmem:s3+$0x0];
	v1 =	vmul.f32 $8.000000000e+00, v1  }
0x18e: {  	v11 =	vld [tilespmem:s3+$0x50];
	v4 =	vmul.f32 $8.000000000e+00, v4  }
0x18f: {  	v10 =	vld [tilespmem:s3+$0xB0];
	v12 =	vmul.f32 $8.000000000e+00, v5;
	[tilespmem:s3+$0xA0] =	vst v1  }
0x190: {  	v6 =	vld [tilespmem:s3+$0xF0];
	v13 =	vmul.f32 $8.000000000e+00, v8;
	[tilespmem:s3+$0xD0] =	vst v4  }
0x191: {  	v1 =	vmul.f32 $8.000000000e+00, v2;
	v2 =	vmul.f32 $8.000000000e+00, v3;
	v3 =	vld [tilespmem:s3+$0x80];
	[tilespmem:s3+$0x20] =	vst v12  }
0x192: {  	v4 =	vld [tilespmem:s3+$0x70];
	[tilespmem:s3+$0xC0] =	vst v13  }
0x193: {  	v8 =	vmul.f32 $8.000000000e+00, v9;
	v5 =	vld [tilespmem:s3+$0x60];
	v9 =	vmul.f32 $8.000000000e+00, v11;
	[tilespmem:s3+$0x40] =	vst v1  }
0x194: {  	s6 =	simm.s32 $0x0;
	s12 =	simm.s32 $0x14500;
	[tilespmem:s3+$0xE0] =	vst v2;
	v1 =	vmul.f32 $8.000000000e+00, v7;
	v7 =	vld [tilespmem:s3+$0x30];
	v2 =	vmul.f32 $8.000000000e+00, v10  }
.LBB2_17:
0x195: {  	v10 =	vld [tilespmem:s12+$0xA0];
	s6 =	sadd.s32 $0x4, s6;
	[tilespmem:s3+$0x0] =	vst v8;
	v0 =	vmul.f32 $8.000000000e+00, v0;
	v6 =	vmul.f32 $8.000000000e+00, v6  }
0x196: {  	v8 =	vld [tilespmem:s12+$0x40];
	p0 =	slt.u32 s6, $0x7C;
	[tilespmem:s3+$0x50] =	vst v9;
	v3 =	vmul.f32 $8.000000000e+00, v3  }
0x197: {  	v9 =	vld [tilespmem:s12+$0xE0];
	v4 =	vmul.f32 $8.000000000e+00, v4;
	[tilespmem:s3+$0xF0] =	vst v6  }
0x198: {  	v11 =	vld [tilespmem:s12+$0x20];
	v5 =	vmul.f32 $8.000000000e+00, v5;
	[tilespmem:s3+$0x80] =	vst v3  }
0x199: {  	v3 =	vld [tilespmem:s12+$0xD0];
	v6 =	vmul.f32 $8.000000000e+00, v7;
	[tilespmem:s3+$0x90] =	vst v0  }
0x19a: {  	v0 =	vld [tilespmem:s12+$0x90];
	v7 =	vmul.f32 $8.000000000e+00, v10;
	[tilespmem:s3+$0x10] =	vst v1  }
0x19b: {  	v1 =	vld [tilespmem:s12+$0x10];
	[tilespmem:s3+$0x30] =	vst v6  }
0x19c: {  	v10 =	vld [tilespmem:s12+$0xC0];
	v9 =	vmul.f32 $8.000000000e+00, v9;
	[tilespmem:s3+$0xB0] =	vst v2  }
0x19d: {  	v2 =	vld [tilespmem:s12+$0x0];
	[tilespmem:s3+$0x70] =	vst v4  }
0x19e: {  	v12 =	vld [tilespmem:s12+$0xB0];
	v3 =	vmul.f32 $8.000000000e+00, v3;
	[tilespmem:s3+$0x60] =	vst v5;
	s3 =	smov.u32 s12  }
0x19f: {  	v13 =	vld [tilespmem:s12+$0x50];
	[tilespmem:s12+$0xA0] =	vst v7  }
.Ltmp7:
0x1a0: {  	v4 =	vmul.f32 $8.000000000e+00, v8;
	[tilespmem:s12+$0xD0] =	vst v3;
	v6 =	vld [tilespmem:s12+$0xF0];
	(pc) =	sbr.rel @p0 .LBB2_17-.Ltmp7, $4  }
0x1a1: {  	v3 =	vld [tilespmem:s12+$0x80];
	v7 =	vmul.f32 $8.000000000e+00, v10;
	[tilespmem:s12+$0xE0] =	vst v9  }
0x1a2: {  	v9 =	vmul.f32 $8.000000000e+00, v11;
	[tilespmem:s12+$0x40] =	vst v4;
	v4 =	vld [tilespmem:s12+$0x70]  }
0x1a3: {  	v1 =	vmul.f32 $8.000000000e+00, v1;
	v8 =	vmul.f32 $8.000000000e+00, v2;
	v5 =	vld [tilespmem:s12+$0x60];
	[tilespmem:s12+$0xC0] =	vst v7  }
0x1a4: {  	v2 =	vmul.f32 $8.000000000e+00, v12;
	s12 =	sadd.s32 $0x100, s12;
	[tilespmem:s3+$0x20] =	vst v9;
	v7 =	vld [tilespmem:s3+$0x30];
	v9 =	vmul.f32 $8.000000000e+00, v13  }
0x1a5: {  	[tilespmem:s3+$0x0] =	vst v8  }
0x1a6: {  	[tilespmem:s3+$0x10] =	vst v1  }
0x1a7: {  	v6 =	vmul.f32 $8.000000000e+00, v6;
	[tilespmem:s3+$0x50] =	vst v9  }
0x1a8: {  	v0 =	vmul.f32 $8.000000000e+00, v0;
	[tilespmem:s3+$0xB0] =	vst v2  }
0x1a9: {  	s13 =	sadd.s32 $0x1, s13;
	v3 =	vmul.f32 $8.000000000e+00, v3;
	[tilespmem:s3+$0xF0] =	vst v6  }
0x1aa: {  	p0 =	sne.s32 s13, $0x19;
	[tilespmem:s3+$0x90] =	vst v0;
	v62 =	vmul.f32 $8.000000000e+00, v4  }
.Ltmp8:
0x1ab: {  	s6 =	sadd.s32 s4, s23;
	[tilespmem:s3+$0x80] =	vst v3;
	v63 =	vmul.f32 $8.000000000e+00, v5;
	(pc) =	sbr.rel @p0 .LBB2_2-.Ltmp8, $4  }
0x1ac: {  	s6 =	sshll.u32 s6, $0xB;
	v61 =	vmul.f32 $8.000000000e+00, v7;
	[tilespmem:s3+$0x70] =	vst v62  }
0x1ad: {  	s6 =	sand.u32 $0x1FFFF800, s6;
	[tilespmem:s3+$0x60] =	vst v63  }
0x1ae: {  	s23 =	sadd.s32 s2, s6;
	[tilespmem:s3+$0x30] =	vst v61  }
0x1af: {  	[hbm4b:s23+s28] =	stream.strided.scatter [tilespmem:s29], [sflag:$0x10], $0x2000, s14, s28, $0x38;
	[tilespmem:$0x16400] =	vst v63  }
0x1b0: {  	s3 =	simm.s32 $0x9  }
0x1b1: {  	_ =	swait.ge [sflag:s3], $0x2000  }
0x1b2: {  	[sflag:s3] =	ssyncset.done $0x0  }
0x1b3: {  	s6 =	simm.s32 $0xA;
	[sflag:s3] =	ssyncadd.s32 $0xFFFFE000  }
0x1b4: {  	_ =	swait.ge [sflag:s6], $0x2000  }
0x1b5: {  	[sflag:s6] =	ssyncset.done $0x0  }
0x1b6: {  	s12 =	simm.s32 $0xB;
	[sflag:s6] =	ssyncadd.s32 $0xFFFFE000  }
0x1b7: {  	_ =	swait.ge [sflag:s12], $0x2000  }
0x1b8: {  	[sflag:s12] =	ssyncset.done $0x0  }
0x1b9: {  	s13 =	simm.s32 $0xC;
	[sflag:s12] =	ssyncadd.s32 $0xFFFFE000  }
0x1ba: {  	_ =	swait.ge [sflag:s13], $0x2000  }
0x1bb: {  	[sflag:s13] =	ssyncset.done $0x0  }
0x1bc: {  	s15 =	simm.s32 $0xD;
	[sflag:s13] =	ssyncadd.s32 $0xFFFFE000  }
0x1bd: {  	_ =	swait.ge [sflag:s15], $0x2000  }
0x1be: {  	[sflag:s15] =	ssyncset.done $0x0  }
0x1bf: {  	s16 =	simm.s32 $0xE;
	[sflag:s15] =	ssyncadd.s32 $0xFFFFE000  }
0x1c0: {  	_ =	swait.ge [sflag:s16], $0x2000  }
0x1c1: {  	[sflag:s16] =	ssyncset.done $0x0  }
0x1c2: {  	s18 =	simm.s32 $0xF;
	[sflag:s16] =	ssyncadd.s32 $0xFFFFE000  }
0x1c3: {  	_ =	swait.ge [sflag:s18], $0x2000  }
0x1c4: {  	[sflag:s18] =	ssyncset.done $0x0  }
0x1c5: {  	s6 =	simm.s32 $0x10;
	[sflag:s18] =	ssyncadd.s32 $0xFFFFE000  }
0x1c6: {  	_ =	swait.ge [sflag:s6], $0x2000  }
0x1c7: {  	s12 =	rddreg [dreg:$0x6]  }
0x1c8: {  	s23 =	rddreg [dreg:$0x5];
	s12 =	sadd.s32 $0x1, s12  }
0x1c9: {  	p0 =	sne.s32 s12, s23  }
.Ltmp9:
0x1ca: {  	_ = 	snop;
	(pc) =	sbr.rel @p0 .LBB2_1-.Ltmp9, $3  }
0x1cb: {  	_ =	sdelay $0x1  }
0x1cc: {  	[sflag:s6] =	ssyncset.done $0x0  }
0x1cd: {  	[sflag:s6] =	ssyncadd.s32 $0xFFFFE000  }
0x1ce: {  	_ =	sfence.sel $0x180000  }
0x1cf: {  	[bflag:$0x0] =	sbarrier.arrive $0xFFFF  }
0x1d0: {  	_ =	strace $0x90000047  }
0x1d1: {  	s0 =	stileid.u32;
	[bflag:$0x2] =	sbarrier.arrive $0xFFFF  }
0x1d2: {  	p0 =	sne.s32 s0, $0x0;
	s0 =	rddreg [dreg:$0x3]  }
0x1d3: {  	s0 =	sadd.s32 @!p0 $0x100000, s0  }
0x1d4: {  	[sflag:s0] =	ssyncadd.tile.s32 @!p0 $0x1;
	_ =	shalt  }
.Lfunc_end2:
_tile_overlayer_lowered:
.L_overlay_start_2:
0x1d5: {  	(tag) =	ssettag $0x2  }
0x1d6: {  	s0 =	rddreg [dreg:$0x0];
	s2 =	stileid.u32  }
0x1d7: {  	s1 =	rddreg [dreg:$0x1];
	p0 =	sne.s32 s2, $0x0  }
0x1d8: {  	s3 =	rddreg [dreg:$0x2];
	[bflag:$0x3] =	sbarrier.arrive $0xFFFF;
	s2 =	simm.s32 @!p0 $0x1C11  }
0x1d9: {  	[timem:s3], [sflag:s2] =	dma.local @!p0 [hbm:s0], s1  }
0x1da: {  	s0 =	simm.s32 @!p0 $0x11  }
0x1db: {  	_ =	swait.ge @!p0 [sflag:s0], s1  }
0x1dc: {  	s1 =	ssub.s32 @!p0 $0x0, s1;
	[sflag:s0] =	ssyncset.done @!p0 $0x0  }
0x1dd: {  	[sflag:s0] =	ssyncadd.s32 @!p0 s1  }
0x1de: {  	[bflag:$0x3] =	sbarrier.arrive $0xFFFF  }
0x1df: {  	_ =	shalt  }

</sc_bundles>
